<compile_context>
chip_gen: v7x
topology: tpu7x:2x2x1
jax: 0.10.2.dev20260603
libtpu: 0.0.44.dev20260713+nightly
codegen_flags: <defaults>
</compile_context>

<pallas_src>
import functools

import jax
import jax.numpy as jnp
from jax import lax
from jax.experimental import pallas as pl
from jax.experimental.pallas import tpu as pltpu
from jax.experimental.pallas import tpu_sc as plsc

_DIM = 64
_K = 1024
_COMMIT_W = 0.25

_RA = 1024
_RB = 1024


def _conv_pool_kernel(p_ref, w_ref, b_ref, y_ref, acc_ref):
    bias = b_ref[0:1, :]
    y = None
    for q in range(4):
        yq = jnp.dot(p_ref[q], w_ref[:, :], preferred_element_type=jnp.float32)
        yq = yq + bias
        y = yq if y is None else jnp.maximum(y, yq)
    y_ref[:, :] = y

    @pl.when(pl.program_id(0) == 0)
    def _():
        acc_ref[:, :] = jnp.zeros_like(acc_ref)

    acc_ref[0:1, :] += jnp.sum(y, axis=0, keepdims=True)
    acc_ref[1:2, :] += jnp.sum(y * y, axis=0, keepdims=True)


def _vq_kernel(y_ref, p_ref, cbt_ref, idx_ref, dmin_ref):
    y = y_ref[:, :]
    mean = p_ref[0:1, :]
    sv = p_ref[1:2, :]
    gw = p_ref[2:3, :]
    gb = p_ref[3:4, :]
    z = (y - mean) / sv * gw + gb
    g = 0.5 * z * (1.0 + lax.erf(z * (1.0 / jnp.sqrt(2.0).astype(jnp.float32))))
    cbt = cbt_ref[:, :]
    fc = jnp.dot(g, cbt, preferred_element_type=jnp.float32)
    cn = jnp.sum(cbt * cbt, axis=0, keepdims=True)
    fn = jnp.sum(g * g, axis=1, keepdims=True)
    d = fn - 2.0 * fc + cn
    dmin = jnp.min(d, axis=1, keepdims=True)
    ii = lax.broadcasted_iota(jnp.int32, d.shape, 1)
    imin = jnp.min(jnp.where(d == dmin, ii, _K), axis=1, keepdims=True)
    idx_ref[:, :] = imin
    dmin_ref[:, :] = dmin


def _make_sc_gather(n_rows):
    nw = 32
    bpw = n_rows // nw
    gpw = bpw // 16
    cg = 28
    chw = cg * 16 * _DIM
    bounds = (28, 56, 84, 98)
    mesh = plsc.VectorSubcoreMesh(core_axis_name="c", subcore_axis_name="s")

    @functools.partial(
        pl.kernel,
        mesh=mesh,
        compiler_params=pltpu.CompilerParams(
            use_tc_tiling_on_sc=False, needs_layout_passes=False
        ),
        out_type=jax.ShapeDtypeStruct((n_rows * _DIM,), jnp.float32),
        scratch_types=[
            pltpu.VMEM((_K * _DIM,), jnp.float32),
            pltpu.VMEM((bpw,), jnp.int32),
            pltpu.VMEM((2 * chw,), jnp.float32),
            pltpu.SemaphoreType.DMA,
            pltpu.SemaphoreType.DMA,
            pltpu.SemaphoreType.DMA,
            pltpu.SemaphoreType.DMA,
        ],
    )
    def gather(cb_hbm, idx_hbm, out_hbm, cb_v, idx_v, buf, si0, si1, so0, so1):
        wid = lax.axis_index("s") * 2 + lax.axis_index("c")
        base = wid * bpw
        pltpu.sync_copy(cb_hbm, cb_v)
        pltpu.sync_copy(idx_hbm.at[pl.ds(base, bpw)], idx_v)
        iota = lax.broadcasted_iota(jnp.int32, (16,), 0)
        ovec = iota * _DIM

        def marshal(lo, hi, boff):
            def group(g, carry):
                gs = pl.multiple_of(g * 16, 8)
                rows16 = idx_v[pl.ds(gs, 16)]
                pre = rows16 * _DIM
                ob = jnp.broadcast_to(boff + (g - lo) * (16 * _DIM), (16,))
                for c2 in range(_DIM):
                    vals = plsc.load_gather(cb_v, [pre + c2])
                    plsc.store_scatter(buf, [ob + (ovec + c2)], vals)
                return carry

            lax.fori_loop(lo, hi, group, 0)

        def flush(lo, hi, boff):
            nrw = (hi - lo) * 16 * _DIM
            pltpu.sync_copy(
                buf.at[pl.ds(boff, nrw)],
                out_hbm.at[pl.ds(pl.multiple_of((base + lo * 16) * _DIM, 8), nrw)],
            )

        lo = 0
        for ci, hi in enumerate(bounds):
            boff = (ci % 2) * chw
            marshal(lo, hi, boff)
            flush(lo, hi, boff)
            lo = hi

    return gather


def kernel(x, conv_w, conv_b, bn_w, bn_b, codebook):
    B = x.shape[0]
    HW = x.shape[2]
    H = W = HW // 2
    N = B * H * W

    xp = jnp.pad(x, ((0, 0), (0, 0), (1, 1), (1, 1)))
    xp = jnp.transpose(xp, (0, 2, 3, 1))
    pat = jnp.stack(
        [xp[:, dh:dh + HW, dw:dw + HW, :] for dh in range(3) for dw in range(3)],
        axis=-1,
    )
    pat = pat.reshape(B, HW, HW, 27)
    quads = [pat[:, dh::2, dw::2, :].reshape(N, 27)
             for dh in (0, 1) for dw in (0, 1)]
    p4 = jnp.pad(jnp.stack(quads, axis=0), ((0, 0), (0, 0), (0, 5)))
    w32 = jnp.pad(conv_w.reshape(_DIM, 27).T, ((0, 5), (0, 0)))
    b8 = jnp.zeros((8, _DIM), jnp.float32).at[0].set(conv_b)

    y, acc = pl.pallas_call(
        _conv_pool_kernel,
        grid=(N // _RA,),
        in_specs=[
            pl.BlockSpec((4, _RA, 32), lambda i: (0, i, 0)),
            pl.BlockSpec((32, _DIM), lambda i: (0, 0)),
            pl.BlockSpec((8, _DIM), lambda i: (0, 0)),
        ],
        out_specs=[
            pl.BlockSpec((_RA, _DIM), lambda i: (i, 0)),
            pl.BlockSpec((8, _DIM), lambda i: (0, 0)),
        ],
        out_shape=[
            jax.ShapeDtypeStruct((N, _DIM), jnp.float32),
            jax.ShapeDtypeStruct((8, _DIM), jnp.float32),
        ],
    )(p4, w32, b8)

    mean = acc[0] / N
    var = acc[1] / N - mean * mean
    sv = jnp.sqrt(var + 1e-5)
    params = jnp.pad(jnp.stack([mean, sv, bn_w, bn_b], axis=0), ((0, 4), (0, 0)))

    cbt = codebook.T
    idx2, dmin2 = pl.pallas_call(
        _vq_kernel,
        grid=(N // _RB,),
        in_specs=[
            pl.BlockSpec((_RB, _DIM), lambda i: (i, 0)),
            pl.BlockSpec((8, _DIM), lambda i: (0, 0)),
            pl.BlockSpec((_DIM, _K), lambda i: (0, 0)),
        ],
        out_specs=[
            pl.BlockSpec((_RB, 1), lambda i: (i, 0)),
            pl.BlockSpec((_RB, 1), lambda i: (i, 0)),
        ],
        out_shape=[
            jax.ShapeDtypeStruct((N, 1), jnp.int32),
            jax.ShapeDtypeStruct((N, 1), jnp.float32),
        ],
    )(y, params, cbt)

    idx_flat = idx2[:, 0]
    commit_loss = _COMMIT_W * (jnp.sum(dmin2) / (N * _DIM))

    quant = _make_sc_gather(N)(codebook.reshape(_K * _DIM), idx_flat)
    quant = quant.reshape(N, _DIM)

    quant_fmap = jnp.transpose(quant.reshape(B, H, W, _DIM), (0, 3, 1, 2))
    indices = idx_flat.reshape(B, H, W)
    return (quant_fmap, indices, commit_loss)

# --- scband reference (transcript-rebuilt; emitter-appended) ---
"""Pipeline reference for scband-vqvae-87505663688711 (READ-ONLY COPY).

The authoritative reference and input builder live on the scoring server;
editing this copy changes nothing except your own understanding.
"""

import jax, jax.numpy as jnp
import numpy as np
from jax import lax

DIM = 64
K = 1024
COMMIT_W = 0.25

def setup_inputs(seed: int = 0) -> dict:
    key = jax.random.key(seed)
    ks = jax.random.split(key, 4)
    B, HW = 4, 224
    x = jax.random.normal(ks[0], (B, 3, HW, HW), dtype=jnp.float32)
    conv_w = jax.random.normal(ks[1], (DIM, 3, 3, 3), dtype=jnp.float32) * 0.1
    conv_b = jnp.zeros((DIM,), dtype=jnp.float32)
    bn_w = jnp.ones((DIM,), dtype=jnp.float32)
    bn_b = jnp.zeros((DIM,), dtype=jnp.float32)
    codebook = jax.random.normal(ks[2], (K, DIM), dtype=jnp.float32)
    return {"x": x, "conv_w": conv_w, "conv_b": conv_b, "bn_w": bn_w, "bn_b": bn_b, "codebook": codebook}

def _encoder(x, conv_w, conv_b, bn_w, bn_b):
    # Conv2d(3, dim, k=3, s=1, p=1)
    y = lax.conv_general_dilated(x, conv_w, window_strides=(1, 1), padding=((1, 1), (1, 1)),
                                 dimension_numbers=("NCHW", "OIHW", "NCHW"))
    y = y + conv_b[None, :, None, None]
    # MaxPool2d(2, 2)
    y = lax.reduce_window(y, -jnp.inf, lax.max, (1, 1, 2, 2), (1, 1, 2, 2), "VALID")
    # BatchNorm2d (training-mode batch statistics, biased var, eps=1e-5)
    mean = jnp.mean(y, axis=(0, 2, 3), keepdims=True)
    var = jnp.var(y, axis=(0, 2, 3), keepdims=True)
    y = (y - mean) / jnp.sqrt(var + 1e-5)
    y = y * bn_w[None, :, None, None] + bn_b[None, :, None, None]
    # GELU (exact, erf-based as torch default)
    y = jax.nn.gelu(y, approximate=False)
    return y

def reference(x, conv_w, conv_b, bn_w, bn_b, codebook):
    z = _encoder(x, conv_w, conv_b, bn_w, bn_b)
    B, C, H, W = z.shape
    # rearrange 'b c h w -> (b h w) c' (accept_image_fmap=True path)
    flat = jnp.transpose(z, (0, 2, 3, 1)).reshape(B * H * W, C)
    # euclidean distances to codebook; argmin
    d = (jnp.sum(flat ** 2, axis=1, keepdims=True)
         - 2.0 * flat @ codebook.T
         + jnp.sum(codebook ** 2, axis=1)[None, :])
    idx = jnp.argmin(d, axis=1)
    quant = jnp.take(codebook, idx, axis=0)
    # commitment loss: mse(quantize.detach(), x) * commitment_weight
    commit_loss = COMMIT_W * jnp.mean((lax.stop_gradient(quant) - flat) ** 2)
    # straight-through estimator
    quant = flat + lax.stop_gradient(quant - flat)
    quant_fmap = jnp.transpose(quant.reshape(B, H, W, C), (0, 3, 1, 2))
    indices = idx.reshape(B, H, W)
    return (quant_fmap, indices, commit_loss)

if __name__ == "__main__":
    import jax
    _d = setup_inputs()
    print(jax.jit(kernel)(*tuple(_d.values())))

</pallas_src>

<mosaic_0001>
#map = affine_map<(d0, d1) -> (0)>
module attributes {stable_mosaic.version = 14 : i64} {
  func.func @gather(%arg0: i32, %arg1: i32, %arg2: memref<65536xf32, #tpu.memory_space<hbm>>, %arg3: memref<50176xi32, #tpu.memory_space<hbm>>, %arg4: memref<3211264xf32, #tpu.memory_space<hbm>>, %arg5: memref<65536xf32, #tpu.memory_space<vmem>>, %arg6: memref<1568xi32, #tpu.memory_space<vmem>>, %arg7: memref<57344xf32, #tpu.memory_space<vmem>>, %arg8: memref<!tpu.dma_semaphore, #tpu.memory_space<semaphore_mem>>, %arg9: memref<!tpu.dma_semaphore, #tpu.memory_space<semaphore_mem>>, %arg10: memref<!tpu.dma_semaphore, #tpu.memory_space<semaphore_mem>>, %arg11: memref<!tpu.dma_semaphore, #tpu.memory_space<semaphore_mem>>) attributes {dimension_semantics = [#tpu.dimension_semantics<core_parallel>, #tpu.dimension_semantics<subcore_parallel>], iteration_bounds = array<i64: 2, 16>, scalar_prefetch = 0 : i64, scratch_operands = 7 : i64, tpu.core_type = #tpu.core_type<sc_vector_subcore>, window_params = [{transform_indices = #map}, {transform_indices = #map}, {transform_indices = #map}]} {
    %mul3A = arith.constant 2 : i32
    %mul3A_0 = arith.muli %arg1, %mul3A : i32
    %add3A = arith.addi %mul3A_0, %arg0 : i32
    %mul3A_1 = arith.constant 1568 : i32
    %mul3A_2 = arith.muli %add3A, %mul3A_1 : i32
    "tpu.region"() ({
      %run_scoped3A = tpu.sem_alloc : memref<!tpu.dma_semaphore, #tpu.memory_space<semaphore_mem>>
      tpu.enqueue_dma source(%arg2 : memref<65536xf32, #tpu.memory_space<hbm>>) target(%arg5 : memref<65536xf32, #tpu.memory_space<vmem>>) target_semaphore(%run_scoped3A : memref<!tpu.dma_semaphore, #tpu.memory_space<semaphore_mem>>)
      tpu.wait_dma2 semaphore(%run_scoped3A : memref<!tpu.dma_semaphore, #tpu.memory_space<semaphore_mem>>) src(%arg2 : memref<65536xf32, #tpu.memory_space<hbm>>) dst(%arg5 : memref<65536xf32, #tpu.memory_space<vmem>>)
      tpu.yield
    }) : () -> ()
    "tpu.region"() ({
      %run_scoped3A = tpu.sem_alloc : memref<!tpu.dma_semaphore, #tpu.memory_space<semaphore_mem>>
      %dma_start3A = tpu.memref_slice %arg3[%mul3A_2] : memref<50176xi32, #tpu.memory_space<hbm>> -> memref<1568xi32, #tpu.memory_space<hbm>>
      %dma_start3A_48 = tpu.memref_slice %arg3[%mul3A_2] : memref<50176xi32, #tpu.memory_space<hbm>> -> memref<1568xi32, #tpu.memory_space<hbm>>
      tpu.enqueue_dma source(%dma_start3A_48 : memref<1568xi32, #tpu.memory_space<hbm>>) target(%arg6 : memref<1568xi32, #tpu.memory_space<vmem>>) target_semaphore(%run_scoped3A : memref<!tpu.dma_semaphore, #tpu.memory_space<semaphore_mem>>)
      %dma_wait3A = tpu.memref_slice %arg3[%mul3A_2] : memref<50176xi32, #tpu.memory_space<hbm>> -> memref<1568xi32, #tpu.memory_space<hbm>>
      %dma_wait3A_49 = tpu.memref_slice %arg3[%mul3A_2] : memref<50176xi32, #tpu.memory_space<hbm>> -> memref<1568xi32, #tpu.memory_space<hbm>>
      tpu.wait_dma2 semaphore(%run_scoped3A : memref<!tpu.dma_semaphore, #tpu.memory_space<semaphore_mem>>) src(%dma_wait3A_49 : memref<1568xi32, #tpu.memory_space<hbm>>) dst(%arg6 : memref<1568xi32, #tpu.memory_space<vmem>>)
      tpu.yield
    }) : () -> ()
    %iota3A = tpu.iota {dimensions = array<i32: 0>} : vector<16xi32>
    %mul3A_3 = arith.constant 64 : i32
    %mul3A_4 = vector.broadcast %mul3A_3 : i32 to vector<16xi32>
    %mul3A_5 = arith.muli %iota3A, %mul3A_4 : vector<16xi32>
    %scan3A = arith.constant 0 : i32
    %scan3A_6 = arith.constant 0 : i32
    %scan3A_7 = arith.constant 28 : i32
    %scan3A_8 = arith.addi %scan3A_6, %scan3A_7 : i32
    %scan3A_9 = arith.constant 1 : i32
    scf.for %scan3A_48 = %scan3A_6 to %scan3A_8 step %scan3A_9  : i32 {
      %mul3A_49 = arith.constant 16 : i32
      %mul3A_50 = arith.muli %scan3A_48, %mul3A_49 : i32
      %multiple_of3A_51 = tpu.assume_multiple %mul3A_50, 8 : i32
      %get3A = arith.index_cast %multiple_of3A_51 : i32 to index
      %get3A_52 = tpu.vector_load %arg6[%get3A] {strides = array<i32>} : memref<1568xi32, #tpu.memory_space<vmem>>, vector<16xi32>,
      %mul3A_53 = arith.constant 64 : i32
      %mul3A_54 = vector.broadcast %mul3A_53 : i32 to vector<16xi32>
      %mul3A_55 = arith.muli %get3A_52, %mul3A_54 : vector<16xi32>
      %sub3A = arith.constant 0 : i32
      %sub3A_56 = arith.subi %scan3A_48, %sub3A : i32
      %mul3A_57 = arith.constant 1024 : i32
      %mul3A_58 = arith.muli %sub3A_56, %mul3A_57 : i32
      %add3A_59 = arith.constant 0 : i32
      %add3A_60 = arith.addi %add3A_59, %mul3A_58 : i32
      %broadcast_in_dim3A = vector.broadcast %add3A_60 : i32 to vector<16xi32>
      %add3A_61 = arith.constant 0 : i32
      %add3A_62 = vector.broadcast %add3A_61 : i32 to vector<16xi32>
      %add3A_63 = arith.addi %mul3A_55, %add3A_62 : vector<16xi32>
      %gather3A = tpu.vector_load_idx %arg5[%add3A_63] : memref<65536xf32, #tpu.memory_space<vmem>>[vector<16xi32>], vector<16xf32>,
      %add3A_64 = arith.constant 0 : i32
      %add3A_65 = vector.broadcast %add3A_64 : i32 to vector<16xi32>
      %add3A_66 = arith.addi %mul3A_5, %add3A_65 : vector<16xi32>
      %add3A_67 = arith.addi %broadcast_in_dim3A, %add3A_66 : vector<16xi32>
      tpu.vector_store_idx %arg7[%add3A_67], %gather3A : memref<57344xf32, #tpu.memory_space<vmem>>[vector<16xi32>], vector<16xf32>,
      %add3A_68 = arith.constant 1 : i32
      %add3A_69 = vector.broadcast %add3A_68 : i32 to vector<16xi32>
      %add3A_70 = arith.addi %mul3A_55, %add3A_69 : vector<16xi32>
      %gather3A_71 = tpu.vector_load_idx %arg5[%add3A_70] : memref<65536xf32, #tpu.memory_space<vmem>>[vector<16xi32>], vector<16xf32>,
      %add3A_72 = arith.constant 1 : i32
      %add3A_73 = vector.broadcast %add3A_72 : i32 to vector<16xi32>
      %add3A_74 = arith.addi %mul3A_5, %add3A_73 : vector<16xi32>
      %add3A_75 = arith.addi %broadcast_in_dim3A, %add3A_74 : vector<16xi32>
      tpu.vector_store_idx %arg7[%add3A_75], %gather3A_71 : memref<57344xf32, #tpu.memory_space<vmem>>[vector<16xi32>], vector<16xf32>,
      %add3A_76 = arith.constant 2 : i32
      %add3A_77 = vector.broadcast %add3A_76 : i32 to vector<16xi32>
      %add3A_78 = arith.addi %mul3A_55, %add3A_77 : vector<16xi32>
      %gather3A_79 = tpu.vector_load_idx %arg5[%add3A_78] : memref<65536xf32, #tpu.memory_space<vmem>>[vector<16xi32>], vector<16xf32>,
      %add3A_80 = arith.constant 2 : i32
      %add3A_81 = vector.broadcast %add3A_80 : i32 to vector<16xi32>
      %add3A_82 = arith.addi %mul3A_5, %add3A_81 : vector<16xi32>
      %add3A_83 = arith.addi %broadcast_in_dim3A, %add3A_82 : vector<16xi32>
      tpu.vector_store_idx %arg7[%add3A_83], %gather3A_79 : memref<57344xf32, #tpu.memory_space<vmem>>[vector<16xi32>], vector<16xf32>,
      %add3A_84 = arith.constant 3 : i32
      %add3A_85 = vector.broadcast %add3A_84 : i32 to vector<16xi32>
      %add3A_86 = arith.addi %mul3A_55, %add3A_85 : vector<16xi32>
      %gather3A_87 = tpu.vector_load_idx %arg5[%add3A_86] : memref<65536xf32, #tpu.memory_space<vmem>>[vector<16xi32>], vector<16xf32>,
      %add3A_88 = arith.constant 3 : i32
      %add3A_89 = vector.broadcast %add3A_88 : i32 to vector<16xi32>
      %add3A_90 = arith.addi %mul3A_5, %add3A_89 : vector<16xi32>
      %add3A_91 = arith.addi %broadcast_in_dim3A, %add3A_90 : vector<16xi32>
      tpu.vector_store_idx %arg7[%add3A_91], %gather3A_87 : memref<57344xf32, #tpu.memory_space<vmem>>[vector<16xi32>], vector<16xf32>,
      %add3A_92 = arith.constant 4 : i32
      %add3A_93 = vector.broadcast %add3A_92 : i32 to vector<16xi32>
      %add3A_94 = arith.addi %mul3A_55, %add3A_93 : vector<16xi32>
      %gather3A_95 = tpu.vector_load_idx %arg5[%add3A_94] : memref<65536xf32, #tpu.memory_space<vmem>>[vector<16xi32>], vector<16xf32>,
      %add3A_96 = arith.constant 4 : i32
      %add3A_97 = vector.broadcast %add3A_96 : i32 to vector<16xi32>
      %add3A_98 = arith.addi %mul3A_5, %add3A_97 : vector<16xi32>
      %add3A_99 = arith.addi %broadcast_in_dim3A, %add3A_98 : vector<16xi32>
      tpu.vector_store_idx %arg7[%add3A_99], %gather3A_95 : memref<57344xf32, #tpu.memory_space<vmem>>[vector<16xi32>], vector<16xf32>,
      %add3A_100 = arith.constant 5 : i32
      %add3A_101 = vector.broadcast %add3A_100 : i32 to vector<16xi32>
      %add3A_102 = arith.addi %mul3A_55, %add3A_101 : vector<16xi32>
      %gather3A_103 = tpu.vector_load_idx %arg5[%add3A_102] : memref<65536xf32, #tpu.memory_space<vmem>>[vector<16xi32>], vector<16xf32>,
      %add3A_104 = arith.constant 5 : i32
      %add3A_105 = vector.broadcast %add3A_104 : i32 to vector<16xi32>
      %add3A_106 = arith.addi %mul3A_5, %add3A_105 : vector<16xi32>
      %add3A_107 = arith.addi %broadcast_in_dim3A, %add3A_106 : vector<16xi32>
      tpu.vector_store_idx %arg7[%add3A_107], %gather3A_103 : memref<57344xf32, #tpu.memory_space<vmem>>[vector<16xi32>], vector<16xf32>,
      %add3A_108 = arith.constant 6 : i32
      %add3A_109 = vector.broadcast %add3A_108 : i32 to vector<16xi32>
      %add3A_110 = arith.addi %mul3A_55, %add3A_109 : vector<16xi32>
      %gather3A_111 = tpu.vector_load_idx %arg5[%add3A_110] : memref<65536xf32, #tpu.memory_space<vmem>>[vector<16xi32>], vector<16xf32>,
      %add3A_112 = arith.constant 6 : i32
      %add3A_113 = vector.broadcast %add3A_112 : i32 to vector<16xi32>
      %add3A_114 = arith.addi %mul3A_5, %add3A_113 : vector<16xi32>
      %add3A_115 = arith.addi %broadcast_in_dim3A, %add3A_114 : vector<16xi32>
      tpu.vector_store_idx %arg7[%add3A_115], %gather3A_111 : memref<57344xf32, #tpu.memory_space<vmem>>[vector<16xi32>], vector<16xf32>,
      %add3A_116 = arith.constant 7 : i32
      %add3A_117 = vector.broadcast %add3A_116 : i32 to vector<16xi32>
      %add3A_118 = arith.addi %mul3A_55, %add3A_117 : vector<16xi32>
      %gather3A_119 = tpu.vector_load_idx %arg5[%add3A_118] : memref<65536xf32, #tpu.memory_space<vmem>>[vector<16xi32>], vector<16xf32>,
      %add3A_120 = arith.constant 7 : i32
      %add3A_121 = vector.broadcast %add3A_120 : i32 to vector<16xi32>
      %add3A_122 = arith.addi %mul3A_5, %add3A_121 : vector<16xi32>
      %add3A_123 = arith.addi %broadcast_in_dim3A, %add3A_122 : vector<16xi32>
      tpu.vector_store_idx %arg7[%add3A_123], %gather3A_119 : memref<57344xf32, #tpu.memory_space<vmem>>[vector<16xi32>], vector<16xf32>,
      %add3A_124 = arith.constant 8 : i32
      %add3A_125 = vector.broadcast %add3A_124 : i32 to vector<16xi32>
      %add3A_126 = arith.addi %mul3A_55, %add3A_125 : vector<16xi32>
      %gather3A_127 = tpu.vector_load_idx %arg5[%add3A_126] : memref<65536xf32, #tpu.memory_space<vmem>>[vector<16xi32>], vector<16xf32>,
      %add3A_128 = arith.constant 8 : i32
      %add3A_129 = vector.broadcast %add3A_128 : i32 to vector<16xi32>
      %add3A_130 = arith.addi %mul3A_5, %add3A_129 : vector<16xi32>
      %add3A_131 = arith.addi %broadcast_in_dim3A, %add3A_130 : vector<16xi32>
      tpu.vector_store_idx %arg7[%add3A_131], %gather3A_127 : memref<57344xf32, #tpu.memory_space<vmem>>[vector<16xi32>], vector<16xf32>,
      %add3A_132 = arith.constant 9 : i32
      %add3A_133 = vector.broadcast %add3A_132 : i32 to vector<16xi32>
      %add3A_134 = arith.addi %mul3A_55, %add3A_133 : vector<16xi32>
      %gather3A_135 = tpu.vector_load_idx %arg5[%add3A_134] : memref<65536xf32, #tpu.memory_space<vmem>>[vector<16xi32>], vector<16xf32>,
      %add3A_136 = arith.constant 9 : i32
      %add3A_137 = vector.broadcast %add3A_136 : i32 to vector<16xi32>
      %add3A_138 = arith.addi %mul3A_5, %add3A_137 : vector<16xi32>
      %add3A_139 = arith.addi %broadcast_in_dim3A, %add3A_138 : vector<16xi32>
      tpu.vector_store_idx %arg7[%add3A_139], %gather3A_135 : memref<57344xf32, #tpu.memory_space<vmem>>[vector<16xi32>], vector<16xf32>,
      %add3A_140 = arith.constant 10 : i32
      %add3A_141 = vector.broadcast %add3A_140 : i32 to vector<16xi32>
      %add3A_142 = arith.addi %mul3A_55, %add3A_141 : vector<16xi32>
      %gather3A_143 = tpu.vector_load_idx %arg5[%add3A_142] : memref<65536xf32, #tpu.memory_space<vmem>>[vector<16xi32>], vector<16xf32>,
      %add3A_144 = arith.constant 10 : i32
      %add3A_145 = vector.broadcast %add3A_144 : i32 to vector<16xi32>
      %add3A_146 = arith.addi %mul3A_5, %add3A_145 : vector<16xi32>
      %add3A_147 = arith.addi %broadcast_in_dim3A, %add3A_146 : vector<16xi32>
      tpu.vector_store_idx %arg7[%add3A_147], %gather3A_143 : memref<57344xf32, #tpu.memory_space<vmem>>[vector<16xi32>], vector<16xf32>,
      %add3A_148 = arith.constant 11 : i32
      %add3A_149 = vector.broadcast %add3A_148 : i32 to vector<16xi32>
      %add3A_150 = arith.addi %mul3A_55, %add3A_149 : vector<16xi32>
      %gather3A_151 = tpu.vector_load_idx %arg5[%add3A_150] : memref<65536xf32, #tpu.memory_space<vmem>>[vector<16xi32>], vector<16xf32>,
      %add3A_152 = arith.constant 11 : i32
      %add3A_153 = vector.broadcast %add3A_152 : i32 to vector<16xi32>
      %add3A_154 = arith.addi %mul3A_5, %add3A_153 : vector<16xi32>
      %add3A_155 = arith.addi %broadcast_in_dim3A, %add3A_154 : vector<16xi32>
      tpu.vector_store_idx %arg7[%add3A_155], %gather3A_151 : memref<57344xf32, #tpu.memory_space<vmem>>[vector<16xi32>], vector<16xf32>,
      %add3A_156 = arith.constant 12 : i32
      %add3A_157 = vector.broadcast %add3A_156 : i32 to vector<16xi32>
      %add3A_158 = arith.addi %mul3A_55, %add3A_157 : vector<16xi32>
      %gather3A_159 = tpu.vector_load_idx %arg5[%add3A_158] : memref<65536xf32, #tpu.memory_space<vmem>>[vector<16xi32>], vector<16xf32>,
      %add3A_160 = arith.constant 12 : i32
      %add3A_161 = vector.broadcast %add3A_160 : i32 to vector<16xi32>
      %add3A_162 = arith.addi %mul3A_5, %add3A_161 : vector<16xi32>
      %add3A_163 = arith.addi %broadcast_in_dim3A, %add3A_162 : vector<16xi32>
      tpu.vector_store_idx %arg7[%add3A_163], %gather3A_159 : memref<57344xf32, #tpu.memory_space<vmem>>[vector<16xi32>], vector<16xf32>,
      %add3A_164 = arith.constant 13 : i32
      %add3A_165 = vector.broadcast %add3A_164 : i32 to vector<16xi32>
      %add3A_166 = arith.addi %mul3A_55, %add3A_165 : vector<16xi32>
      %gather3A_167 = tpu.vector_load_idx %arg5[%add3A_166] : memref<65536xf32, #tpu.memory_space<vmem>>[vector<16xi32>], vector<16xf32>,
      %add3A_168 = arith.constant 13 : i32
      %add3A_169 = vector.broadcast %add3A_168 : i32 to vector<16xi32>
      %add3A_170 = arith.addi %mul3A_5, %add3A_169 : vector<16xi32>
      %add3A_171 = arith.addi %broadcast_in_dim3A, %add3A_170 : vector<16xi32>
      tpu.vector_store_idx %arg7[%add3A_171], %gather3A_167 : memref<57344xf32, #tpu.memory_space<vmem>>[vector<16xi32>], vector<16xf32>,
      %add3A_172 = arith.constant 14 : i32
      %add3A_173 = vector.broadcast %add3A_172 : i32 to vector<16xi32>
      %add3A_174 = arith.addi %mul3A_55, %add3A_173 : vector<16xi32>
      %gather3A_175 = tpu.vector_load_idx %arg5[%add3A_174] : memref<65536xf32, #tpu.memory_space<vmem>>[vector<16xi32>], vector<16xf32>,
      %add3A_176 = arith.constant 14 : i32
      %add3A_177 = vector.broadcast %add3A_176 : i32 to vector<16xi32>
      %add3A_178 = arith.addi %mul3A_5, %add3A_177 : vector<16xi32>
      %add3A_179 = arith.addi %broadcast_in_dim3A, %add3A_178 : vector<16xi32>
      tpu.vector_store_idx %arg7[%add3A_179], %gather3A_175 : memref<57344xf32, #tpu.memory_space<vmem>>[vector<16xi32>], vector<16xf32>,
      %add3A_180 = arith.constant 15 : i32
      %add3A_181 = vector.broadcast %add3A_180 : i32 to vector<16xi32>
      %add3A_182 = arith.addi %mul3A_55, %add3A_181 : vector<16xi32>
      %gather3A_183 = tpu.vector_load_idx %arg5[%add3A_182] : memref<65536xf32, #tpu.memory_space<vmem>>[vector<16xi32>], vector<16xf32>,
      %add3A_184 = arith.constant 15 : i32
      %add3A_185 = vector.broadcast %add3A_184 : i32 to vector<16xi32>
      %add3A_186 = arith.addi %mul3A_5, %add3A_185 : vector<16xi32>
      %add3A_187 = arith.addi %broadcast_in_dim3A, %add3A_186 : vector<16xi32>
      tpu.vector_store_idx %arg7[%add3A_187], %gather3A_183 : memref<57344xf32, #tpu.memory_space<vmem>>[vector<16xi32>], vector<16xf32>,
      %add3A_188 = arith.constant 16 : i32
      %add3A_189 = vector.broadcast %add3A_188 : i32 to vector<16xi32>
      %add3A_190 = arith.addi %mul3A_55, %add3A_189 : vector<16xi32>
      %gather3A_191 = tpu.vector_load_idx %arg5[%add3A_190] : memref<65536xf32, #tpu.memory_space<vmem>>[vector<16xi32>], vector<16xf32>,
      %add3A_192 = arith.constant 16 : i32
      %add3A_193 = vector.broadcast %add3A_192 : i32 to vector<16xi32>
      %add3A_194 = arith.addi %mul3A_5, %add3A_193 : vector<16xi32>
      %add3A_195 = arith.addi %broadcast_in_dim3A, %add3A_194 : vector<16xi32>
      tpu.vector_store_idx %arg7[%add3A_195], %gather3A_191 : memref<57344xf32, #tpu.memory_space<vmem>>[vector<16xi32>], vector<16xf32>,
      %add3A_196 = arith.constant 17 : i32
      %add3A_197 = vector.broadcast %add3A_196 : i32 to vector<16xi32>
      %add3A_198 = arith.addi %mul3A_55, %add3A_197 : vector<16xi32>
      %gather3A_199 = tpu.vector_load_idx %arg5[%add3A_198] : memref<65536xf32, #tpu.memory_space<vmem>>[vector<16xi32>], vector<16xf32>,
      %add3A_200 = arith.constant 17 : i32
      %add3A_201 = vector.broadcast %add3A_200 : i32 to vector<16xi32>
      %add3A_202 = arith.addi %mul3A_5, %add3A_201 : vector<16xi32>
      %add3A_203 = arith.addi %broadcast_in_dim3A, %add3A_202 : vector<16xi32>
      tpu.vector_store_idx %arg7[%add3A_203], %gather3A_199 : memref<57344xf32, #tpu.memory_space<vmem>>[vector<16xi32>], vector<16xf32>,
      %add3A_204 = arith.constant 18 : i32
      %add3A_205 = vector.broadcast %add3A_204 : i32 to vector<16xi32>
      %add3A_206 = arith.addi %mul3A_55, %add3A_205 : vector<16xi32>
      %gather3A_207 = tpu.vector_load_idx %arg5[%add3A_206] : memref<65536xf32, #tpu.memory_space<vmem>>[vector<16xi32>], vector<16xf32>,
      %add3A_208 = arith.constant 18 : i32
      %add3A_209 = vector.broadcast %add3A_208 : i32 to vector<16xi32>
      %add3A_210 = arith.addi %mul3A_5, %add3A_209 : vector<16xi32>
      %add3A_211 = arith.addi %broadcast_in_dim3A, %add3A_210 : vector<16xi32>
      tpu.vector_store_idx %arg7[%add3A_211], %gather3A_207 : memref<57344xf32, #tpu.memory_space<vmem>>[vector<16xi32>], vector<16xf32>,
      %add3A_212 = arith.constant 19 : i32
      %add3A_213 = vector.broadcast %add3A_212 : i32 to vector<16xi32>
      %add3A_214 = arith.addi %mul3A_55, %add3A_213 : vector<16xi32>
      %gather3A_215 = tpu.vector_load_idx %arg5[%add3A_214] : memref<65536xf32, #tpu.memory_space<vmem>>[vector<16xi32>], vector<16xf32>,
      %add3A_216 = arith.constant 19 : i32
      %add3A_217 = vector.broadcast %add3A_216 : i32 to vector<16xi32>
      %add3A_218 = arith.addi %mul3A_5, %add3A_217 : vector<16xi32>
      %add3A_219 = arith.addi %broadcast_in_dim3A, %add3A_218 : vector<16xi32>
      tpu.vector_store_idx %arg7[%add3A_219], %gather3A_215 : memref<57344xf32, #tpu.memory_space<vmem>>[vector<16xi32>], vector<16xf32>,
      %add3A_220 = arith.constant 20 : i32
      %add3A_221 = vector.broadcast %add3A_220 : i32 to vector<16xi32>
      %add3A_222 = arith.addi %mul3A_55, %add3A_221 : vector<16xi32>
      %gather3A_223 = tpu.vector_load_idx %arg5[%add3A_222] : memref<65536xf32, #tpu.memory_space<vmem>>[vector<16xi32>], vector<16xf32>,
      %add3A_224 = arith.constant 20 : i32
      %add3A_225 = vector.broadcast %add3A_224 : i32 to vector<16xi32>
      %add3A_226 = arith.addi %mul3A_5, %add3A_225 : vector<16xi32>
      %add3A_227 = arith.addi %broadcast_in_dim3A, %add3A_226 : vector<16xi32>
      tpu.vector_store_idx %arg7[%add3A_227], %gather3A_223 : memref<57344xf32, #tpu.memory_space<vmem>>[vector<16xi32>], vector<16xf32>,
      %add3A_228 = arith.constant 21 : i32
      %add3A_229 = vector.broadcast %add3A_228 : i32 to vector<16xi32>
      %add3A_230 = arith.addi %mul3A_55, %add3A_229 : vector<16xi32>
      %gather3A_231 = tpu.vector_load_idx %arg5[%add3A_230] : memref<65536xf32, #tpu.memory_space<vmem>>[vector<16xi32>], vector<16xf32>,
      %add3A_232 = arith.constant 21 : i32
      %add3A_233 = vector.broadcast %add3A_232 : i32 to vector<16xi32>
      %add3A_234 = arith.addi %mul3A_5, %add3A_233 : vector<16xi32>
      %add3A_235 = arith.addi %broadcast_in_dim3A, %add3A_234 : vector<16xi32>
      tpu.vector_store_idx %arg7[%add3A_235], %gather3A_231 : memref<57344xf32, #tpu.memory_space<vmem>>[vector<16xi32>], vector<16xf32>,
      %add3A_236 = arith.constant 22 : i32
      %add3A_237 = vector.broadcast %add3A_236 : i32 to vector<16xi32>
      %add3A_238 = arith.addi %mul3A_55, %add3A_237 : vector<16xi32>
      %gather3A_239 = tpu.vector_load_idx %arg5[%add3A_238] : memref<65536xf32, #tpu.memory_space<vmem>>[vector<16xi32>], vector<16xf32>,
      %add3A_240 = arith.constant 22 : i32
      %add3A_241 = vector.broadcast %add3A_240 : i32 to vector<16xi32>
      %add3A_242 = arith.addi %mul3A_5, %add3A_241 : vector<16xi32>
      %add3A_243 = arith.addi %broadcast_in_dim3A, %add3A_242 : vector<16xi32>
      tpu.vector_store_idx %arg7[%add3A_243], %gather3A_239 : memref<57344xf32, #tpu.memory_space<vmem>>[vector<16xi32>], vector<16xf32>,
      %add3A_244 = arith.constant 23 : i32
      %add3A_245 = vector.broadcast %add3A_244 : i32 to vector<16xi32>
      %add3A_246 = arith.addi %mul3A_55, %add3A_245 : vector<16xi32>
      %gather3A_247 = tpu.vector_load_idx %arg5[%add3A_246] : memref<65536xf32, #tpu.memory_space<vmem>>[vector<16xi32>], vector<16xf32>,
      %add3A_248 = arith.constant 23 : i32
      %add3A_249 = vector.broadcast %add3A_248 : i32 to vector<16xi32>
      %add3A_250 = arith.addi %mul3A_5, %add3A_249 : vector<16xi32>
      %add3A_251 = arith.addi %broadcast_in_dim3A, %add3A_250 : vector<16xi32>
      tpu.vector_store_idx %arg7[%add3A_251], %gather3A_247 : memref<57344xf32, #tpu.memory_space<vmem>>[vector<16xi32>], vector<16xf32>,
      %add3A_252 = arith.constant 24 : i32
      %add3A_253 = vector.broadcast %add3A_252 : i32 to vector<16xi32>
      %add3A_254 = arith.addi %mul3A_55, %add3A_253 : vector<16xi32>
      %gather3A_255 = tpu.vector_load_idx %arg5[%add3A_254] : memref<65536xf32, #tpu.memory_space<vmem>>[vector<16xi32>], vector<16xf32>,
      %add3A_256 = arith.constant 24 : i32
      %add3A_257 = vector.broadcast %add3A_256 : i32 to vector<16xi32>
      %add3A_258 = arith.addi %mul3A_5, %add3A_257 : vector<16xi32>
      %add3A_259 = arith.addi %broadcast_in_dim3A, %add3A_258 : vector<16xi32>
      tpu.vector_store_idx %arg7[%add3A_259], %gather3A_255 : memref<57344xf32, #tpu.memory_space<vmem>>[vector<16xi32>], vector<16xf32>,
      %add3A_260 = arith.constant 25 : i32
      %add3A_261 = vector.broadcast %add3A_260 : i32 to vector<16xi32>
      %add3A_262 = arith.addi %mul3A_55, %add3A_261 : vector<16xi32>
      %gather3A_263 = tpu.vector_load_idx %arg5[%add3A_262] : memref<65536xf32, #tpu.memory_space<vmem>>[vector<16xi32>], vector<16xf32>,
      %add3A_264 = arith.constant 25 : i32
      %add3A_265 = vector.broadcast %add3A_264 : i32 to vector<16xi32>
      %add3A_266 = arith.addi %mul3A_5, %add3A_265 : vector<16xi32>
      %add3A_267 = arith.addi %broadcast_in_dim3A, %add3A_266 : vector<16xi32>
      tpu.vector_store_idx %arg7[%add3A_267], %gather3A_263 : memref<57344xf32, #tpu.memory_space<vmem>>[vector<16xi32>], vector<16xf32>,
      %add3A_268 = arith.constant 26 : i32
      %add3A_269 = vector.broadcast %add3A_268 : i32 to vector<16xi32>
      %add3A_270 = arith.addi %mul3A_55, %add3A_269 : vector<16xi32>
      %gather3A_271 = tpu.vector_load_idx %arg5[%add3A_270] : memref<65536xf32, #tpu.memory_space<vmem>>[vector<16xi32>], vector<16xf32>,
      %add3A_272 = arith.constant 26 : i32
      %add3A_273 = vector.broadcast %add3A_272 : i32 to vector<16xi32>
      %add3A_274 = arith.addi %mul3A_5, %add3A_273 : vector<16xi32>
      %add3A_275 = arith.addi %broadcast_in_dim3A, %add3A_274 : vector<16xi32>
      tpu.vector_store_idx %arg7[%add3A_275], %gather3A_271 : memref<57344xf32, #tpu.memory_space<vmem>>[vector<16xi32>], vector<16xf32>,
      %add3A_276 = arith.constant 27 : i32
      %add3A_277 = vector.broadcast %add3A_276 : i32 to vector<16xi32>
      %add3A_278 = arith.addi %mul3A_55, %add3A_277 : vector<16xi32>
      %gather3A_279 = tpu.vector_load_idx %arg5[%add3A_278] : memref<65536xf32, #tpu.memory_space<vmem>>[vector<16xi32>], vector<16xf32>,
      %add3A_280 = arith.constant 27 : i32
      %add3A_281 = vector.broadcast %add3A_280 : i32 to vector<16xi32>
      %add3A_282 = arith.addi %mul3A_5, %add3A_281 : vector<16xi32>
      %add3A_283 = arith.addi %broadcast_in_dim3A, %add3A_282 : vector<16xi32>
      tpu.vector_store_idx %arg7[%add3A_283], %gather3A_279 : memref<57344xf32, #tpu.memory_space<vmem>>[vector<16xi32>], vector<16xf32>,
      %add3A_284 = arith.constant 28 : i32
      %add3A_285 = vector.broadcast %add3A_284 : i32 to vector<16xi32>
      %add3A_286 = arith.addi %mul3A_55, %add3A_285 : vector<16xi32>
      %gather3A_287 = tpu.vector_load_idx %arg5[%add3A_286] : memref<65536xf32, #tpu.memory_space<vmem>>[vector<16xi32>], vector<16xf32>,
      %add3A_288 = arith.constant 28 : i32
      %add3A_289 = vector.broadcast %add3A_288 : i32 to vector<16xi32>
      %add3A_290 = arith.addi %mul3A_5, %add3A_289 : vector<16xi32>
      %add3A_291 = arith.addi %broadcast_in_dim3A, %add3A_290 : vector<16xi32>
      tpu.vector_store_idx %arg7[%add3A_291], %gather3A_287 : memref<57344xf32, #tpu.memory_space<vmem>>[vector<16xi32>], vector<16xf32>,
      %add3A_292 = arith.constant 29 : i32
      %add3A_293 = vector.broadcast %add3A_292 : i32 to vector<16xi32>
      %add3A_294 = arith.addi %mul3A_55, %add3A_293 : vector<16xi32>
      %gather3A_295 = tpu.vector_load_idx %arg5[%add3A_294] : memref<65536xf32, #tpu.memory_space<vmem>>[vector<16xi32>], vector<16xf32>,
      %add3A_296 = arith.constant 29 : i32
      %add3A_297 = vector.broadcast %add3A_296 : i32 to vector<16xi32>
      %add3A_298 = arith.addi %mul3A_5, %add3A_297 : vector<16xi32>
      %add3A_299 = arith.addi %broadcast_in_dim3A, %add3A_298 : vector<16xi32>
      tpu.vector_store_idx %arg7[%add3A_299], %gather3A_295 : memref<57344xf32, #tpu.memory_space<vmem>>[vector<16xi32>], vector<16xf32>,
      %add3A_300 = arith.constant 30 : i32
      %add3A_301 = vector.broadcast %add3A_300 : i32 to vector<16xi32>
      %add3A_302 = arith.addi %mul3A_55, %add3A_301 : vector<16xi32>
      %gather3A_303 = tpu.vector_load_idx %arg5[%add3A_302] : memref<65536xf32, #tpu.memory_space<vmem>>[vector<16xi32>], vector<16xf32>,
      %add3A_304 = arith.constant 30 : i32
      %add3A_305 = vector.broadcast %add3A_304 : i32 to vector<16xi32>
      %add3A_306 = arith.addi %mul3A_5, %add3A_305 : vector<16xi32>
      %add3A_307 = arith.addi %broadcast_in_dim3A, %add3A_306 : vector<16xi32>
      tpu.vector_store_idx %arg7[%add3A_307], %gather3A_303 : memref<57344xf32, #tpu.memory_space<vmem>>[vector<16xi32>], vector<16xf32>,
      %add3A_308 = arith.constant 31 : i32
      %add3A_309 = vector.broadcast %add3A_308 : i32 to vector<16xi32>
      %add3A_310 = arith.addi %mul3A_55, %add3A_309 : vector<16xi32>
      %gather3A_311 = tpu.vector_load_idx %arg5[%add3A_310] : memref<65536xf32, #tpu.memory_space<vmem>>[vector<16xi32>], vector<16xf32>,
      %add3A_312 = arith.constant 31 : i32
      %add3A_313 = vector.broadcast %add3A_312 : i32 to vector<16xi32>
      %add3A_314 = arith.addi %mul3A_5, %add3A_313 : vector<16xi32>
      %add3A_315 = arith.addi %broadcast_in_dim3A, %add3A_314 : vector<16xi32>
      tpu.vector_store_idx %arg7[%add3A_315], %gather3A_311 : memref<57344xf32, #tpu.memory_space<vmem>>[vector<16xi32>], vector<16xf32>,
      %add3A_316 = arith.constant 32 : i32
      %add3A_317 = vector.broadcast %add3A_316 : i32 to vector<16xi32>
      %add3A_318 = arith.addi %mul3A_55, %add3A_317 : vector<16xi32>
      %gather3A_319 = tpu.vector_load_idx %arg5[%add3A_318] : memref<65536xf32, #tpu.memory_space<vmem>>[vector<16xi32>], vector<16xf32>,
      %add3A_320 = arith.constant 32 : i32
      %add3A_321 = vector.broadcast %add3A_320 : i32 to vector<16xi32>
      %add3A_322 = arith.addi %mul3A_5, %add3A_321 : vector<16xi32>
      %add3A_323 = arith.addi %broadcast_in_dim3A, %add3A_322 : vector<16xi32>
      tpu.vector_store_idx %arg7[%add3A_323], %gather3A_319 : memref<57344xf32, #tpu.memory_space<vmem>>[vector<16xi32>], vector<16xf32>,
      %add3A_324 = arith.constant 33 : i32
      %add3A_325 = vector.broadcast %add3A_324 : i32 to vector<16xi32>
      %add3A_326 = arith.addi %mul3A_55, %add3A_325 : vector<16xi32>
      %gather3A_327 = tpu.vector_load_idx %arg5[%add3A_326] : memref<65536xf32, #tpu.memory_space<vmem>>[vector<16xi32>], vector<16xf32>,
      %add3A_328 = arith.constant 33 : i32
      %add3A_329 = vector.broadcast %add3A_328 : i32 to vector<16xi32>
      %add3A_330 = arith.addi %mul3A_5, %add3A_329 : vector<16xi32>
      %add3A_331 = arith.addi %broadcast_in_dim3A, %add3A_330 : vector<16xi32>
      tpu.vector_store_idx %arg7[%add3A_331], %gather3A_327 : memref<57344xf32, #tpu.memory_space<vmem>>[vector<16xi32>], vector<16xf32>,
      %add3A_332 = arith.constant 34 : i32
      %add3A_333 = vector.broadcast %add3A_332 : i32 to vector<16xi32>
      %add3A_334 = arith.addi %mul3A_55, %add3A_333 : vector<16xi32>
      %gather3A_335 = tpu.vector_load_idx %arg5[%add3A_334] : memref<65536xf32, #tpu.memory_space<vmem>>[vector<16xi32>], vector<16xf32>,
      %add3A_336 = arith.constant 34 : i32
      %add3A_337 = vector.broadcast %add3A_336 : i32 to vector<16xi32>
      %add3A_338 = arith.addi %mul3A_5, %add3A_337 : vector<16xi32>
      %add3A_339 = arith.addi %broadcast_in_dim3A, %add3A_338 : vector<16xi32>
      tpu.vector_store_idx %arg7[%add3A_339], %gather3A_335 : memref<57344xf32, #tpu.memory_space<vmem>>[vector<16xi32>], vector<16xf32>,
      %add3A_340 = arith.constant 35 : i32
      %add3A_341 = vector.broadcast %add3A_340 : i32 to vector<16xi32>
      %add3A_342 = arith.addi %mul3A_55, %add3A_341 : vector<16xi32>
      %gather3A_343 = tpu.vector_load_idx %arg5[%add3A_342] : memref<65536xf32, #tpu.memory_space<vmem>>[vector<16xi32>], vector<16xf32>,
      %add3A_344 = arith.constant 35 : i32
      %add3A_345 = vector.broadcast %add3A_344 : i32 to vector<16xi32>
      %add3A_346 = arith.addi %mul3A_5, %add3A_345 : vector<16xi32>
      %add3A_347 = arith.addi %broadcast_in_dim3A, %add3A_346 : vector<16xi32>
      tpu.vector_store_idx %arg7[%add3A_347], %gather3A_343 : memref<57344xf32, #tpu.memory_space<vmem>>[vector<16xi32>], vector<16xf32>,
      %add3A_348 = arith.constant 36 : i32
      %add3A_349 = vector.broadcast %add3A_348 : i32 to vector<16xi32>
      %add3A_350 = arith.addi %mul3A_55, %add3A_349 : vector<16xi32>
      %gather3A_351 = tpu.vector_load_idx %arg5[%add3A_350] : memref<65536xf32, #tpu.memory_space<vmem>>[vector<16xi32>], vector<16xf32>,
      %add3A_352 = arith.constant 36 : i32
      %add3A_353 = vector.broadcast %add3A_352 : i32 to vector<16xi32>
      %add3A_354 = arith.addi %mul3A_5, %add3A_353 : vector<16xi32>
      %add3A_355 = arith.addi %broadcast_in_dim3A, %add3A_354 : vector<16xi32>
      tpu.vector_store_idx %arg7[%add3A_355], %gather3A_351 : memref<57344xf32, #tpu.memory_space<vmem>>[vector<16xi32>], vector<16xf32>,
      %add3A_356 = arith.constant 37 : i32
      %add3A_357 = vector.broadcast %add3A_356 : i32 to vector<16xi32>
      %add3A_358 = arith.addi %mul3A_55, %add3A_357 : vector<16xi32>
      %gather3A_359 = tpu.vector_load_idx %arg5[%add3A_358] : memref<65536xf32, #tpu.memory_space<vmem>>[vector<16xi32>], vector<16xf32>,
      %add3A_360 = arith.constant 37 : i32
      %add3A_361 = vector.broadcast %add3A_360 : i32 to vector<16xi32>
      %add3A_362 = arith.addi %mul3A_5, %add3A_361 : vector<16xi32>
      %add3A_363 = arith.addi %broadcast_in_dim3A, %add3A_362 : vector<16xi32>
      tpu.vector_store_idx %arg7[%add3A_363], %gather3A_359 : memref<57344xf32, #tpu.memory_space<vmem>>[vector<16xi32>], vector<16xf32>,
      %add3A_364 = arith.constant 38 : i32
      %add3A_365 = vector.broadcast %add3A_364 : i32 to vector<16xi32>
      %add3A_366 = arith.addi %mul3A_55, %add3A_365 : vector<16xi32>
      %gather3A_367 = tpu.vector_load_idx %arg5[%add3A_366] : memref<65536xf32, #tpu.memory_space<vmem>>[vector<16xi32>], vector<16xf32>,
      %add3A_368 = arith.constant 38 : i32
      %add3A_369 = vector.broadcast %add3A_368 : i32 to vector<16xi32>
      %add3A_370 = arith.addi %mul3A_5, %add3A_369 : vector<16xi32>
      %add3A_371 = arith.addi %broadcast_in_dim3A, %add3A_370 : vector<16xi32>
      tpu.vector_store_idx %arg7[%add3A_371], %gather3A_367 : memref<57344xf32, #tpu.memory_space<vmem>>[vector<16xi32>], vector<16xf32>,
      %add3A_372 = arith.constant 39 : i32
      %add3A_373 = vector.broadcast %add3A_372 : i32 to vector<16xi32>
      %add3A_374 = arith.addi %mul3A_55, %add3A_373 : vector<16xi32>
      %gather3A_375 = tpu.vector_load_idx %arg5[%add3A_374] : memref<65536xf32, #tpu.memory_space<vmem>>[vector<16xi32>], vector<16xf32>,
      %add3A_376 = arith.constant 39 : i32
      %add3A_377 = vector.broadcast %add3A_376 : i32 to vector<16xi32>
      %add3A_378 = arith.addi %mul3A_5, %add3A_377 : vector<16xi32>
      %add3A_379 = arith.addi %broadcast_in_dim3A, %add3A_378 : vector<16xi32>
      tpu.vector_store_idx %arg7[%add3A_379], %gather3A_375 : memref<57344xf32, #tpu.memory_space<vmem>>[vector<16xi32>], vector<16xf32>,
      %add3A_380 = arith.constant 40 : i32
      %add3A_381 = vector.broadcast %add3A_380 : i32 to vector<16xi32>
      %add3A_382 = arith.addi %mul3A_55, %add3A_381 : vector<16xi32>
      %gather3A_383 = tpu.vector_load_idx %arg5[%add3A_382] : memref<65536xf32, #tpu.memory_space<vmem>>[vector<16xi32>], vector<16xf32>,
      %add3A_384 = arith.constant 40 : i32
      %add3A_385 = vector.broadcast %add3A_384 : i32 to vector<16xi32>
      %add3A_386 = arith.addi %mul3A_5, %add3A_385 : vector<16xi32>
      %add3A_387 = arith.addi %broadcast_in_dim3A, %add3A_386 : vector<16xi32>
      tpu.vector_store_idx %arg7[%add3A_387], %gather3A_383 : memref<57344xf32, #tpu.memory_space<vmem>>[vector<16xi32>], vector<16xf32>,
      %add3A_388 = arith.constant 41 : i32
      %add3A_389 = vector.broadcast %add3A_388 : i32 to vector<16xi32>
      %add3A_390 = arith.addi %mul3A_55, %add3A_389 : vector<16xi32>
      %gather3A_391 = tpu.vector_load_idx %arg5[%add3A_390] : memref<65536xf32, #tpu.memory_space<vmem>>[vector<16xi32>], vector<16xf32>,
      %add3A_392 = arith.constant 41 : i32
      %add3A_393 = vector.broadcast %add3A_392 : i32 to vector<16xi32>
      %add3A_394 = arith.addi %mul3A_5, %add3A_393 : vector<16xi32>
      %add3A_395 = arith.addi %broadcast_in_dim3A, %add3A_394 : vector<16xi32>
      tpu.vector_store_idx %arg7[%add3A_395], %gather3A_391 : memref<57344xf32, #tpu.memory_space<vmem>>[vector<16xi32>], vector<16xf32>,
      %add3A_396 = arith.constant 42 : i32
      %add3A_397 = vector.broadcast %add3A_396 : i32 to vector<16xi32>
      %add3A_398 = arith.addi %mul3A_55, %add3A_397 : vector<16xi32>
      %gather3A_399 = tpu.vector_load_idx %arg5[%add3A_398] : memref<65536xf32, #tpu.memory_space<vmem>>[vector<16xi32>], vector<16xf32>,
      %add3A_400 = arith.constant 42 : i32
      %add3A_401 = vector.broadcast %add3A_400 : i32 to vector<16xi32>
      %add3A_402 = arith.addi %mul3A_5, %add3A_401 : vector<16xi32>
      %add3A_403 = arith.addi %broadcast_in_dim3A, %add3A_402 : vector<16xi32>
      tpu.vector_store_idx %arg7[%add3A_403], %gather3A_399 : memref<57344xf32, #tpu.memory_space<vmem>>[vector<16xi32>], vector<16xf32>,
      %add3A_404 = arith.constant 43 : i32
      %add3A_405 = vector.broadcast %add3A_404 : i32 to vector<16xi32>
      %add3A_406 = arith.addi %mul3A_55, %add3A_405 : vector<16xi32>
      %gather3A_407 = tpu.vector_load_idx %arg5[%add3A_406] : memref<65536xf32, #tpu.memory_space<vmem>>[vector<16xi32>], vector<16xf32>,
      %add3A_408 = arith.constant 43 : i32
      %add3A_409 = vector.broadcast %add3A_408 : i32 to vector<16xi32>
      %add3A_410 = arith.addi %mul3A_5, %add3A_409 : vector<16xi32>
      %add3A_411 = arith.addi %broadcast_in_dim3A, %add3A_410 : vector<16xi32>
      tpu.vector_store_idx %arg7[%add3A_411], %gather3A_407 : memref<57344xf32, #tpu.memory_space<vmem>>[vector<16xi32>], vector<16xf32>,
      %add3A_412 = arith.constant 44 : i32
      %add3A_413 = vector.broadcast %add3A_412 : i32 to vector<16xi32>
      %add3A_414 = arith.addi %mul3A_55, %add3A_413 : vector<16xi32>
      %gather3A_415 = tpu.vector_load_idx %arg5[%add3A_414] : memref<65536xf32, #tpu.memory_space<vmem>>[vector<16xi32>], vector<16xf32>,
      %add3A_416 = arith.constant 44 : i32
      %add3A_417 = vector.broadcast %add3A_416 : i32 to vector<16xi32>
      %add3A_418 = arith.addi %mul3A_5, %add3A_417 : vector<16xi32>
      %add3A_419 = arith.addi %broadcast_in_dim3A, %add3A_418 : vector<16xi32>
      tpu.vector_store_idx %arg7[%add3A_419], %gather3A_415 : memref<57344xf32, #tpu.memory_space<vmem>>[vector<16xi32>], vector<16xf32>,
      %add3A_420 = arith.constant 45 : i32
      %add3A_421 = vector.broadcast %add3A_420 : i32 to vector<16xi32>
      %add3A_422 = arith.addi %mul3A_55, %add3A_421 : vector<16xi32>
      %gather3A_423 = tpu.vector_load_idx %arg5[%add3A_422] : memref<65536xf32, #tpu.memory_space<vmem>>[vector<16xi32>], vector<16xf32>,
      %add3A_424 = arith.constant 45 : i32
      %add3A_425 = vector.broadcast %add3A_424 : i32 to vector<16xi32>
      %add3A_426 = arith.addi %mul3A_5, %add3A_425 : vector<16xi32>
      %add3A_427 = arith.addi %broadcast_in_dim3A, %add3A_426 : vector<16xi32>
      tpu.vector_store_idx %arg7[%add3A_427], %gather3A_423 : memref<57344xf32, #tpu.memory_space<vmem>>[vector<16xi32>], vector<16xf32>,
      %add3A_428 = arith.constant 46 : i32
      %add3A_429 = vector.broadcast %add3A_428 : i32 to vector<16xi32>
      %add3A_430 = arith.addi %mul3A_55, %add3A_429 : vector<16xi32>
      %gather3A_431 = tpu.vector_load_idx %arg5[%add3A_430] : memref<65536xf32, #tpu.memory_space<vmem>>[vector<16xi32>], vector<16xf32>,
      %add3A_432 = arith.constant 46 : i32
      %add3A_433 = vector.broadcast %add3A_432 : i32 to vector<16xi32>
      %add3A_434 = arith.addi %mul3A_5, %add3A_433 : vector<16xi32>
      %add3A_435 = arith.addi %broadcast_in_dim3A, %add3A_434 : vector<16xi32>
      tpu.vector_store_idx %arg7[%add3A_435], %gather3A_431 : memref<57344xf32, #tpu.memory_space<vmem>>[vector<16xi32>], vector<16xf32>,
      %add3A_436 = arith.constant 47 : i32
      %add3A_437 = vector.broadcast %add3A_436 : i32 to vector<16xi32>
      %add3A_438 = arith.addi %mul3A_55, %add3A_437 : vector<16xi32>
      %gather3A_439 = tpu.vector_load_idx %arg5[%add3A_438] : memref<65536xf32, #tpu.memory_space<vmem>>[vector<16xi32>], vector<16xf32>,
      %add3A_440 = arith.constant 47 : i32
      %add3A_441 = vector.broadcast %add3A_440 : i32 to vector<16xi32>
      %add3A_442 = arith.addi %mul3A_5, %add3A_441 : vector<16xi32>
      %add3A_443 = arith.addi %broadcast_in_dim3A, %add3A_442 : vector<16xi32>
      tpu.vector_store_idx %arg7[%add3A_443], %gather3A_439 : memref<57344xf32, #tpu.memory_space<vmem>>[vector<16xi32>], vector<16xf32>,
      %add3A_444 = arith.constant 48 : i32
      %add3A_445 = vector.broadcast %add3A_444 : i32 to vector<16xi32>
      %add3A_446 = arith.addi %mul3A_55, %add3A_445 : vector<16xi32>
      %gather3A_447 = tpu.vector_load_idx %arg5[%add3A_446] : memref<65536xf32, #tpu.memory_space<vmem>>[vector<16xi32>], vector<16xf32>,
      %add3A_448 = arith.constant 48 : i32
      %add3A_449 = vector.broadcast %add3A_448 : i32 to vector<16xi32>
      %add3A_450 = arith.addi %mul3A_5, %add3A_449 : vector<16xi32>
      %add3A_451 = arith.addi %broadcast_in_dim3A, %add3A_450 : vector<16xi32>
      tpu.vector_store_idx %arg7[%add3A_451], %gather3A_447 : memref<57344xf32, #tpu.memory_space<vmem>>[vector<16xi32>], vector<16xf32>,
      %add3A_452 = arith.constant 49 : i32
      %add3A_453 = vector.broadcast %add3A_452 : i32 to vector<16xi32>
      %add3A_454 = arith.addi %mul3A_55, %add3A_453 : vector<16xi32>
      %gather3A_455 = tpu.vector_load_idx %arg5[%add3A_454] : memref<65536xf32, #tpu.memory_space<vmem>>[vector<16xi32>], vector<16xf32>,
      %add3A_456 = arith.constant 49 : i32
      %add3A_457 = vector.broadcast %add3A_456 : i32 to vector<16xi32>
      %add3A_458 = arith.addi %mul3A_5, %add3A_457 : vector<16xi32>
      %add3A_459 = arith.addi %broadcast_in_dim3A, %add3A_458 : vector<16xi32>
      tpu.vector_store_idx %arg7[%add3A_459], %gather3A_455 : memref<57344xf32, #tpu.memory_space<vmem>>[vector<16xi32>], vector<16xf32>,
      %add3A_460 = arith.constant 50 : i32
      %add3A_461 = vector.broadcast %add3A_460 : i32 to vector<16xi32>
      %add3A_462 = arith.addi %mul3A_55, %add3A_461 : vector<16xi32>
      %gather3A_463 = tpu.vector_load_idx %arg5[%add3A_462] : memref<65536xf32, #tpu.memory_space<vmem>>[vector<16xi32>], vector<16xf32>,
      %add3A_464 = arith.constant 50 : i32
      %add3A_465 = vector.broadcast %add3A_464 : i32 to vector<16xi32>
      %add3A_466 = arith.addi %mul3A_5, %add3A_465 : vector<16xi32>
      %add3A_467 = arith.addi %broadcast_in_dim3A, %add3A_466 : vector<16xi32>
      tpu.vector_store_idx %arg7[%add3A_467], %gather3A_463 : memref<57344xf32, #tpu.memory_space<vmem>>[vector<16xi32>], vector<16xf32>,
      %add3A_468 = arith.constant 51 : i32
      %add3A_469 = vector.broadcast %add3A_468 : i32 to vector<16xi32>
      %add3A_470 = arith.addi %mul3A_55, %add3A_469 : vector<16xi32>
      %gather3A_471 = tpu.vector_load_idx %arg5[%add3A_470] : memref<65536xf32, #tpu.memory_space<vmem>>[vector<16xi32>], vector<16xf32>,
      %add3A_472 = arith.constant 51 : i32
      %add3A_473 = vector.broadcast %add3A_472 : i32 to vector<16xi32>
      %add3A_474 = arith.addi %mul3A_5, %add3A_473 : vector<16xi32>
      %add3A_475 = arith.addi %broadcast_in_dim3A, %add3A_474 : vector<16xi32>
      tpu.vector_store_idx %arg7[%add3A_475], %gather3A_471 : memref<57344xf32, #tpu.memory_space<vmem>>[vector<16xi32>], vector<16xf32>,
      %add3A_476 = arith.constant 52 : i32
      %add3A_477 = vector.broadcast %add3A_476 : i32 to vector<16xi32>
      %add3A_478 = arith.addi %mul3A_55, %add3A_477 : vector<16xi32>
      %gather3A_479 = tpu.vector_load_idx %arg5[%add3A_478] : memref<65536xf32, #tpu.memory_space<vmem>>[vector<16xi32>], vector<16xf32>,
      %add3A_480 = arith.constant 52 : i32
      %add3A_481 = vector.broadcast %add3A_480 : i32 to vector<16xi32>
      %add3A_482 = arith.addi %mul3A_5, %add3A_481 : vector<16xi32>
      %add3A_483 = arith.addi %broadcast_in_dim3A, %add3A_482 : vector<16xi32>
      tpu.vector_store_idx %arg7[%add3A_483], %gather3A_479 : memref<57344xf32, #tpu.memory_space<vmem>>[vector<16xi32>], vector<16xf32>,
      %add3A_484 = arith.constant 53 : i32
      %add3A_485 = vector.broadcast %add3A_484 : i32 to vector<16xi32>
      %add3A_486 = arith.addi %mul3A_55, %add3A_485 : vector<16xi32>
      %gather3A_487 = tpu.vector_load_idx %arg5[%add3A_486] : memref<65536xf32, #tpu.memory_space<vmem>>[vector<16xi32>], vector<16xf32>,
      %add3A_488 = arith.constant 53 : i32
      %add3A_489 = vector.broadcast %add3A_488 : i32 to vector<16xi32>
      %add3A_490 = arith.addi %mul3A_5, %add3A_489 : vector<16xi32>
      %add3A_491 = arith.addi %broadcast_in_dim3A, %add3A_490 : vector<16xi32>
      tpu.vector_store_idx %arg7[%add3A_491], %gather3A_487 : memref<57344xf32, #tpu.memory_space<vmem>>[vector<16xi32>], vector<16xf32>,
      %add3A_492 = arith.constant 54 : i32
      %add3A_493 = vector.broadcast %add3A_492 : i32 to vector<16xi32>
      %add3A_494 = arith.addi %mul3A_55, %add3A_493 : vector<16xi32>
      %gather3A_495 = tpu.vector_load_idx %arg5[%add3A_494] : memref<65536xf32, #tpu.memory_space<vmem>>[vector<16xi32>], vector<16xf32>,
      %add3A_496 = arith.constant 54 : i32
      %add3A_497 = vector.broadcast %add3A_496 : i32 to vector<16xi32>
      %add3A_498 = arith.addi %mul3A_5, %add3A_497 : vector<16xi32>
      %add3A_499 = arith.addi %broadcast_in_dim3A, %add3A_498 : vector<16xi32>
      tpu.vector_store_idx %arg7[%add3A_499], %gather3A_495 : memref<57344xf32, #tpu.memory_space<vmem>>[vector<16xi32>], vector<16xf32>,
      %add3A_500 = arith.constant 55 : i32
      %add3A_501 = vector.broadcast %add3A_500 : i32 to vector<16xi32>
      %add3A_502 = arith.addi %mul3A_55, %add3A_501 : vector<16xi32>
      %gather3A_503 = tpu.vector_load_idx %arg5[%add3A_502] : memref<65536xf32, #tpu.memory_space<vmem>>[vector<16xi32>], vector<16xf32>,
      %add3A_504 = arith.constant 55 : i32
      %add3A_505 = vector.broadcast %add3A_504 : i32 to vector<16xi32>
      %add3A_506 = arith.addi %mul3A_5, %add3A_505 : vector<16xi32>
      %add3A_507 = arith.addi %broadcast_in_dim3A, %add3A_506 : vector<16xi32>
      tpu.vector_store_idx %arg7[%add3A_507], %gather3A_503 : memref<57344xf32, #tpu.memory_space<vmem>>[vector<16xi32>], vector<16xf32>,
      %add3A_508 = arith.constant 56 : i32
      %add3A_509 = vector.broadcast %add3A_508 : i32 to vector<16xi32>
      %add3A_510 = arith.addi %mul3A_55, %add3A_509 : vector<16xi32>
      %gather3A_511 = tpu.vector_load_idx %arg5[%add3A_510] : memref<65536xf32, #tpu.memory_space<vmem>>[vector<16xi32>], vector<16xf32>,
      %add3A_512 = arith.constant 56 : i32
      %add3A_513 = vector.broadcast %add3A_512 : i32 to vector<16xi32>
      %add3A_514 = arith.addi %mul3A_5, %add3A_513 : vector<16xi32>
      %add3A_515 = arith.addi %broadcast_in_dim3A, %add3A_514 : vector<16xi32>
      tpu.vector_store_idx %arg7[%add3A_515], %gather3A_511 : memref<57344xf32, #tpu.memory_space<vmem>>[vector<16xi32>], vector<16xf32>,
      %add3A_516 = arith.constant 57 : i32
      %add3A_517 = vector.broadcast %add3A_516 : i32 to vector<16xi32>
      %add3A_518 = arith.addi %mul3A_55, %add3A_517 : vector<16xi32>
      %gather3A_519 = tpu.vector_load_idx %arg5[%add3A_518] : memref<65536xf32, #tpu.memory_space<vmem>>[vector<16xi32>], vector<16xf32>,
      %add3A_520 = arith.constant 57 : i32
      %add3A_521 = vector.broadcast %add3A_520 : i32 to vector<16xi32>
      %add3A_522 = arith.addi %mul3A_5, %add3A_521 : vector<16xi32>
      %add3A_523 = arith.addi %broadcast_in_dim3A, %add3A_522 : vector<16xi32>
      tpu.vector_store_idx %arg7[%add3A_523], %gather3A_519 : memref<57344xf32, #tpu.memory_space<vmem>>[vector<16xi32>], vector<16xf32>,
      %add3A_524 = arith.constant 58 : i32
      %add3A_525 = vector.broadcast %add3A_524 : i32 to vector<16xi32>
      %add3A_526 = arith.addi %mul3A_55, %add3A_525 : vector<16xi32>
      %gather3A_527 = tpu.vector_load_idx %arg5[%add3A_526] : memref<65536xf32, #tpu.memory_space<vmem>>[vector<16xi32>], vector<16xf32>,
      %add3A_528 = arith.constant 58 : i32
      %add3A_529 = vector.broadcast %add3A_528 : i32 to vector<16xi32>
      %add3A_530 = arith.addi %mul3A_5, %add3A_529 : vector<16xi32>
      %add3A_531 = arith.addi %broadcast_in_dim3A, %add3A_530 : vector<16xi32>
      tpu.vector_store_idx %arg7[%add3A_531], %gather3A_527 : memref<57344xf32, #tpu.memory_space<vmem>>[vector<16xi32>], vector<16xf32>,
      %add3A_532 = arith.constant 59 : i32
      %add3A_533 = vector.broadcast %add3A_532 : i32 to vector<16xi32>
      %add3A_534 = arith.addi %mul3A_55, %add3A_533 : vector<16xi32>
      %gather3A_535 = tpu.vector_load_idx %arg5[%add3A_534] : memref<65536xf32, #tpu.memory_space<vmem>>[vector<16xi32>], vector<16xf32>,
      %add3A_536 = arith.constant 59 : i32
      %add3A_537 = vector.broadcast %add3A_536 : i32 to vector<16xi32>
      %add3A_538 = arith.addi %mul3A_5, %add3A_537 : vector<16xi32>
      %add3A_539 = arith.addi %broadcast_in_dim3A, %add3A_538 : vector<16xi32>
      tpu.vector_store_idx %arg7[%add3A_539], %gather3A_535 : memref<57344xf32, #tpu.memory_space<vmem>>[vector<16xi32>], vector<16xf32>,
      %add3A_540 = arith.constant 60 : i32
      %add3A_541 = vector.broadcast %add3A_540 : i32 to vector<16xi32>
      %add3A_542 = arith.addi %mul3A_55, %add3A_541 : vector<16xi32>
      %gather3A_543 = tpu.vector_load_idx %arg5[%add3A_542] : memref<65536xf32, #tpu.memory_space<vmem>>[vector<16xi32>], vector<16xf32>,
      %add3A_544 = arith.constant 60 : i32
      %add3A_545 = vector.broadcast %add3A_544 : i32 to vector<16xi32>
      %add3A_546 = arith.addi %mul3A_5, %add3A_545 : vector<16xi32>
      %add3A_547 = arith.addi %broadcast_in_dim3A, %add3A_546 : vector<16xi32>
      tpu.vector_store_idx %arg7[%add3A_547], %gather3A_543 : memref<57344xf32, #tpu.memory_space<vmem>>[vector<16xi32>], vector<16xf32>,
      %add3A_548 = arith.constant 61 : i32
      %add3A_549 = vector.broadcast %add3A_548 : i32 to vector<16xi32>
      %add3A_550 = arith.addi %mul3A_55, %add3A_549 : vector<16xi32>
      %gather3A_551 = tpu.vector_load_idx %arg5[%add3A_550] : memref<65536xf32, #tpu.memory_space<vmem>>[vector<16xi32>], vector<16xf32>,
      %add3A_552 = arith.constant 61 : i32
      %add3A_553 = vector.broadcast %add3A_552 : i32 to vector<16xi32>
      %add3A_554 = arith.addi %mul3A_5, %add3A_553 : vector<16xi32>
      %add3A_555 = arith.addi %broadcast_in_dim3A, %add3A_554 : vector<16xi32>
      tpu.vector_store_idx %arg7[%add3A_555], %gather3A_551 : memref<57344xf32, #tpu.memory_space<vmem>>[vector<16xi32>], vector<16xf32>,
      %add3A_556 = arith.constant 62 : i32
      %add3A_557 = vector.broadcast %add3A_556 : i32 to vector<16xi32>
      %add3A_558 = arith.addi %mul3A_55, %add3A_557 : vector<16xi32>
      %gather3A_559 = tpu.vector_load_idx %arg5[%add3A_558] : memref<65536xf32, #tpu.memory_space<vmem>>[vector<16xi32>], vector<16xf32>,
      %add3A_560 = arith.constant 62 : i32
      %add3A_561 = vector.broadcast %add3A_560 : i32 to vector<16xi32>
      %add3A_562 = arith.addi %mul3A_5, %add3A_561 : vector<16xi32>
      %add3A_563 = arith.addi %broadcast_in_dim3A, %add3A_562 : vector<16xi32>
      tpu.vector_store_idx %arg7[%add3A_563], %gather3A_559 : memref<57344xf32, #tpu.memory_space<vmem>>[vector<16xi32>], vector<16xf32>,
      %add3A_564 = arith.constant 63 : i32
      %add3A_565 = vector.broadcast %add3A_564 : i32 to vector<16xi32>
      %add3A_566 = arith.addi %mul3A_55, %add3A_565 : vector<16xi32>
      %gather3A_567 = tpu.vector_load_idx %arg5[%add3A_566] : memref<65536xf32, #tpu.memory_space<vmem>>[vector<16xi32>], vector<16xf32>,
      %add3A_568 = arith.constant 63 : i32
      %add3A_569 = vector.broadcast %add3A_568 : i32 to vector<16xi32>
      %add3A_570 = arith.addi %mul3A_5, %add3A_569 : vector<16xi32>
      %add3A_571 = arith.addi %broadcast_in_dim3A, %add3A_570 : vector<16xi32>
      tpu.vector_store_idx %arg7[%add3A_571], %gather3A_567 : memref<57344xf32, #tpu.memory_space<vmem>>[vector<16xi32>], vector<16xf32>,
    }
    %scan3A_10 = arith.constant 28 : i32
    %add3A_11 = arith.constant 0 : i32
    %add3A_12 = arith.addi %mul3A_2, %add3A_11 : i32
    %mul3A_13 = arith.constant 64 : i32
    %mul3A_14 = arith.muli %add3A_12, %mul3A_13 : i32
    %multiple_of3A = tpu.assume_multiple %mul3A_14, 8 : i32
    "tpu.region"() ({
      %run_scoped3A = tpu.sem_alloc : memref<!tpu.dma_semaphore, #tpu.memory_space<semaphore_mem>>
      %dma_start3A = arith.constant 0 : i32
      %dma_start3A_48 = tpu.memref_slice %arg7[%dma_start3A] : memref<57344xf32, #tpu.memory_space<vmem>> -> memref<28672xf32, #tpu.memory_space<vmem>>
      %dma_start3A_49 = tpu.memref_slice %arg4[%multiple_of3A] : memref<3211264xf32, #tpu.memory_space<hbm>> -> memref<28672xf32, #tpu.memory_space<hbm>>
      %dma_start3A_50 = tpu.memref_slice %arg4[%multiple_of3A] : memref<3211264xf32, #tpu.memory_space<hbm>> -> memref<28672xf32, #tpu.memory_space<hbm>>
      %dma_start3A_51 = arith.constant 0 : i32
      %dma_start3A_52 = tpu.memref_slice %arg7[%dma_start3A_51] : memref<57344xf32, #tpu.memory_space<vmem>> -> memref<28672xf32, #tpu.memory_space<vmem>>
      tpu.enqueue_dma source(%dma_start3A_52 : memref<28672xf32, #tpu.memory_space<vmem>>) target(%dma_start3A_50 : memref<28672xf32, #tpu.memory_space<hbm>>) target_semaphore(%run_scoped3A : memref<!tpu.dma_semaphore, #tpu.memory_space<semaphore_mem>>)
      %dma_wait3A = arith.constant 0 : i32
      %dma_wait3A_53 = tpu.memref_slice %arg7[%dma_wait3A] : memref<57344xf32, #tpu.memory_space<vmem>> -> memref<28672xf32, #tpu.memory_space<vmem>>
      %dma_wait3A_54 = tpu.memref_slice %arg4[%multiple_of3A] : memref<3211264xf32, #tpu.memory_space<hbm>> -> memref<28672xf32, #tpu.memory_space<hbm>>
      %dma_wait3A_55 = tpu.memref_slice %arg4[%multiple_of3A] : memref<3211264xf32, #tpu.memory_space<hbm>> -> memref<28672xf32, #tpu.memory_space<hbm>>
      %dma_wait3A_56 = arith.constant 0 : i32
      %dma_wait3A_57 = tpu.memref_slice %arg7[%dma_wait3A_56] : memref<57344xf32, #tpu.memory_space<vmem>> -> memref<28672xf32, #tpu.memory_space<vmem>>
      tpu.wait_dma2 semaphore(%run_scoped3A : memref<!tpu.dma_semaphore, #tpu.memory_space<semaphore_mem>>) src(%dma_wait3A_57 : memref<28672xf32, #tpu.memory_space<vmem>>) dst(%dma_wait3A_55 : memref<28672xf32, #tpu.memory_space<hbm>>)
      tpu.yield
    }) : () -> ()
    %scan3A_15 = arith.constant 0 : i32
    %scan3A_16 = arith.constant 28 : i32
    %scan3A_17 = arith.constant 28 : i32
    %scan3A_18 = arith.addi %scan3A_16, %scan3A_17 : i32
    %scan3A_19 = arith.constant 1 : i32
    scf.for %scan3A_48 = %scan3A_16 to %scan3A_18 step %scan3A_19  : i32 {
      %mul3A_49 = arith.constant 16 : i32
      %mul3A_50 = arith.muli %scan3A_48, %mul3A_49 : i32
      %multiple_of3A_51 = tpu.assume_multiple %mul3A_50, 8 : i32
      %get3A = arith.index_cast %multiple_of3A_51 : i32 to index
      %get3A_52 = tpu.vector_load %arg6[%get3A] {strides = array<i32>} : memref<1568xi32, #tpu.memory_space<vmem>>, vector<16xi32>,
      %mul3A_53 = arith.constant 64 : i32
      %mul3A_54 = vector.broadcast %mul3A_53 : i32 to vector<16xi32>
      %mul3A_55 = arith.muli %get3A_52, %mul3A_54 : vector<16xi32>
      %sub3A = arith.constant 28 : i32
      %sub3A_56 = arith.subi %scan3A_48, %sub3A : i32
      %mul3A_57 = arith.constant 1024 : i32
      %mul3A_58 = arith.muli %sub3A_56, %mul3A_57 : i32
      %add3A_59 = arith.constant 28672 : i32
      %add3A_60 = arith.addi %add3A_59, %mul3A_58 : i32
      %broadcast_in_dim3A = vector.broadcast %add3A_60 : i32 to vector<16xi32>
      %add3A_61 = arith.constant 0 : i32
      %add3A_62 = vector.broadcast %add3A_61 : i32 to vector<16xi32>
      %add3A_63 = arith.addi %mul3A_55, %add3A_62 : vector<16xi32>
      %gather3A = tpu.vector_load_idx %arg5[%add3A_63] : memref<65536xf32, #tpu.memory_space<vmem>>[vector<16xi32>], vector<16xf32>,
      %add3A_64 = arith.constant 0 : i32
      %add3A_65 = vector.broadcast %add3A_64 : i32 to vector<16xi32>
      %add3A_66 = arith.addi %mul3A_5, %add3A_65 : vector<16xi32>
      %add3A_67 = arith.addi %broadcast_in_dim3A, %add3A_66 : vector<16xi32>
      tpu.vector_store_idx %arg7[%add3A_67], %gather3A : memref<57344xf32, #tpu.memory_space<vmem>>[vector<16xi32>], vector<16xf32>,
      %add3A_68 = arith.constant 1 : i32
      %add3A_69 = vector.broadcast %add3A_68 : i32 to vector<16xi32>
      %add3A_70 = arith.addi %mul3A_55, %add3A_69 : vector<16xi32>
      %gather3A_71 = tpu.vector_load_idx %arg5[%add3A_70] : memref<65536xf32, #tpu.memory_space<vmem>>[vector<16xi32>], vector<16xf32>,
      %add3A_72 = arith.constant 1 : i32
      %add3A_73 = vector.broadcast %add3A_72 : i32 to vector<16xi32>
      %add3A_74 = arith.addi %mul3A_5, %add3A_73 : vector<16xi32>
      %add3A_75 = arith.addi %broadcast_in_dim3A, %add3A_74 : vector<16xi32>
      tpu.vector_store_idx %arg7[%add3A_75], %gather3A_71 : memref<57344xf32, #tpu.memory_space<vmem>>[vector<16xi32>], vector<16xf32>,
      %add3A_76 = arith.constant 2 : i32
      %add3A_77 = vector.broadcast %add3A_76 : i32 to vector<16xi32>
      %add3A_78 = arith.addi %mul3A_55, %add3A_77 : vector<16xi32>
      %gather3A_79 = tpu.vector_load_idx %arg5[%add3A_78] : memref<65536xf32, #tpu.memory_space<vmem>>[vector<16xi32>], vector<16xf32>,
      %add3A_80 = arith.constant 2 : i32
      %add3A_81 = vector.broadcast %add3A_80 : i32 to vector<16xi32>
      %add3A_82 = arith.addi %mul3A_5, %add3A_81 : vector<16xi32>
      %add3A_83 = arith.addi %broadcast_in_dim3A, %add3A_82 : vector<16xi32>
      tpu.vector_store_idx %arg7[%add3A_83], %gather3A_79 : memref<57344xf32, #tpu.memory_space<vmem>>[vector<16xi32>], vector<16xf32>,
      %add3A_84 = arith.constant 3 : i32
      %add3A_85 = vector.broadcast %add3A_84 : i32 to vector<16xi32>
      %add3A_86 = arith.addi %mul3A_55, %add3A_85 : vector<16xi32>
      %gather3A_87 = tpu.vector_load_idx %arg5[%add3A_86] : memref<65536xf32, #tpu.memory_space<vmem>>[vector<16xi32>], vector<16xf32>,
      %add3A_88 = arith.constant 3 : i32
      %add3A_89 = vector.broadcast %add3A_88 : i32 to vector<16xi32>
      %add3A_90 = arith.addi %mul3A_5, %add3A_89 : vector<16xi32>
      %add3A_91 = arith.addi %broadcast_in_dim3A, %add3A_90 : vector<16xi32>
      tpu.vector_store_idx %arg7[%add3A_91], %gather3A_87 : memref<57344xf32, #tpu.memory_space<vmem>>[vector<16xi32>], vector<16xf32>,
      %add3A_92 = arith.constant 4 : i32
      %add3A_93 = vector.broadcast %add3A_92 : i32 to vector<16xi32>
      %add3A_94 = arith.addi %mul3A_55, %add3A_93 : vector<16xi32>
      %gather3A_95 = tpu.vector_load_idx %arg5[%add3A_94] : memref<65536xf32, #tpu.memory_space<vmem>>[vector<16xi32>], vector<16xf32>,
      %add3A_96 = arith.constant 4 : i32
      %add3A_97 = vector.broadcast %add3A_96 : i32 to vector<16xi32>
      %add3A_98 = arith.addi %mul3A_5, %add3A_97 : vector<16xi32>
      %add3A_99 = arith.addi %broadcast_in_dim3A, %add3A_98 : vector<16xi32>
      tpu.vector_store_idx %arg7[%add3A_99], %gather3A_95 : memref<57344xf32, #tpu.memory_space<vmem>>[vector<16xi32>], vector<16xf32>,
      %add3A_100 = arith.constant 5 : i32
      %add3A_101 = vector.broadcast %add3A_100 : i32 to vector<16xi32>
      %add3A_102 = arith.addi %mul3A_55, %add3A_101 : vector<16xi32>
      %gather3A_103 = tpu.vector_load_idx %arg5[%add3A_102] : memref<65536xf32, #tpu.memory_space<vmem>>[vector<16xi32>], vector<16xf32>,
      %add3A_104 = arith.constant 5 : i32
      %add3A_105 = vector.broadcast %add3A_104 : i32 to vector<16xi32>
      %add3A_106 = arith.addi %mul3A_5, %add3A_105 : vector<16xi32>
      %add3A_107 = arith.addi %broadcast_in_dim3A, %add3A_106 : vector<16xi32>
      tpu.vector_store_idx %arg7[%add3A_107], %gather3A_103 : memref<57344xf32, #tpu.memory_space<vmem>>[vector<16xi32>], vector<16xf32>,
      %add3A_108 = arith.constant 6 : i32
      %add3A_109 = vector.broadcast %add3A_108 : i32 to vector<16xi32>
      %add3A_110 = arith.addi %mul3A_55, %add3A_109 : vector<16xi32>
      %gather3A_111 = tpu.vector_load_idx %arg5[%add3A_110] : memref<65536xf32, #tpu.memory_space<vmem>>[vector<16xi32>], vector<16xf32>,
      %add3A_112 = arith.constant 6 : i32
      %add3A_113 = vector.broadcast %add3A_112 : i32 to vector<16xi32>
      %add3A_114 = arith.addi %mul3A_5, %add3A_113 : vector<16xi32>
      %add3A_115 = arith.addi %broadcast_in_dim3A, %add3A_114 : vector<16xi32>
      tpu.vector_store_idx %arg7[%add3A_115], %gather3A_111 : memref<57344xf32, #tpu.memory_space<vmem>>[vector<16xi32>], vector<16xf32>,
      %add3A_116 = arith.constant 7 : i32
      %add3A_117 = vector.broadcast %add3A_116 : i32 to vector<16xi32>
      %add3A_118 = arith.addi %mul3A_55, %add3A_117 : vector<16xi32>
      %gather3A_119 = tpu.vector_load_idx %arg5[%add3A_118] : memref<65536xf32, #tpu.memory_space<vmem>>[vector<16xi32>], vector<16xf32>,
      %add3A_120 = arith.constant 7 : i32
      %add3A_121 = vector.broadcast %add3A_120 : i32 to vector<16xi32>
      %add3A_122 = arith.addi %mul3A_5, %add3A_121 : vector<16xi32>
      %add3A_123 = arith.addi %broadcast_in_dim3A, %add3A_122 : vector<16xi32>
      tpu.vector_store_idx %arg7[%add3A_123], %gather3A_119 : memref<57344xf32, #tpu.memory_space<vmem>>[vector<16xi32>], vector<16xf32>,
      %add3A_124 = arith.constant 8 : i32
      %add3A_125 = vector.broadcast %add3A_124 : i32 to vector<16xi32>
      %add3A_126 = arith.addi %mul3A_55, %add3A_125 : vector<16xi32>
      %gather3A_127 = tpu.vector_load_idx %arg5[%add3A_126] : memref<65536xf32, #tpu.memory_space<vmem>>[vector<16xi32>], vector<16xf32>,
      %add3A_128 = arith.constant 8 : i32
      %add3A_129 = vector.broadcast %add3A_128 : i32 to vector<16xi32>
      %add3A_130 = arith.addi %mul3A_5, %add3A_129 : vector<16xi32>
      %add3A_131 = arith.addi %broadcast_in_dim3A, %add3A_130 : vector<16xi32>
      tpu.vector_store_idx %arg7[%add3A_131], %gather3A_127 : memref<57344xf32, #tpu.memory_space<vmem>>[vector<16xi32>], vector<16xf32>,
      %add3A_132 = arith.constant 9 : i32
      %add3A_133 = vector.broadcast %add3A_132 : i32 to vector<16xi32>
      %add3A_134 = arith.addi %mul3A_55, %add3A_133 : vector<16xi32>
      %gather3A_135 = tpu.vector_load_idx %arg5[%add3A_134] : memref<65536xf32, #tpu.memory_space<vmem>>[vector<16xi32>], vector<16xf32>,
      %add3A_136 = arith.constant 9 : i32
      %add3A_137 = vector.broadcast %add3A_136 : i32 to vector<16xi32>
      %add3A_138 = arith.addi %mul3A_5, %add3A_137 : vector<16xi32>
      %add3A_139 = arith.addi %broadcast_in_dim3A, %add3A_138 : vector<16xi32>
      tpu.vector_store_idx %arg7[%add3A_139], %gather3A_135 : memref<57344xf32, #tpu.memory_space<vmem>>[vector<16xi32>], vector<16xf32>,
      %add3A_140 = arith.constant 10 : i32
      %add3A_141 = vector.broadcast %add3A_140 : i32 to vector<16xi32>
      %add3A_142 = arith.addi %mul3A_55, %add3A_141 : vector<16xi32>
      %gather3A_143 = tpu.vector_load_idx %arg5[%add3A_142] : memref<65536xf32, #tpu.memory_space<vmem>>[vector<16xi32>], vector<16xf32>,
      %add3A_144 = arith.constant 10 : i32
      %add3A_145 = vector.broadcast %add3A_144 : i32 to vector<16xi32>
      %add3A_146 = arith.addi %mul3A_5, %add3A_145 : vector<16xi32>
      %add3A_147 = arith.addi %broadcast_in_dim3A, %add3A_146 : vector<16xi32>
      tpu.vector_store_idx %arg7[%add3A_147], %gather3A_143 : memref<57344xf32, #tpu.memory_space<vmem>>[vector<16xi32>], vector<16xf32>,
      %add3A_148 = arith.constant 11 : i32
      %add3A_149 = vector.broadcast %add3A_148 : i32 to vector<16xi32>
      %add3A_150 = arith.addi %mul3A_55, %add3A_149 : vector<16xi32>
      %gather3A_151 = tpu.vector_load_idx %arg5[%add3A_150] : memref<65536xf32, #tpu.memory_space<vmem>>[vector<16xi32>], vector<16xf32>,
      %add3A_152 = arith.constant 11 : i32
      %add3A_153 = vector.broadcast %add3A_152 : i32 to vector<16xi32>
      %add3A_154 = arith.addi %mul3A_5, %add3A_153 : vector<16xi32>
      %add3A_155 = arith.addi %broadcast_in_dim3A, %add3A_154 : vector<16xi32>
      tpu.vector_store_idx %arg7[%add3A_155], %gather3A_151 : memref<57344xf32, #tpu.memory_space<vmem>>[vector<16xi32>], vector<16xf32>,
      %add3A_156 = arith.constant 12 : i32
      %add3A_157 = vector.broadcast %add3A_156 : i32 to vector<16xi32>
      %add3A_158 = arith.addi %mul3A_55, %add3A_157 : vector<16xi32>
      %gather3A_159 = tpu.vector_load_idx %arg5[%add3A_158] : memref<65536xf32, #tpu.memory_space<vmem>>[vector<16xi32>], vector<16xf32>,
      %add3A_160 = arith.constant 12 : i32
      %add3A_161 = vector.broadcast %add3A_160 : i32 to vector<16xi32>
      %add3A_162 = arith.addi %mul3A_5, %add3A_161 : vector<16xi32>
      %add3A_163 = arith.addi %broadcast_in_dim3A, %add3A_162 : vector<16xi32>
      tpu.vector_store_idx %arg7[%add3A_163], %gather3A_159 : memref<57344xf32, #tpu.memory_space<vmem>>[vector<16xi32>], vector<16xf32>,
      %add3A_164 = arith.constant 13 : i32
      %add3A_165 = vector.broadcast %add3A_164 : i32 to vector<16xi32>
      %add3A_166 = arith.addi %mul3A_55, %add3A_165 : vector<16xi32>
      %gather3A_167 = tpu.vector_load_idx %arg5[%add3A_166] : memref<65536xf32, #tpu.memory_space<vmem>>[vector<16xi32>], vector<16xf32>,
      %add3A_168 = arith.constant 13 : i32
      %add3A_169 = vector.broadcast %add3A_168 : i32 to vector<16xi32>
      %add3A_170 = arith.addi %mul3A_5, %add3A_169 : vector<16xi32>
      %add3A_171 = arith.addi %broadcast_in_dim3A, %add3A_170 : vector<16xi32>
      tpu.vector_store_idx %arg7[%add3A_171], %gather3A_167 : memref<57344xf32, #tpu.memory_space<vmem>>[vector<16xi32>], vector<16xf32>,
      %add3A_172 = arith.constant 14 : i32
      %add3A_173 = vector.broadcast %add3A_172 : i32 to vector<16xi32>
      %add3A_174 = arith.addi %mul3A_55, %add3A_173 : vector<16xi32>
      %gather3A_175 = tpu.vector_load_idx %arg5[%add3A_174] : memref<65536xf32, #tpu.memory_space<vmem>>[vector<16xi32>], vector<16xf32>,
      %add3A_176 = arith.constant 14 : i32
      %add3A_177 = vector.broadcast %add3A_176 : i32 to vector<16xi32>
      %add3A_178 = arith.addi %mul3A_5, %add3A_177 : vector<16xi32>
      %add3A_179 = arith.addi %broadcast_in_dim3A, %add3A_178 : vector<16xi32>
      tpu.vector_store_idx %arg7[%add3A_179], %gather3A_175 : memref<57344xf32, #tpu.memory_space<vmem>>[vector<16xi32>], vector<16xf32>,
      %add3A_180 = arith.constant 15 : i32
      %add3A_181 = vector.broadcast %add3A_180 : i32 to vector<16xi32>
      %add3A_182 = arith.addi %mul3A_55, %add3A_181 : vector<16xi32>
      %gather3A_183 = tpu.vector_load_idx %arg5[%add3A_182] : memref<65536xf32, #tpu.memory_space<vmem>>[vector<16xi32>], vector<16xf32>,
      %add3A_184 = arith.constant 15 : i32
      %add3A_185 = vector.broadcast %add3A_184 : i32 to vector<16xi32>
      %add3A_186 = arith.addi %mul3A_5, %add3A_185 : vector<16xi32>
      %add3A_187 = arith.addi %broadcast_in_dim3A, %add3A_186 : vector<16xi32>
      tpu.vector_store_idx %arg7[%add3A_187], %gather3A_183 : memref<57344xf32, #tpu.memory_space<vmem>>[vector<16xi32>], vector<16xf32>,
      %add3A_188 = arith.constant 16 : i32
      %add3A_189 = vector.broadcast %add3A_188 : i32 to vector<16xi32>
      %add3A_190 = arith.addi %mul3A_55, %add3A_189 : vector<16xi32>
      %gather3A_191 = tpu.vector_load_idx %arg5[%add3A_190] : memref<65536xf32, #tpu.memory_space<vmem>>[vector<16xi32>], vector<16xf32>,
      %add3A_192 = arith.constant 16 : i32
      %add3A_193 = vector.broadcast %add3A_192 : i32 to vector<16xi32>
      %add3A_194 = arith.addi %mul3A_5, %add3A_193 : vector<16xi32>
      %add3A_195 = arith.addi %broadcast_in_dim3A, %add3A_194 : vector<16xi32>
      tpu.vector_store_idx %arg7[%add3A_195], %gather3A_191 : memref<57344xf32, #tpu.memory_space<vmem>>[vector<16xi32>], vector<16xf32>,
      %add3A_196 = arith.constant 17 : i32
      %add3A_197 = vector.broadcast %add3A_196 : i32 to vector<16xi32>
      %add3A_198 = arith.addi %mul3A_55, %add3A_197 : vector<16xi32>
      %gather3A_199 = tpu.vector_load_idx %arg5[%add3A_198] : memref<65536xf32, #tpu.memory_space<vmem>>[vector<16xi32>], vector<16xf32>,
      %add3A_200 = arith.constant 17 : i32
      %add3A_201 = vector.broadcast %add3A_200 : i32 to vector<16xi32>
      %add3A_202 = arith.addi %mul3A_5, %add3A_201 : vector<16xi32>
      %add3A_203 = arith.addi %broadcast_in_dim3A, %add3A_202 : vector<16xi32>
      tpu.vector_store_idx %arg7[%add3A_203], %gather3A_199 : memref<57344xf32, #tpu.memory_space<vmem>>[vector<16xi32>], vector<16xf32>,
      %add3A_204 = arith.constant 18 : i32
      %add3A_205 = vector.broadcast %add3A_204 : i32 to vector<16xi32>
      %add3A_206 = arith.addi %mul3A_55, %add3A_205 : vector<16xi32>
      %gather3A_207 = tpu.vector_load_idx %arg5[%add3A_206] : memref<65536xf32, #tpu.memory_space<vmem>>[vector<16xi32>], vector<16xf32>,
      %add3A_208 = arith.constant 18 : i32
      %add3A_209 = vector.broadcast %add3A_208 : i32 to vector<16xi32>
      %add3A_210 = arith.addi %mul3A_5, %add3A_209 : vector<16xi32>
      %add3A_211 = arith.addi %broadcast_in_dim3A, %add3A_210 : vector<16xi32>
      tpu.vector_store_idx %arg7[%add3A_211], %gather3A_207 : memref<57344xf32, #tpu.memory_space<vmem>>[vector<16xi32>], vector<16xf32>,
      %add3A_212 = arith.constant 19 : i32
      %add3A_213 = vector.broadcast %add3A_212 : i32 to vector<16xi32>
      %add3A_214 = arith.addi %mul3A_55, %add3A_213 : vector<16xi32>
      %gather3A_215 = tpu.vector_load_idx %arg5[%add3A_214] : memref<65536xf32, #tpu.memory_space<vmem>>[vector<16xi32>], vector<16xf32>,
      %add3A_216 = arith.constant 19 : i32
      %add3A_217 = vector.broadcast %add3A_216 : i32 to vector<16xi32>
      %add3A_218 = arith.addi %mul3A_5, %add3A_217 : vector<16xi32>
      %add3A_219 = arith.addi %broadcast_in_dim3A, %add3A_218 : vector<16xi32>
      tpu.vector_store_idx %arg7[%add3A_219], %gather3A_215 : memref<57344xf32, #tpu.memory_space<vmem>>[vector<16xi32>], vector<16xf32>,
      %add3A_220 = arith.constant 20 : i32
      %add3A_221 = vector.broadcast %add3A_220 : i32 to vector<16xi32>
      %add3A_222 = arith.addi %mul3A_55, %add3A_221 : vector<16xi32>
      %gather3A_223 = tpu.vector_load_idx %arg5[%add3A_222] : memref<65536xf32, #tpu.memory_space<vmem>>[vector<16xi32>], vector<16xf32>,
      %add3A_224 = arith.constant 20 : i32
      %add3A_225 = vector.broadcast %add3A_224 : i32 to vector<16xi32>
      %add3A_226 = arith.addi %mul3A_5, %add3A_225 : vector<16xi32>
      %add3A_227 = arith.addi %broadcast_in_dim3A, %add3A_226 : vector<16xi32>
      tpu.vector_store_idx %arg7[%add3A_227], %gather3A_223 : memref<57344xf32, #tpu.memory_space<vmem>>[vector<16xi32>], vector<16xf32>,
      %add3A_228 = arith.constant 21 : i32
      %add3A_229 = vector.broadcast %add3A_228 : i32 to vector<16xi32>
      %add3A_230 = arith.addi %mul3A_55, %add3A_229 : vector<16xi32>
      %gather3A_231 = tpu.vector_load_idx %arg5[%add3A_230] : memref<65536xf32, #tpu.memory_space<vmem>>[vector<16xi32>], vector<16xf32>,
      %add3A_232 = arith.constant 21 : i32
      %add3A_233 = vector.broadcast %add3A_232 : i32 to vector<16xi32>
      %add3A_234 = arith.addi %mul3A_5, %add3A_233 : vector<16xi32>
      %add3A_235 = arith.addi %broadcast_in_dim3A, %add3A_234 : vector<16xi32>
      tpu.vector_store_idx %arg7[%add3A_235], %gather3A_231 : memref<57344xf32, #tpu.memory_space<vmem>>[vector<16xi32>], vector<16xf32>,
      %add3A_236 = arith.constant 22 : i32
      %add3A_237 = vector.broadcast %add3A_236 : i32 to vector<16xi32>
      %add3A_238 = arith.addi %mul3A_55, %add3A_237 : vector<16xi32>
      %gather3A_239 = tpu.vector_load_idx %arg5[%add3A_238] : memref<65536xf32, #tpu.memory_space<vmem>>[vector<16xi32>], vector<16xf32>,
      %add3A_240 = arith.constant 22 : i32
      %add3A_241 = vector.broadcast %add3A_240 : i32 to vector<16xi32>
      %add3A_242 = arith.addi %mul3A_5, %add3A_241 : vector<16xi32>
      %add3A_243 = arith.addi %broadcast_in_dim3A, %add3A_242 : vector<16xi32>
      tpu.vector_store_idx %arg7[%add3A_243], %gather3A_239 : memref<57344xf32, #tpu.memory_space<vmem>>[vector<16xi32>], vector<16xf32>,
      %add3A_244 = arith.constant 23 : i32
      %add3A_245 = vector.broadcast %add3A_244 : i32 to vector<16xi32>
      %add3A_246 = arith.addi %mul3A_55, %add3A_245 : vector<16xi32>
      %gather3A_247 = tpu.vector_load_idx %arg5[%add3A_246] : memref<65536xf32, #tpu.memory_space<vmem>>[vector<16xi32>], vector<16xf32>,
      %add3A_248 = arith.constant 23 : i32
      %add3A_249 = vector.broadcast %add3A_248 : i32 to vector<16xi32>
      %add3A_250 = arith.addi %mul3A_5, %add3A_249 : vector<16xi32>
      %add3A_251 = arith.addi %broadcast_in_dim3A, %add3A_250 : vector<16xi32>
      tpu.vector_store_idx %arg7[%add3A_251], %gather3A_247 : memref<57344xf32, #tpu.memory_space<vmem>>[vector<16xi32>], vector<16xf32>,
      %add3A_252 = arith.constant 24 : i32
      %add3A_253 = vector.broadcast %add3A_252 : i32 to vector<16xi32>
      %add3A_254 = arith.addi %mul3A_55, %add3A_253 : vector<16xi32>
      %gather3A_255 = tpu.vector_load_idx %arg5[%add3A_254] : memref<65536xf32, #tpu.memory_space<vmem>>[vector<16xi32>], vector<16xf32>,
      %add3A_256 = arith.constant 24 : i32
      %add3A_257 = vector.broadcast %add3A_256 : i32 to vector<16xi32>
      %add3A_258 = arith.addi %mul3A_5, %add3A_257 : vector<16xi32>
      %add3A_259 = arith.addi %broadcast_in_dim3A, %add3A_258 : vector<16xi32>
      tpu.vector_store_idx %arg7[%add3A_259], %gather3A_255 : memref<57344xf32, #tpu.memory_space<vmem>>[vector<16xi32>], vector<16xf32>,
      %add3A_260 = arith.constant 25 : i32
      %add3A_261 = vector.broadcast %add3A_260 : i32 to vector<16xi32>
      %add3A_262 = arith.addi %mul3A_55, %add3A_261 : vector<16xi32>
      %gather3A_263 = tpu.vector_load_idx %arg5[%add3A_262] : memref<65536xf32, #tpu.memory_space<vmem>>[vector<16xi32>], vector<16xf32>,
      %add3A_264 = arith.constant 25 : i32
      %add3A_265 = vector.broadcast %add3A_264 : i32 to vector<16xi32>
      %add3A_266 = arith.addi %mul3A_5, %add3A_265 : vector<16xi32>
      %add3A_267 = arith.addi %broadcast_in_dim3A, %add3A_266 : vector<16xi32>
      tpu.vector_store_idx %arg7[%add3A_267], %gather3A_263 : memref<57344xf32, #tpu.memory_space<vmem>>[vector<16xi32>], vector<16xf32>,
      %add3A_268 = arith.constant 26 : i32
      %add3A_269 = vector.broadcast %add3A_268 : i32 to vector<16xi32>
      %add3A_270 = arith.addi %mul3A_55, %add3A_269 : vector<16xi32>
      %gather3A_271 = tpu.vector_load_idx %arg5[%add3A_270] : memref<65536xf32, #tpu.memory_space<vmem>>[vector<16xi32>], vector<16xf32>,
      %add3A_272 = arith.constant 26 : i32
      %add3A_273 = vector.broadcast %add3A_272 : i32 to vector<16xi32>
      %add3A_274 = arith.addi %mul3A_5, %add3A_273 : vector<16xi32>
      %add3A_275 = arith.addi %broadcast_in_dim3A, %add3A_274 : vector<16xi32>
      tpu.vector_store_idx %arg7[%add3A_275], %gather3A_271 : memref<57344xf32, #tpu.memory_space<vmem>>[vector<16xi32>], vector<16xf32>,
      %add3A_276 = arith.constant 27 : i32
      %add3A_277 = vector.broadcast %add3A_276 : i32 to vector<16xi32>
      %add3A_278 = arith.addi %mul3A_55, %add3A_277 : vector<16xi32>
      %gather3A_279 = tpu.vector_load_idx %arg5[%add3A_278] : memref<65536xf32, #tpu.memory_space<vmem>>[vector<16xi32>], vector<16xf32>,
      %add3A_280 = arith.constant 27 : i32
      %add3A_281 = vector.broadcast %add3A_280 : i32 to vector<16xi32>
      %add3A_282 = arith.addi %mul3A_5, %add3A_281 : vector<16xi32>
      %add3A_283 = arith.addi %broadcast_in_dim3A, %add3A_282 : vector<16xi32>
      tpu.vector_store_idx %arg7[%add3A_283], %gather3A_279 : memref<57344xf32, #tpu.memory_space<vmem>>[vector<16xi32>], vector<16xf32>,
      %add3A_284 = arith.constant 28 : i32
      %add3A_285 = vector.broadcast %add3A_284 : i32 to vector<16xi32>
      %add3A_286 = arith.addi %mul3A_55, %add3A_285 : vector<16xi32>
      %gather3A_287 = tpu.vector_load_idx %arg5[%add3A_286] : memref<65536xf32, #tpu.memory_space<vmem>>[vector<16xi32>], vector<16xf32>,
      %add3A_288 = arith.constant 28 : i32
      %add3A_289 = vector.broadcast %add3A_288 : i32 to vector<16xi32>
      %add3A_290 = arith.addi %mul3A_5, %add3A_289 : vector<16xi32>
      %add3A_291 = arith.addi %broadcast_in_dim3A, %add3A_290 : vector<16xi32>
      tpu.vector_store_idx %arg7[%add3A_291], %gather3A_287 : memref<57344xf32, #tpu.memory_space<vmem>>[vector<16xi32>], vector<16xf32>,
      %add3A_292 = arith.constant 29 : i32
      %add3A_293 = vector.broadcast %add3A_292 : i32 to vector<16xi32>
      %add3A_294 = arith.addi %mul3A_55, %add3A_293 : vector<16xi32>
      %gather3A_295 = tpu.vector_load_idx %arg5[%add3A_294] : memref<65536xf32, #tpu.memory_space<vmem>>[vector<16xi32>], vector<16xf32>,
      %add3A_296 = arith.constant 29 : i32
      %add3A_297 = vector.broadcast %add3A_296 : i32 to vector<16xi32>
      %add3A_298 = arith.addi %mul3A_5, %add3A_297 : vector<16xi32>
      %add3A_299 = arith.addi %broadcast_in_dim3A, %add3A_298 : vector<16xi32>
      tpu.vector_store_idx %arg7[%add3A_299], %gather3A_295 : memref<57344xf32, #tpu.memory_space<vmem>>[vector<16xi32>], vector<16xf32>,
      %add3A_300 = arith.constant 30 : i32
      %add3A_301 = vector.broadcast %add3A_300 : i32 to vector<16xi32>
      %add3A_302 = arith.addi %mul3A_55, %add3A_301 : vector<16xi32>
      %gather3A_303 = tpu.vector_load_idx %arg5[%add3A_302] : memref<65536xf32, #tpu.memory_space<vmem>>[vector<16xi32>], vector<16xf32>,
      %add3A_304 = arith.constant 30 : i32
      %add3A_305 = vector.broadcast %add3A_304 : i32 to vector<16xi32>
      %add3A_306 = arith.addi %mul3A_5, %add3A_305 : vector<16xi32>
      %add3A_307 = arith.addi %broadcast_in_dim3A, %add3A_306 : vector<16xi32>
      tpu.vector_store_idx %arg7[%add3A_307], %gather3A_303 : memref<57344xf32, #tpu.memory_space<vmem>>[vector<16xi32>], vector<16xf32>,
      %add3A_308 = arith.constant 31 : i32
      %add3A_309 = vector.broadcast %add3A_308 : i32 to vector<16xi32>
      %add3A_310 = arith.addi %mul3A_55, %add3A_309 : vector<16xi32>
      %gather3A_311 = tpu.vector_load_idx %arg5[%add3A_310] : memref<65536xf32, #tpu.memory_space<vmem>>[vector<16xi32>], vector<16xf32>,
      %add3A_312 = arith.constant 31 : i32
      %add3A_313 = vector.broadcast %add3A_312 : i32 to vector<16xi32>
      %add3A_314 = arith.addi %mul3A_5, %add3A_313 : vector<16xi32>
      %add3A_315 = arith.addi %broadcast_in_dim3A, %add3A_314 : vector<16xi32>
      tpu.vector_store_idx %arg7[%add3A_315], %gather3A_311 : memref<57344xf32, #tpu.memory_space<vmem>>[vector<16xi32>], vector<16xf32>,
      %add3A_316 = arith.constant 32 : i32
      %add3A_317 = vector.broadcast %add3A_316 : i32 to vector<16xi32>
      %add3A_318 = arith.addi %mul3A_55, %add3A_317 : vector<16xi32>
      %gather3A_319 = tpu.vector_load_idx %arg5[%add3A_318] : memref<65536xf32, #tpu.memory_space<vmem>>[vector<16xi32>], vector<16xf32>,
      %add3A_320 = arith.constant 32 : i32
      %add3A_321 = vector.broadcast %add3A_320 : i32 to vector<16xi32>
      %add3A_322 = arith.addi %mul3A_5, %add3A_321 : vector<16xi32>
      %add3A_323 = arith.addi %broadcast_in_dim3A, %add3A_322 : vector<16xi32>
      tpu.vector_store_idx %arg7[%add3A_323], %gather3A_319 : memref<57344xf32, #tpu.memory_space<vmem>>[vector<16xi32>], vector<16xf32>,
      %add3A_324 = arith.constant 33 : i32
      %add3A_325 = vector.broadcast %add3A_324 : i32 to vector<16xi32>
      %add3A_326 = arith.addi %mul3A_55, %add3A_325 : vector<16xi32>
      %gather3A_327 = tpu.vector_load_idx %arg5[%add3A_326] : memref<65536xf32, #tpu.memory_space<vmem>>[vector<16xi32>], vector<16xf32>,
      %add3A_328 = arith.constant 33 : i32
      %add3A_329 = vector.broadcast %add3A_328 : i32 to vector<16xi32>
      %add3A_330 = arith.addi %mul3A_5, %add3A_329 : vector<16xi32>
      %add3A_331 = arith.addi %broadcast_in_dim3A, %add3A_330 : vector<16xi32>
      tpu.vector_store_idx %arg7[%add3A_331], %gather3A_327 : memref<57344xf32, #tpu.memory_space<vmem>>[vector<16xi32>], vector<16xf32>,
      %add3A_332 = arith.constant 34 : i32
      %add3A_333 = vector.broadcast %add3A_332 : i32 to vector<16xi32>
      %add3A_334 = arith.addi %mul3A_55, %add3A_333 : vector<16xi32>
      %gather3A_335 = tpu.vector_load_idx %arg5[%add3A_334] : memref<65536xf32, #tpu.memory_space<vmem>>[vector<16xi32>], vector<16xf32>,
      %add3A_336 = arith.constant 34 : i32
      %add3A_337 = vector.broadcast %add3A_336 : i32 to vector<16xi32>
      %add3A_338 = arith.addi %mul3A_5, %add3A_337 : vector<16xi32>
      %add3A_339 = arith.addi %broadcast_in_dim3A, %add3A_338 : vector<16xi32>
      tpu.vector_store_idx %arg7[%add3A_339], %gather3A_335 : memref<57344xf32, #tpu.memory_space<vmem>>[vector<16xi32>], vector<16xf32>,
      %add3A_340 = arith.constant 35 : i32
      %add3A_341 = vector.broadcast %add3A_340 : i32 to vector<16xi32>
      %add3A_342 = arith.addi %mul3A_55, %add3A_341 : vector<16xi32>
      %gather3A_343 = tpu.vector_load_idx %arg5[%add3A_342] : memref<65536xf32, #tpu.memory_space<vmem>>[vector<16xi32>], vector<16xf32>,
      %add3A_344 = arith.constant 35 : i32
      %add3A_345 = vector.broadcast %add3A_344 : i32 to vector<16xi32>
      %add3A_346 = arith.addi %mul3A_5, %add3A_345 : vector<16xi32>
      %add3A_347 = arith.addi %broadcast_in_dim3A, %add3A_346 : vector<16xi32>
      tpu.vector_store_idx %arg7[%add3A_347], %gather3A_343 : memref<57344xf32, #tpu.memory_space<vmem>>[vector<16xi32>], vector<16xf32>,
      %add3A_348 = arith.constant 36 : i32
      %add3A_349 = vector.broadcast %add3A_348 : i32 to vector<16xi32>
      %add3A_350 = arith.addi %mul3A_55, %add3A_349 : vector<16xi32>
      %gather3A_351 = tpu.vector_load_idx %arg5[%add3A_350] : memref<65536xf32, #tpu.memory_space<vmem>>[vector<16xi32>], vector<16xf32>,
      %add3A_352 = arith.constant 36 : i32
      %add3A_353 = vector.broadcast %add3A_352 : i32 to vector<16xi32>
      %add3A_354 = arith.addi %mul3A_5, %add3A_353 : vector<16xi32>
      %add3A_355 = arith.addi %broadcast_in_dim3A, %add3A_354 : vector<16xi32>
      tpu.vector_store_idx %arg7[%add3A_355], %gather3A_351 : memref<57344xf32, #tpu.memory_space<vmem>>[vector<16xi32>], vector<16xf32>,
      %add3A_356 = arith.constant 37 : i32
      %add3A_357 = vector.broadcast %add3A_356 : i32 to vector<16xi32>
      %add3A_358 = arith.addi %mul3A_55, %add3A_357 : vector<16xi32>
      %gather3A_359 = tpu.vector_load_idx %arg5[%add3A_358] : memref<65536xf32, #tpu.memory_space<vmem>>[vector<16xi32>], vector<16xf32>,
      %add3A_360 = arith.constant 37 : i32
      %add3A_361 = vector.broadcast %add3A_360 : i32 to vector<16xi32>
      %add3A_362 = arith.addi %mul3A_5, %add3A_361 : vector<16xi32>
      %add3A_363 = arith.addi %broadcast_in_dim3A, %add3A_362 : vector<16xi32>
      tpu.vector_store_idx %arg7[%add3A_363], %gather3A_359 : memref<57344xf32, #tpu.memory_space<vmem>>[vector<16xi32>], vector<16xf32>,
      %add3A_364 = arith.constant 38 : i32
      %add3A_365 = vector.broadcast %add3A_364 : i32 to vector<16xi32>
      %add3A_366 = arith.addi %mul3A_55, %add3A_365 : vector<16xi32>
      %gather3A_367 = tpu.vector_load_idx %arg5[%add3A_366] : memref<65536xf32, #tpu.memory_space<vmem>>[vector<16xi32>], vector<16xf32>,
      %add3A_368 = arith.constant 38 : i32
      %add3A_369 = vector.broadcast %add3A_368 : i32 to vector<16xi32>
      %add3A_370 = arith.addi %mul3A_5, %add3A_369 : vector<16xi32>
      %add3A_371 = arith.addi %broadcast_in_dim3A, %add3A_370 : vector<16xi32>
      tpu.vector_store_idx %arg7[%add3A_371], %gather3A_367 : memref<57344xf32, #tpu.memory_space<vmem>>[vector<16xi32>], vector<16xf32>,
      %add3A_372 = arith.constant 39 : i32
      %add3A_373 = vector.broadcast %add3A_372 : i32 to vector<16xi32>
      %add3A_374 = arith.addi %mul3A_55, %add3A_373 : vector<16xi32>
      %gather3A_375 = tpu.vector_load_idx %arg5[%add3A_374] : memref<65536xf32, #tpu.memory_space<vmem>>[vector<16xi32>], vector<16xf32>,
      %add3A_376 = arith.constant 39 : i32
      %add3A_377 = vector.broadcast %add3A_376 : i32 to vector<16xi32>
      %add3A_378 = arith.addi %mul3A_5, %add3A_377 : vector<16xi32>
      %add3A_379 = arith.addi %broadcast_in_dim3A, %add3A_378 : vector<16xi32>
      tpu.vector_store_idx %arg7[%add3A_379], %gather3A_375 : memref<57344xf32, #tpu.memory_space<vmem>>[vector<16xi32>], vector<16xf32>,
      %add3A_380 = arith.constant 40 : i32
      %add3A_381 = vector.broadcast %add3A_380 : i32 to vector<16xi32>
      %add3A_382 = arith.addi %mul3A_55, %add3A_381 : vector<16xi32>
      %gather3A_383 = tpu.vector_load_idx %arg5[%add3A_382] : memref<65536xf32, #tpu.memory_space<vmem>>[vector<16xi32>], vector<16xf32>,
      %add3A_384 = arith.constant 40 : i32
      %add3A_385 = vector.broadcast %add3A_384 : i32 to vector<16xi32>
      %add3A_386 = arith.addi %mul3A_5, %add3A_385 : vector<16xi32>
      %add3A_387 = arith.addi %broadcast_in_dim3A, %add3A_386 : vector<16xi32>
      tpu.vector_store_idx %arg7[%add3A_387], %gather3A_383 : memref<57344xf32, #tpu.memory_space<vmem>>[vector<16xi32>], vector<16xf32>,
      %add3A_388 = arith.constant 41 : i32
      %add3A_389 = vector.broadcast %add3A_388 : i32 to vector<16xi32>
      %add3A_390 = arith.addi %mul3A_55, %add3A_389 : vector<16xi32>
      %gather3A_391 = tpu.vector_load_idx %arg5[%add3A_390] : memref<65536xf32, #tpu.memory_space<vmem>>[vector<16xi32>], vector<16xf32>,
      %add3A_392 = arith.constant 41 : i32
      %add3A_393 = vector.broadcast %add3A_392 : i32 to vector<16xi32>
      %add3A_394 = arith.addi %mul3A_5, %add3A_393 : vector<16xi32>
      %add3A_395 = arith.addi %broadcast_in_dim3A, %add3A_394 : vector<16xi32>
      tpu.vector_store_idx %arg7[%add3A_395], %gather3A_391 : memref<57344xf32, #tpu.memory_space<vmem>>[vector<16xi32>], vector<16xf32>,
      %add3A_396 = arith.constant 42 : i32
      %add3A_397 = vector.broadcast %add3A_396 : i32 to vector<16xi32>
      %add3A_398 = arith.addi %mul3A_55, %add3A_397 : vector<16xi32>
      %gather3A_399 = tpu.vector_load_idx %arg5[%add3A_398] : memref<65536xf32, #tpu.memory_space<vmem>>[vector<16xi32>], vector<16xf32>,
      %add3A_400 = arith.constant 42 : i32
      %add3A_401 = vector.broadcast %add3A_400 : i32 to vector<16xi32>
      %add3A_402 = arith.addi %mul3A_5, %add3A_401 : vector<16xi32>
      %add3A_403 = arith.addi %broadcast_in_dim3A, %add3A_402 : vector<16xi32>
      tpu.vector_store_idx %arg7[%add3A_403], %gather3A_399 : memref<57344xf32, #tpu.memory_space<vmem>>[vector<16xi32>], vector<16xf32>,
      %add3A_404 = arith.constant 43 : i32
      %add3A_405 = vector.broadcast %add3A_404 : i32 to vector<16xi32>
      %add3A_406 = arith.addi %mul3A_55, %add3A_405 : vector<16xi32>
      %gather3A_407 = tpu.vector_load_idx %arg5[%add3A_406] : memref<65536xf32, #tpu.memory_space<vmem>>[vector<16xi32>], vector<16xf32>,
      %add3A_408 = arith.constant 43 : i32
      %add3A_409 = vector.broadcast %add3A_408 : i32 to vector<16xi32>
      %add3A_410 = arith.addi %mul3A_5, %add3A_409 : vector<16xi32>
      %add3A_411 = arith.addi %broadcast_in_dim3A, %add3A_410 : vector<16xi32>
      tpu.vector_store_idx %arg7[%add3A_411], %gather3A_407 : memref<57344xf32, #tpu.memory_space<vmem>>[vector<16xi32>], vector<16xf32>,
      %add3A_412 = arith.constant 44 : i32
      %add3A_413 = vector.broadcast %add3A_412 : i32 to vector<16xi32>
      %add3A_414 = arith.addi %mul3A_55, %add3A_413 : vector<16xi32>
      %gather3A_415 = tpu.vector_load_idx %arg5[%add3A_414] : memref<65536xf32, #tpu.memory_space<vmem>>[vector<16xi32>], vector<16xf32>,
      %add3A_416 = arith.constant 44 : i32
      %add3A_417 = vector.broadcast %add3A_416 : i32 to vector<16xi32>
      %add3A_418 = arith.addi %mul3A_5, %add3A_417 : vector<16xi32>
      %add3A_419 = arith.addi %broadcast_in_dim3A, %add3A_418 : vector<16xi32>
      tpu.vector_store_idx %arg7[%add3A_419], %gather3A_415 : memref<57344xf32, #tpu.memory_space<vmem>>[vector<16xi32>], vector<16xf32>,
      %add3A_420 = arith.constant 45 : i32
      %add3A_421 = vector.broadcast %add3A_420 : i32 to vector<16xi32>
      %add3A_422 = arith.addi %mul3A_55, %add3A_421 : vector<16xi32>
      %gather3A_423 = tpu.vector_load_idx %arg5[%add3A_422] : memref<65536xf32, #tpu.memory_space<vmem>>[vector<16xi32>], vector<16xf32>,
      %add3A_424 = arith.constant 45 : i32
      %add3A_425 = vector.broadcast %add3A_424 : i32 to vector<16xi32>
      %add3A_426 = arith.addi %mul3A_5, %add3A_425 : vector<16xi32>
      %add3A_427 = arith.addi %broadcast_in_dim3A, %add3A_426 : vector<16xi32>
      tpu.vector_store_idx %arg7[%add3A_427], %gather3A_423 : memref<57344xf32, #tpu.memory_space<vmem>>[vector<16xi32>], vector<16xf32>,
      %add3A_428 = arith.constant 46 : i32
      %add3A_429 = vector.broadcast %add3A_428 : i32 to vector<16xi32>
      %add3A_430 = arith.addi %mul3A_55, %add3A_429 : vector<16xi32>
      %gather3A_431 = tpu.vector_load_idx %arg5[%add3A_430] : memref<65536xf32, #tpu.memory_space<vmem>>[vector<16xi32>], vector<16xf32>,
      %add3A_432 = arith.constant 46 : i32
      %add3A_433 = vector.broadcast %add3A_432 : i32 to vector<16xi32>
      %add3A_434 = arith.addi %mul3A_5, %add3A_433 : vector<16xi32>
      %add3A_435 = arith.addi %broadcast_in_dim3A, %add3A_434 : vector<16xi32>
      tpu.vector_store_idx %arg7[%add3A_435], %gather3A_431 : memref<57344xf32, #tpu.memory_space<vmem>>[vector<16xi32>], vector<16xf32>,
      %add3A_436 = arith.constant 47 : i32
      %add3A_437 = vector.broadcast %add3A_436 : i32 to vector<16xi32>
      %add3A_438 = arith.addi %mul3A_55, %add3A_437 : vector<16xi32>
      %gather3A_439 = tpu.vector_load_idx %arg5[%add3A_438] : memref<65536xf32, #tpu.memory_space<vmem>>[vector<16xi32>], vector<16xf32>,
      %add3A_440 = arith.constant 47 : i32
      %add3A_441 = vector.broadcast %add3A_440 : i32 to vector<16xi32>
      %add3A_442 = arith.addi %mul3A_5, %add3A_441 : vector<16xi32>
      %add3A_443 = arith.addi %broadcast_in_dim3A, %add3A_442 : vector<16xi32>
      tpu.vector_store_idx %arg7[%add3A_443], %gather3A_439 : memref<57344xf32, #tpu.memory_space<vmem>>[vector<16xi32>], vector<16xf32>,
      %add3A_444 = arith.constant 48 : i32
      %add3A_445 = vector.broadcast %add3A_444 : i32 to vector<16xi32>
      %add3A_446 = arith.addi %mul3A_55, %add3A_445 : vector<16xi32>
      %gather3A_447 = tpu.vector_load_idx %arg5[%add3A_446] : memref<65536xf32, #tpu.memory_space<vmem>>[vector<16xi32>], vector<16xf32>,
      %add3A_448 = arith.constant 48 : i32
      %add3A_449 = vector.broadcast %add3A_448 : i32 to vector<16xi32>
      %add3A_450 = arith.addi %mul3A_5, %add3A_449 : vector<16xi32>
      %add3A_451 = arith.addi %broadcast_in_dim3A, %add3A_450 : vector<16xi32>
      tpu.vector_store_idx %arg7[%add3A_451], %gather3A_447 : memref<57344xf32, #tpu.memory_space<vmem>>[vector<16xi32>], vector<16xf32>,
      %add3A_452 = arith.constant 49 : i32
      %add3A_453 = vector.broadcast %add3A_452 : i32 to vector<16xi32>
      %add3A_454 = arith.addi %mul3A_55, %add3A_453 : vector<16xi32>
      %gather3A_455 = tpu.vector_load_idx %arg5[%add3A_454] : memref<65536xf32, #tpu.memory_space<vmem>>[vector<16xi32>], vector<16xf32>,
      %add3A_456 = arith.constant 49 : i32
      %add3A_457 = vector.broadcast %add3A_456 : i32 to vector<16xi32>
      %add3A_458 = arith.addi %mul3A_5, %add3A_457 : vector<16xi32>
      %add3A_459 = arith.addi %broadcast_in_dim3A, %add3A_458 : vector<16xi32>
      tpu.vector_store_idx %arg7[%add3A_459], %gather3A_455 : memref<57344xf32, #tpu.memory_space<vmem>>[vector<16xi32>], vector<16xf32>,
      %add3A_460 = arith.constant 50 : i32
      %add3A_461 = vector.broadcast %add3A_460 : i32 to vector<16xi32>
      %add3A_462 = arith.addi %mul3A_55, %add3A_461 : vector<16xi32>
      %gather3A_463 = tpu.vector_load_idx %arg5[%add3A_462] : memref<65536xf32, #tpu.memory_space<vmem>>[vector<16xi32>], vector<16xf32>,
      %add3A_464 = arith.constant 50 : i32
      %add3A_465 = vector.broadcast %add3A_464 : i32 to vector<16xi32>
      %add3A_466 = arith.addi %mul3A_5, %add3A_465 : vector<16xi32>
      %add3A_467 = arith.addi %broadcast_in_dim3A, %add3A_466 : vector<16xi32>
      tpu.vector_store_idx %arg7[%add3A_467], %gather3A_463 : memref<57344xf32, #tpu.memory_space<vmem>>[vector<16xi32>], vector<16xf32>,
      %add3A_468 = arith.constant 51 : i32
      %add3A_469 = vector.broadcast %add3A_468 : i32 to vector<16xi32>
      %add3A_470 = arith.addi %mul3A_55, %add3A_469 : vector<16xi32>
      %gather3A_471 = tpu.vector_load_idx %arg5[%add3A_470] : memref<65536xf32, #tpu.memory_space<vmem>>[vector<16xi32>], vector<16xf32>,
      %add3A_472 = arith.constant 51 : i32
      %add3A_473 = vector.broadcast %add3A_472 : i32 to vector<16xi32>
      %add3A_474 = arith.addi %mul3A_5, %add3A_473 : vector<16xi32>
      %add3A_475 = arith.addi %broadcast_in_dim3A, %add3A_474 : vector<16xi32>
      tpu.vector_store_idx %arg7[%add3A_475], %gather3A_471 : memref<57344xf32, #tpu.memory_space<vmem>>[vector<16xi32>], vector<16xf32>,
      %add3A_476 = arith.constant 52 : i32
      %add3A_477 = vector.broadcast %add3A_476 : i32 to vector<16xi32>
      %add3A_478 = arith.addi %mul3A_55, %add3A_477 : vector<16xi32>
      %gather3A_479 = tpu.vector_load_idx %arg5[%add3A_478] : memref<65536xf32, #tpu.memory_space<vmem>>[vector<16xi32>], vector<16xf32>,
      %add3A_480 = arith.constant 52 : i32
      %add3A_481 = vector.broadcast %add3A_480 : i32 to vector<16xi32>
      %add3A_482 = arith.addi %mul3A_5, %add3A_481 : vector<16xi32>
      %add3A_483 = arith.addi %broadcast_in_dim3A, %add3A_482 : vector<16xi32>
      tpu.vector_store_idx %arg7[%add3A_483], %gather3A_479 : memref<57344xf32, #tpu.memory_space<vmem>>[vector<16xi32>], vector<16xf32>,
      %add3A_484 = arith.constant 53 : i32
      %add3A_485 = vector.broadcast %add3A_484 : i32 to vector<16xi32>
      %add3A_486 = arith.addi %mul3A_55, %add3A_485 : vector<16xi32>
      %gather3A_487 = tpu.vector_load_idx %arg5[%add3A_486] : memref<65536xf32, #tpu.memory_space<vmem>>[vector<16xi32>], vector<16xf32>,
      %add3A_488 = arith.constant 53 : i32
      %add3A_489 = vector.broadcast %add3A_488 : i32 to vector<16xi32>
      %add3A_490 = arith.addi %mul3A_5, %add3A_489 : vector<16xi32>
      %add3A_491 = arith.addi %broadcast_in_dim3A, %add3A_490 : vector<16xi32>
      tpu.vector_store_idx %arg7[%add3A_491], %gather3A_487 : memref<57344xf32, #tpu.memory_space<vmem>>[vector<16xi32>], vector<16xf32>,
      %add3A_492 = arith.constant 54 : i32
      %add3A_493 = vector.broadcast %add3A_492 : i32 to vector<16xi32>
      %add3A_494 = arith.addi %mul3A_55, %add3A_493 : vector<16xi32>
      %gather3A_495 = tpu.vector_load_idx %arg5[%add3A_494] : memref<65536xf32, #tpu.memory_space<vmem>>[vector<16xi32>], vector<16xf32>,
      %add3A_496 = arith.constant 54 : i32
      %add3A_497 = vector.broadcast %add3A_496 : i32 to vector<16xi32>
      %add3A_498 = arith.addi %mul3A_5, %add3A_497 : vector<16xi32>
      %add3A_499 = arith.addi %broadcast_in_dim3A, %add3A_498 : vector<16xi32>
      tpu.vector_store_idx %arg7[%add3A_499], %gather3A_495 : memref<57344xf32, #tpu.memory_space<vmem>>[vector<16xi32>], vector<16xf32>,
      %add3A_500 = arith.constant 55 : i32
      %add3A_501 = vector.broadcast %add3A_500 : i32 to vector<16xi32>
      %add3A_502 = arith.addi %mul3A_55, %add3A_501 : vector<16xi32>
      %gather3A_503 = tpu.vector_load_idx %arg5[%add3A_502] : memref<65536xf32, #tpu.memory_space<vmem>>[vector<16xi32>], vector<16xf32>,
      %add3A_504 = arith.constant 55 : i32
      %add3A_505 = vector.broadcast %add3A_504 : i32 to vector<16xi32>
      %add3A_506 = arith.addi %mul3A_5, %add3A_505 : vector<16xi32>
      %add3A_507 = arith.addi %broadcast_in_dim3A, %add3A_506 : vector<16xi32>
      tpu.vector_store_idx %arg7[%add3A_507], %gather3A_503 : memref<57344xf32, #tpu.memory_space<vmem>>[vector<16xi32>], vector<16xf32>,
      %add3A_508 = arith.constant 56 : i32
      %add3A_509 = vector.broadcast %add3A_508 : i32 to vector<16xi32>
      %add3A_510 = arith.addi %mul3A_55, %add3A_509 : vector<16xi32>
      %gather3A_511 = tpu.vector_load_idx %arg5[%add3A_510] : memref<65536xf32, #tpu.memory_space<vmem>>[vector<16xi32>], vector<16xf32>,
      %add3A_512 = arith.constant 56 : i32
      %add3A_513 = vector.broadcast %add3A_512 : i32 to vector<16xi32>
      %add3A_514 = arith.addi %mul3A_5, %add3A_513 : vector<16xi32>
      %add3A_515 = arith.addi %broadcast_in_dim3A, %add3A_514 : vector<16xi32>
      tpu.vector_store_idx %arg7[%add3A_515], %gather3A_511 : memref<57344xf32, #tpu.memory_space<vmem>>[vector<16xi32>], vector<16xf32>,
      %add3A_516 = arith.constant 57 : i32
      %add3A_517 = vector.broadcast %add3A_516 : i32 to vector<16xi32>
      %add3A_518 = arith.addi %mul3A_55, %add3A_517 : vector<16xi32>
      %gather3A_519 = tpu.vector_load_idx %arg5[%add3A_518] : memref<65536xf32, #tpu.memory_space<vmem>>[vector<16xi32>], vector<16xf32>,
      %add3A_520 = arith.constant 57 : i32
      %add3A_521 = vector.broadcast %add3A_520 : i32 to vector<16xi32>
      %add3A_522 = arith.addi %mul3A_5, %add3A_521 : vector<16xi32>
      %add3A_523 = arith.addi %broadcast_in_dim3A, %add3A_522 : vector<16xi32>
      tpu.vector_store_idx %arg7[%add3A_523], %gather3A_519 : memref<57344xf32, #tpu.memory_space<vmem>>[vector<16xi32>], vector<16xf32>,
      %add3A_524 = arith.constant 58 : i32
      %add3A_525 = vector.broadcast %add3A_524 : i32 to vector<16xi32>
      %add3A_526 = arith.addi %mul3A_55, %add3A_525 : vector<16xi32>
      %gather3A_527 = tpu.vector_load_idx %arg5[%add3A_526] : memref<65536xf32, #tpu.memory_space<vmem>>[vector<16xi32>], vector<16xf32>,
      %add3A_528 = arith.constant 58 : i32
      %add3A_529 = vector.broadcast %add3A_528 : i32 to vector<16xi32>
      %add3A_530 = arith.addi %mul3A_5, %add3A_529 : vector<16xi32>
      %add3A_531 = arith.addi %broadcast_in_dim3A, %add3A_530 : vector<16xi32>
      tpu.vector_store_idx %arg7[%add3A_531], %gather3A_527 : memref<57344xf32, #tpu.memory_space<vmem>>[vector<16xi32>], vector<16xf32>,
      %add3A_532 = arith.constant 59 : i32
      %add3A_533 = vector.broadcast %add3A_532 : i32 to vector<16xi32>
      %add3A_534 = arith.addi %mul3A_55, %add3A_533 : vector<16xi32>
      %gather3A_535 = tpu.vector_load_idx %arg5[%add3A_534] : memref<65536xf32, #tpu.memory_space<vmem>>[vector<16xi32>], vector<16xf32>,
      %add3A_536 = arith.constant 59 : i32
      %add3A_537 = vector.broadcast %add3A_536 : i32 to vector<16xi32>
      %add3A_538 = arith.addi %mul3A_5, %add3A_537 : vector<16xi32>
      %add3A_539 = arith.addi %broadcast_in_dim3A, %add3A_538 : vector<16xi32>
      tpu.vector_store_idx %arg7[%add3A_539], %gather3A_535 : memref<57344xf32, #tpu.memory_space<vmem>>[vector<16xi32>], vector<16xf32>,
      %add3A_540 = arith.constant 60 : i32
      %add3A_541 = vector.broadcast %add3A_540 : i32 to vector<16xi32>
      %add3A_542 = arith.addi %mul3A_55, %add3A_541 : vector<16xi32>
      %gather3A_543 = tpu.vector_load_idx %arg5[%add3A_542] : memref<65536xf32, #tpu.memory_space<vmem>>[vector<16xi32>], vector<16xf32>,
      %add3A_544 = arith.constant 60 : i32
      %add3A_545 = vector.broadcast %add3A_544 : i32 to vector<16xi32>
      %add3A_546 = arith.addi %mul3A_5, %add3A_545 : vector<16xi32>
      %add3A_547 = arith.addi %broadcast_in_dim3A, %add3A_546 : vector<16xi32>
      tpu.vector_store_idx %arg7[%add3A_547], %gather3A_543 : memref<57344xf32, #tpu.memory_space<vmem>>[vector<16xi32>], vector<16xf32>,
      %add3A_548 = arith.constant 61 : i32
      %add3A_549 = vector.broadcast %add3A_548 : i32 to vector<16xi32>
      %add3A_550 = arith.addi %mul3A_55, %add3A_549 : vector<16xi32>
      %gather3A_551 = tpu.vector_load_idx %arg5[%add3A_550] : memref<65536xf32, #tpu.memory_space<vmem>>[vector<16xi32>], vector<16xf32>,
      %add3A_552 = arith.constant 61 : i32
      %add3A_553 = vector.broadcast %add3A_552 : i32 to vector<16xi32>
      %add3A_554 = arith.addi %mul3A_5, %add3A_553 : vector<16xi32>
      %add3A_555 = arith.addi %broadcast_in_dim3A, %add3A_554 : vector<16xi32>
      tpu.vector_store_idx %arg7[%add3A_555], %gather3A_551 : memref<57344xf32, #tpu.memory_space<vmem>>[vector<16xi32>], vector<16xf32>,
      %add3A_556 = arith.constant 62 : i32
      %add3A_557 = vector.broadcast %add3A_556 : i32 to vector<16xi32>
      %add3A_558 = arith.addi %mul3A_55, %add3A_557 : vector<16xi32>
      %gather3A_559 = tpu.vector_load_idx %arg5[%add3A_558] : memref<65536xf32, #tpu.memory_space<vmem>>[vector<16xi32>], vector<16xf32>,
      %add3A_560 = arith.constant 62 : i32
      %add3A_561 = vector.broadcast %add3A_560 : i32 to vector<16xi32>
      %add3A_562 = arith.addi %mul3A_5, %add3A_561 : vector<16xi32>
      %add3A_563 = arith.addi %broadcast_in_dim3A, %add3A_562 : vector<16xi32>
      tpu.vector_store_idx %arg7[%add3A_563], %gather3A_559 : memref<57344xf32, #tpu.memory_space<vmem>>[vector<16xi32>], vector<16xf32>,
      %add3A_564 = arith.constant 63 : i32
      %add3A_565 = vector.broadcast %add3A_564 : i32 to vector<16xi32>
      %add3A_566 = arith.addi %mul3A_55, %add3A_565 : vector<16xi32>
      %gather3A_567 = tpu.vector_load_idx %arg5[%add3A_566] : memref<65536xf32, #tpu.memory_space<vmem>>[vector<16xi32>], vector<16xf32>,
      %add3A_568 = arith.constant 63 : i32
      %add3A_569 = vector.broadcast %add3A_568 : i32 to vector<16xi32>
      %add3A_570 = arith.addi %mul3A_5, %add3A_569 : vector<16xi32>
      %add3A_571 = arith.addi %broadcast_in_dim3A, %add3A_570 : vector<16xi32>
      tpu.vector_store_idx %arg7[%add3A_571], %gather3A_567 : memref<57344xf32, #tpu.memory_space<vmem>>[vector<16xi32>], vector<16xf32>,
    }
    %scan3A_20 = arith.constant 28 : i32
    %add3A_21 = arith.constant 448 : i32
    %add3A_22 = arith.addi %mul3A_2, %add3A_21 : i32
    %mul3A_23 = arith.constant 64 : i32
    %mul3A_24 = arith.muli %add3A_22, %mul3A_23 : i32
    %multiple_of3A_25 = tpu.assume_multiple %mul3A_24, 8 : i32
    "tpu.region"() ({
      %run_scoped3A = tpu.sem_alloc : memref<!tpu.dma_semaphore, #tpu.memory_space<semaphore_mem>>
      %dma_start3A = arith.constant 28672 : i32
      %dma_start3A_48 = tpu.memref_slice %arg7[%dma_start3A] : memref<57344xf32, #tpu.memory_space<vmem>> -> memref<28672xf32, #tpu.memory_space<vmem>>
      %dma_start3A_49 = tpu.memref_slice %arg4[%multiple_of3A_25] : memref<3211264xf32, #tpu.memory_space<hbm>> -> memref<28672xf32, #tpu.memory_space<hbm>>
      %dma_start3A_50 = tpu.memref_slice %arg4[%multiple_of3A_25] : memref<3211264xf32, #tpu.memory_space<hbm>> -> memref<28672xf32, #tpu.memory_space<hbm>>
      %dma_start3A_51 = arith.constant 28672 : i32
      %dma_start3A_52 = tpu.memref_slice %arg7[%dma_start3A_51] : memref<57344xf32, #tpu.memory_space<vmem>> -> memref<28672xf32, #tpu.memory_space<vmem>>
      tpu.enqueue_dma source(%dma_start3A_52 : memref<28672xf32, #tpu.memory_space<vmem>>) target(%dma_start3A_50 : memref<28672xf32, #tpu.memory_space<hbm>>) target_semaphore(%run_scoped3A : memref<!tpu.dma_semaphore, #tpu.memory_space<semaphore_mem>>)
      %dma_wait3A = arith.constant 28672 : i32
      %dma_wait3A_53 = tpu.memref_slice %arg7[%dma_wait3A] : memref<57344xf32, #tpu.memory_space<vmem>> -> memref<28672xf32, #tpu.memory_space<vmem>>
      %dma_wait3A_54 = tpu.memref_slice %arg4[%multiple_of3A_25] : memref<3211264xf32, #tpu.memory_space<hbm>> -> memref<28672xf32, #tpu.memory_space<hbm>>
      %dma_wait3A_55 = tpu.memref_slice %arg4[%multiple_of3A_25] : memref<3211264xf32, #tpu.memory_space<hbm>> -> memref<28672xf32, #tpu.memory_space<hbm>>
      %dma_wait3A_56 = arith.constant 28672 : i32
      %dma_wait3A_57 = tpu.memref_slice %arg7[%dma_wait3A_56] : memref<57344xf32, #tpu.memory_space<vmem>> -> memref<28672xf32, #tpu.memory_space<vmem>>
      tpu.wait_dma2 semaphore(%run_scoped3A : memref<!tpu.dma_semaphore, #tpu.memory_space<semaphore_mem>>) src(%dma_wait3A_57 : memref<28672xf32, #tpu.memory_space<vmem>>) dst(%dma_wait3A_55 : memref<28672xf32, #tpu.memory_space<hbm>>)
      tpu.yield
    }) : () -> ()
    %scan3A_26 = arith.constant 0 : i32
    %scan3A_27 = arith.constant 56 : i32
    %scan3A_28 = arith.constant 28 : i32
    %scan3A_29 = arith.addi %scan3A_27, %scan3A_28 : i32
    %scan3A_30 = arith.constant 1 : i32
    scf.for %scan3A_48 = %scan3A_27 to %scan3A_29 step %scan3A_30  : i32 {
      %mul3A_49 = arith.constant 16 : i32
      %mul3A_50 = arith.muli %scan3A_48, %mul3A_49 : i32
      %multiple_of3A_51 = tpu.assume_multiple %mul3A_50, 8 : i32
      %get3A = arith.index_cast %multiple_of3A_51 : i32 to index
      %get3A_52 = tpu.vector_load %arg6[%get3A] {strides = array<i32>} : memref<1568xi32, #tpu.memory_space<vmem>>, vector<16xi32>,
      %mul3A_53 = arith.constant 64 : i32
      %mul3A_54 = vector.broadcast %mul3A_53 : i32 to vector<16xi32>
      %mul3A_55 = arith.muli %get3A_52, %mul3A_54 : vector<16xi32>
      %sub3A = arith.constant 56 : i32
      %sub3A_56 = arith.subi %scan3A_48, %sub3A : i32
      %mul3A_57 = arith.constant 1024 : i32
      %mul3A_58 = arith.muli %sub3A_56, %mul3A_57 : i32
      %add3A_59 = arith.constant 0 : i32
      %add3A_60 = arith.addi %add3A_59, %mul3A_58 : i32
      %broadcast_in_dim3A = vector.broadcast %add3A_60 : i32 to vector<16xi32>
      %add3A_61 = arith.constant 0 : i32
      %add3A_62 = vector.broadcast %add3A_61 : i32 to vector<16xi32>
      %add3A_63 = arith.addi %mul3A_55, %add3A_62 : vector<16xi32>
      %gather3A = tpu.vector_load_idx %arg5[%add3A_63] : memref<65536xf32, #tpu.memory_space<vmem>>[vector<16xi32>], vector<16xf32>,
      %add3A_64 = arith.constant 0 : i32
      %add3A_65 = vector.broadcast %add3A_64 : i32 to vector<16xi32>
      %add3A_66 = arith.addi %mul3A_5, %add3A_65 : vector<16xi32>
      %add3A_67 = arith.addi %broadcast_in_dim3A, %add3A_66 : vector<16xi32>
      tpu.vector_store_idx %arg7[%add3A_67], %gather3A : memref<57344xf32, #tpu.memory_space<vmem>>[vector<16xi32>], vector<16xf32>,
      %add3A_68 = arith.constant 1 : i32
      %add3A_69 = vector.broadcast %add3A_68 : i32 to vector<16xi32>
      %add3A_70 = arith.addi %mul3A_55, %add3A_69 : vector<16xi32>
      %gather3A_71 = tpu.vector_load_idx %arg5[%add3A_70] : memref<65536xf32, #tpu.memory_space<vmem>>[vector<16xi32>], vector<16xf32>,
      %add3A_72 = arith.constant 1 : i32
      %add3A_73 = vector.broadcast %add3A_72 : i32 to vector<16xi32>
      %add3A_74 = arith.addi %mul3A_5, %add3A_73 : vector<16xi32>
      %add3A_75 = arith.addi %broadcast_in_dim3A, %add3A_74 : vector<16xi32>
      tpu.vector_store_idx %arg7[%add3A_75], %gather3A_71 : memref<57344xf32, #tpu.memory_space<vmem>>[vector<16xi32>], vector<16xf32>,
      %add3A_76 = arith.constant 2 : i32
      %add3A_77 = vector.broadcast %add3A_76 : i32 to vector<16xi32>
      %add3A_78 = arith.addi %mul3A_55, %add3A_77 : vector<16xi32>
      %gather3A_79 = tpu.vector_load_idx %arg5[%add3A_78] : memref<65536xf32, #tpu.memory_space<vmem>>[vector<16xi32>], vector<16xf32>,
      %add3A_80 = arith.constant 2 : i32
      %add3A_81 = vector.broadcast %add3A_80 : i32 to vector<16xi32>
      %add3A_82 = arith.addi %mul3A_5, %add3A_81 : vector<16xi32>
      %add3A_83 = arith.addi %broadcast_in_dim3A, %add3A_82 : vector<16xi32>
      tpu.vector_store_idx %arg7[%add3A_83], %gather3A_79 : memref<57344xf32, #tpu.memory_space<vmem>>[vector<16xi32>], vector<16xf32>,
      %add3A_84 = arith.constant 3 : i32
      %add3A_85 = vector.broadcast %add3A_84 : i32 to vector<16xi32>
      %add3A_86 = arith.addi %mul3A_55, %add3A_85 : vector<16xi32>
      %gather3A_87 = tpu.vector_load_idx %arg5[%add3A_86] : memref<65536xf32, #tpu.memory_space<vmem>>[vector<16xi32>], vector<16xf32>,
      %add3A_88 = arith.constant 3 : i32
      %add3A_89 = vector.broadcast %add3A_88 : i32 to vector<16xi32>
      %add3A_90 = arith.addi %mul3A_5, %add3A_89 : vector<16xi32>
      %add3A_91 = arith.addi %broadcast_in_dim3A, %add3A_90 : vector<16xi32>
      tpu.vector_store_idx %arg7[%add3A_91], %gather3A_87 : memref<57344xf32, #tpu.memory_space<vmem>>[vector<16xi32>], vector<16xf32>,
      %add3A_92 = arith.constant 4 : i32
      %add3A_93 = vector.broadcast %add3A_92 : i32 to vector<16xi32>
      %add3A_94 = arith.addi %mul3A_55, %add3A_93 : vector<16xi32>
      %gather3A_95 = tpu.vector_load_idx %arg5[%add3A_94] : memref<65536xf32, #tpu.memory_space<vmem>>[vector<16xi32>], vector<16xf32>,
      %add3A_96 = arith.constant 4 : i32
      %add3A_97 = vector.broadcast %add3A_96 : i32 to vector<16xi32>
      %add3A_98 = arith.addi %mul3A_5, %add3A_97 : vector<16xi32>
      %add3A_99 = arith.addi %broadcast_in_dim3A, %add3A_98 : vector<16xi32>
      tpu.vector_store_idx %arg7[%add3A_99], %gather3A_95 : memref<57344xf32, #tpu.memory_space<vmem>>[vector<16xi32>], vector<16xf32>,
      %add3A_100 = arith.constant 5 : i32
      %add3A_101 = vector.broadcast %add3A_100 : i32 to vector<16xi32>
      %add3A_102 = arith.addi %mul3A_55, %add3A_101 : vector<16xi32>
      %gather3A_103 = tpu.vector_load_idx %arg5[%add3A_102] : memref<65536xf32, #tpu.memory_space<vmem>>[vector<16xi32>], vector<16xf32>,
      %add3A_104 = arith.constant 5 : i32
      %add3A_105 = vector.broadcast %add3A_104 : i32 to vector<16xi32>
      %add3A_106 = arith.addi %mul3A_5, %add3A_105 : vector<16xi32>
      %add3A_107 = arith.addi %broadcast_in_dim3A, %add3A_106 : vector<16xi32>
      tpu.vector_store_idx %arg7[%add3A_107], %gather3A_103 : memref<57344xf32, #tpu.memory_space<vmem>>[vector<16xi32>], vector<16xf32>,
      %add3A_108 = arith.constant 6 : i32
      %add3A_109 = vector.broadcast %add3A_108 : i32 to vector<16xi32>
      %add3A_110 = arith.addi %mul3A_55, %add3A_109 : vector<16xi32>
      %gather3A_111 = tpu.vector_load_idx %arg5[%add3A_110] : memref<65536xf32, #tpu.memory_space<vmem>>[vector<16xi32>], vector<16xf32>,
      %add3A_112 = arith.constant 6 : i32
      %add3A_113 = vector.broadcast %add3A_112 : i32 to vector<16xi32>
      %add3A_114 = arith.addi %mul3A_5, %add3A_113 : vector<16xi32>
      %add3A_115 = arith.addi %broadcast_in_dim3A, %add3A_114 : vector<16xi32>
      tpu.vector_store_idx %arg7[%add3A_115], %gather3A_111 : memref<57344xf32, #tpu.memory_space<vmem>>[vector<16xi32>], vector<16xf32>,
      %add3A_116 = arith.constant 7 : i32
      %add3A_117 = vector.broadcast %add3A_116 : i32 to vector<16xi32>
      %add3A_118 = arith.addi %mul3A_55, %add3A_117 : vector<16xi32>
      %gather3A_119 = tpu.vector_load_idx %arg5[%add3A_118] : memref<65536xf32, #tpu.memory_space<vmem>>[vector<16xi32>], vector<16xf32>,
      %add3A_120 = arith.constant 7 : i32
      %add3A_121 = vector.broadcast %add3A_120 : i32 to vector<16xi32>
      %add3A_122 = arith.addi %mul3A_5, %add3A_121 : vector<16xi32>
      %add3A_123 = arith.addi %broadcast_in_dim3A, %add3A_122 : vector<16xi32>
      tpu.vector_store_idx %arg7[%add3A_123], %gather3A_119 : memref<57344xf32, #tpu.memory_space<vmem>>[vector<16xi32>], vector<16xf32>,
      %add3A_124 = arith.constant 8 : i32
      %add3A_125 = vector.broadcast %add3A_124 : i32 to vector<16xi32>
      %add3A_126 = arith.addi %mul3A_55, %add3A_125 : vector<16xi32>
      %gather3A_127 = tpu.vector_load_idx %arg5[%add3A_126] : memref<65536xf32, #tpu.memory_space<vmem>>[vector<16xi32>], vector<16xf32>,
      %add3A_128 = arith.constant 8 : i32
      %add3A_129 = vector.broadcast %add3A_128 : i32 to vector<16xi32>
      %add3A_130 = arith.addi %mul3A_5, %add3A_129 : vector<16xi32>
      %add3A_131 = arith.addi %broadcast_in_dim3A, %add3A_130 : vector<16xi32>
      tpu.vector_store_idx %arg7[%add3A_131], %gather3A_127 : memref<57344xf32, #tpu.memory_space<vmem>>[vector<16xi32>], vector<16xf32>,
      %add3A_132 = arith.constant 9 : i32
      %add3A_133 = vector.broadcast %add3A_132 : i32 to vector<16xi32>
      %add3A_134 = arith.addi %mul3A_55, %add3A_133 : vector<16xi32>
      %gather3A_135 = tpu.vector_load_idx %arg5[%add3A_134] : memref<65536xf32, #tpu.memory_space<vmem>>[vector<16xi32>], vector<16xf32>,
      %add3A_136 = arith.constant 9 : i32
      %add3A_137 = vector.broadcast %add3A_136 : i32 to vector<16xi32>
      %add3A_138 = arith.addi %mul3A_5, %add3A_137 : vector<16xi32>
      %add3A_139 = arith.addi %broadcast_in_dim3A, %add3A_138 : vector<16xi32>
      tpu.vector_store_idx %arg7[%add3A_139], %gather3A_135 : memref<57344xf32, #tpu.memory_space<vmem>>[vector<16xi32>], vector<16xf32>,
      %add3A_140 = arith.constant 10 : i32
      %add3A_141 = vector.broadcast %add3A_140 : i32 to vector<16xi32>
      %add3A_142 = arith.addi %mul3A_55, %add3A_141 : vector<16xi32>
      %gather3A_143 = tpu.vector_load_idx %arg5[%add3A_142] : memref<65536xf32, #tpu.memory_space<vmem>>[vector<16xi32>], vector<16xf32>,
      %add3A_144 = arith.constant 10 : i32
      %add3A_145 = vector.broadcast %add3A_144 : i32 to vector<16xi32>
      %add3A_146 = arith.addi %mul3A_5, %add3A_145 : vector<16xi32>
      %add3A_147 = arith.addi %broadcast_in_dim3A, %add3A_146 : vector<16xi32>
      tpu.vector_store_idx %arg7[%add3A_147], %gather3A_143 : memref<57344xf32, #tpu.memory_space<vmem>>[vector<16xi32>], vector<16xf32>,
      %add3A_148 = arith.constant 11 : i32
      %add3A_149 = vector.broadcast %add3A_148 : i32 to vector<16xi32>
      %add3A_150 = arith.addi %mul3A_55, %add3A_149 : vector<16xi32>
      %gather3A_151 = tpu.vector_load_idx %arg5[%add3A_150] : memref<65536xf32, #tpu.memory_space<vmem>>[vector<16xi32>], vector<16xf32>,
      %add3A_152 = arith.constant 11 : i32
      %add3A_153 = vector.broadcast %add3A_152 : i32 to vector<16xi32>
      %add3A_154 = arith.addi %mul3A_5, %add3A_153 : vector<16xi32>
      %add3A_155 = arith.addi %broadcast_in_dim3A, %add3A_154 : vector<16xi32>
      tpu.vector_store_idx %arg7[%add3A_155], %gather3A_151 : memref<57344xf32, #tpu.memory_space<vmem>>[vector<16xi32>], vector<16xf32>,
      %add3A_156 = arith.constant 12 : i32
      %add3A_157 = vector.broadcast %add3A_156 : i32 to vector<16xi32>
      %add3A_158 = arith.addi %mul3A_55, %add3A_157 : vector<16xi32>
      %gather3A_159 = tpu.vector_load_idx %arg5[%add3A_158] : memref<65536xf32, #tpu.memory_space<vmem>>[vector<16xi32>], vector<16xf32>,
      %add3A_160 = arith.constant 12 : i32
      %add3A_161 = vector.broadcast %add3A_160 : i32 to vector<16xi32>
      %add3A_162 = arith.addi %mul3A_5, %add3A_161 : vector<16xi32>
      %add3A_163 = arith.addi %broadcast_in_dim3A, %add3A_162 : vector<16xi32>
      tpu.vector_store_idx %arg7[%add3A_163], %gather3A_159 : memref<57344xf32, #tpu.memory_space<vmem>>[vector<16xi32>], vector<16xf32>,
      %add3A_164 = arith.constant 13 : i32
      %add3A_165 = vector.broadcast %add3A_164 : i32 to vector<16xi32>
      %add3A_166 = arith.addi %mul3A_55, %add3A_165 : vector<16xi32>
      %gather3A_167 = tpu.vector_load_idx %arg5[%add3A_166] : memref<65536xf32, #tpu.memory_space<vmem>>[vector<16xi32>], vector<16xf32>,
      %add3A_168 = arith.constant 13 : i32
      %add3A_169 = vector.broadcast %add3A_168 : i32 to vector<16xi32>
      %add3A_170 = arith.addi %mul3A_5, %add3A_169 : vector<16xi32>
      %add3A_171 = arith.addi %broadcast_in_dim3A, %add3A_170 : vector<16xi32>
      tpu.vector_store_idx %arg7[%add3A_171], %gather3A_167 : memref<57344xf32, #tpu.memory_space<vmem>>[vector<16xi32>], vector<16xf32>,
      %add3A_172 = arith.constant 14 : i32
      %add3A_173 = vector.broadcast %add3A_172 : i32 to vector<16xi32>
      %add3A_174 = arith.addi %mul3A_55, %add3A_173 : vector<16xi32>
      %gather3A_175 = tpu.vector_load_idx %arg5[%add3A_174] : memref<65536xf32, #tpu.memory_space<vmem>>[vector<16xi32>], vector<16xf32>,
      %add3A_176 = arith.constant 14 : i32
      %add3A_177 = vector.broadcast %add3A_176 : i32 to vector<16xi32>
      %add3A_178 = arith.addi %mul3A_5, %add3A_177 : vector<16xi32>
      %add3A_179 = arith.addi %broadcast_in_dim3A, %add3A_178 : vector<16xi32>
      tpu.vector_store_idx %arg7[%add3A_179], %gather3A_175 : memref<57344xf32, #tpu.memory_space<vmem>>[vector<16xi32>], vector<16xf32>,
      %add3A_180 = arith.constant 15 : i32
      %add3A_181 = vector.broadcast %add3A_180 : i32 to vector<16xi32>
      %add3A_182 = arith.addi %mul3A_55, %add3A_181 : vector<16xi32>
      %gather3A_183 = tpu.vector_load_idx %arg5[%add3A_182] : memref<65536xf32, #tpu.memory_space<vmem>>[vector<16xi32>], vector<16xf32>,
      %add3A_184 = arith.constant 15 : i32
      %add3A_185 = vector.broadcast %add3A_184 : i32 to vector<16xi32>
      %add3A_186 = arith.addi %mul3A_5, %add3A_185 : vector<16xi32>
      %add3A_187 = arith.addi %broadcast_in_dim3A, %add3A_186 : vector<16xi32>
      tpu.vector_store_idx %arg7[%add3A_187], %gather3A_183 : memref<57344xf32, #tpu.memory_space<vmem>>[vector<16xi32>], vector<16xf32>,
      %add3A_188 = arith.constant 16 : i32
      %add3A_189 = vector.broadcast %add3A_188 : i32 to vector<16xi32>
      %add3A_190 = arith.addi %mul3A_55, %add3A_189 : vector<16xi32>
      %gather3A_191 = tpu.vector_load_idx %arg5[%add3A_190] : memref<65536xf32, #tpu.memory_space<vmem>>[vector<16xi32>], vector<16xf32>,
      %add3A_192 = arith.constant 16 : i32
      %add3A_193 = vector.broadcast %add3A_192 : i32 to vector<16xi32>
      %add3A_194 = arith.addi %mul3A_5, %add3A_193 : vector<16xi32>
      %add3A_195 = arith.addi %broadcast_in_dim3A, %add3A_194 : vector<16xi32>
      tpu.vector_store_idx %arg7[%add3A_195], %gather3A_191 : memref<57344xf32, #tpu.memory_space<vmem>>[vector<16xi32>], vector<16xf32>,
      %add3A_196 = arith.constant 17 : i32
      %add3A_197 = vector.broadcast %add3A_196 : i32 to vector<16xi32>
      %add3A_198 = arith.addi %mul3A_55, %add3A_197 : vector<16xi32>
      %gather3A_199 = tpu.vector_load_idx %arg5[%add3A_198] : memref<65536xf32, #tpu.memory_space<vmem>>[vector<16xi32>], vector<16xf32>,
      %add3A_200 = arith.constant 17 : i32
      %add3A_201 = vector.broadcast %add3A_200 : i32 to vector<16xi32>
      %add3A_202 = arith.addi %mul3A_5, %add3A_201 : vector<16xi32>
      %add3A_203 = arith.addi %broadcast_in_dim3A, %add3A_202 : vector<16xi32>
      tpu.vector_store_idx %arg7[%add3A_203], %gather3A_199 : memref<57344xf32, #tpu.memory_space<vmem>>[vector<16xi32>], vector<16xf32>,
      %add3A_204 = arith.constant 18 : i32
      %add3A_205 = vector.broadcast %add3A_204 : i32 to vector<16xi32>
      %add3A_206 = arith.addi %mul3A_55, %add3A_205 : vector<16xi32>
      %gather3A_207 = tpu.vector_load_idx %arg5[%add3A_206] : memref<65536xf32, #tpu.memory_space<vmem>>[vector<16xi32>], vector<16xf32>,
      %add3A_208 = arith.constant 18 : i32
      %add3A_209 = vector.broadcast %add3A_208 : i32 to vector<16xi32>
      %add3A_210 = arith.addi %mul3A_5, %add3A_209 : vector<16xi32>
      %add3A_211 = arith.addi %broadcast_in_dim3A, %add3A_210 : vector<16xi32>
      tpu.vector_store_idx %arg7[%add3A_211], %gather3A_207 : memref<57344xf32, #tpu.memory_space<vmem>>[vector<16xi32>], vector<16xf32>,
      %add3A_212 = arith.constant 19 : i32
      %add3A_213 = vector.broadcast %add3A_212 : i32 to vector<16xi32>
      %add3A_214 = arith.addi %mul3A_55, %add3A_213 : vector<16xi32>
      %gather3A_215 = tpu.vector_load_idx %arg5[%add3A_214] : memref<65536xf32, #tpu.memory_space<vmem>>[vector<16xi32>], vector<16xf32>,
      %add3A_216 = arith.constant 19 : i32
      %add3A_217 = vector.broadcast %add3A_216 : i32 to vector<16xi32>
      %add3A_218 = arith.addi %mul3A_5, %add3A_217 : vector<16xi32>
      %add3A_219 = arith.addi %broadcast_in_dim3A, %add3A_218 : vector<16xi32>
      tpu.vector_store_idx %arg7[%add3A_219], %gather3A_215 : memref<57344xf32, #tpu.memory_space<vmem>>[vector<16xi32>], vector<16xf32>,
      %add3A_220 = arith.constant 20 : i32
      %add3A_221 = vector.broadcast %add3A_220 : i32 to vector<16xi32>
      %add3A_222 = arith.addi %mul3A_55, %add3A_221 : vector<16xi32>
      %gather3A_223 = tpu.vector_load_idx %arg5[%add3A_222] : memref<65536xf32, #tpu.memory_space<vmem>>[vector<16xi32>], vector<16xf32>,
      %add3A_224 = arith.constant 20 : i32
      %add3A_225 = vector.broadcast %add3A_224 : i32 to vector<16xi32>
      %add3A_226 = arith.addi %mul3A_5, %add3A_225 : vector<16xi32>
      %add3A_227 = arith.addi %broadcast_in_dim3A, %add3A_226 : vector<16xi32>
      tpu.vector_store_idx %arg7[%add3A_227], %gather3A_223 : memref<57344xf32, #tpu.memory_space<vmem>>[vector<16xi32>], vector<16xf32>,
      %add3A_228 = arith.constant 21 : i32
      %add3A_229 = vector.broadcast %add3A_228 : i32 to vector<16xi32>
      %add3A_230 = arith.addi %mul3A_55, %add3A_229 : vector<16xi32>
      %gather3A_231 = tpu.vector_load_idx %arg5[%add3A_230] : memref<65536xf32, #tpu.memory_space<vmem>>[vector<16xi32>], vector<16xf32>,
      %add3A_232 = arith.constant 21 : i32
      %add3A_233 = vector.broadcast %add3A_232 : i32 to vector<16xi32>
      %add3A_234 = arith.addi %mul3A_5, %add3A_233 : vector<16xi32>
      %add3A_235 = arith.addi %broadcast_in_dim3A, %add3A_234 : vector<16xi32>
      tpu.vector_store_idx %arg7[%add3A_235], %gather3A_231 : memref<57344xf32, #tpu.memory_space<vmem>>[vector<16xi32>], vector<16xf32>,
      %add3A_236 = arith.constant 22 : i32
      %add3A_237 = vector.broadcast %add3A_236 : i32 to vector<16xi32>
      %add3A_238 = arith.addi %mul3A_55, %add3A_237 : vector<16xi32>
      %gather3A_239 = tpu.vector_load_idx %arg5[%add3A_238] : memref<65536xf32, #tpu.memory_space<vmem>>[vector<16xi32>], vector<16xf32>,
      %add3A_240 = arith.constant 22 : i32
      %add3A_241 = vector.broadcast %add3A_240 : i32 to vector<16xi32>
      %add3A_242 = arith.addi %mul3A_5, %add3A_241 : vector<16xi32>
      %add3A_243 = arith.addi %broadcast_in_dim3A, %add3A_242 : vector<16xi32>
      tpu.vector_store_idx %arg7[%add3A_243], %gather3A_239 : memref<57344xf32, #tpu.memory_space<vmem>>[vector<16xi32>], vector<16xf32>,
      %add3A_244 = arith.constant 23 : i32
      %add3A_245 = vector.broadcast %add3A_244 : i32 to vector<16xi32>
      %add3A_246 = arith.addi %mul3A_55, %add3A_245 : vector<16xi32>
      %gather3A_247 = tpu.vector_load_idx %arg5[%add3A_246] : memref<65536xf32, #tpu.memory_space<vmem>>[vector<16xi32>], vector<16xf32>,
      %add3A_248 = arith.constant 23 : i32
      %add3A_249 = vector.broadcast %add3A_248 : i32 to vector<16xi32>
      %add3A_250 = arith.addi %mul3A_5, %add3A_249 : vector<16xi32>
      %add3A_251 = arith.addi %broadcast_in_dim3A, %add3A_250 : vector<16xi32>
      tpu.vector_store_idx %arg7[%add3A_251], %gather3A_247 : memref<57344xf32, #tpu.memory_space<vmem>>[vector<16xi32>], vector<16xf32>,
      %add3A_252 = arith.constant 24 : i32
      %add3A_253 = vector.broadcast %add3A_252 : i32 to vector<16xi32>
      %add3A_254 = arith.addi %mul3A_55, %add3A_253 : vector<16xi32>
      %gather3A_255 = tpu.vector_load_idx %arg5[%add3A_254] : memref<65536xf32, #tpu.memory_space<vmem>>[vector<16xi32>], vector<16xf32>,
      %add3A_256 = arith.constant 24 : i32
      %add3A_257 = vector.broadcast %add3A_256 : i32 to vector<16xi32>
      %add3A_258 = arith.addi %mul3A_5, %add3A_257 : vector<16xi32>
      %add3A_259 = arith.addi %broadcast_in_dim3A, %add3A_258 : vector<16xi32>
      tpu.vector_store_idx %arg7[%add3A_259], %gather3A_255 : memref<57344xf32, #tpu.memory_space<vmem>>[vector<16xi32>], vector<16xf32>,
      %add3A_260 = arith.constant 25 : i32
      %add3A_261 = vector.broadcast %add3A_260 : i32 to vector<16xi32>
      %add3A_262 = arith.addi %mul3A_55, %add3A_261 : vector<16xi32>
      %gather3A_263 = tpu.vector_load_idx %arg5[%add3A_262] : memref<65536xf32, #tpu.memory_space<vmem>>[vector<16xi32>], vector<16xf32>,
      %add3A_264 = arith.constant 25 : i32
      %add3A_265 = vector.broadcast %add3A_264 : i32 to vector<16xi32>
      %add3A_266 = arith.addi %mul3A_5, %add3A_265 : vector<16xi32>
      %add3A_267 = arith.addi %broadcast_in_dim3A, %add3A_266 : vector<16xi32>
      tpu.vector_store_idx %arg7[%add3A_267], %gather3A_263 : memref<57344xf32, #tpu.memory_space<vmem>>[vector<16xi32>], vector<16xf32>,
      %add3A_268 = arith.constant 26 : i32
      %add3A_269 = vector.broadcast %add3A_268 : i32 to vector<16xi32>
      %add3A_270 = arith.addi %mul3A_55, %add3A_269 : vector<16xi32>
      %gather3A_271 = tpu.vector_load_idx %arg5[%add3A_270] : memref<65536xf32, #tpu.memory_space<vmem>>[vector<16xi32>], vector<16xf32>,
      %add3A_272 = arith.constant 26 : i32
      %add3A_273 = vector.broadcast %add3A_272 : i32 to vector<16xi32>
      %add3A_274 = arith.addi %mul3A_5, %add3A_273 : vector<16xi32>
      %add3A_275 = arith.addi %broadcast_in_dim3A, %add3A_274 : vector<16xi32>
      tpu.vector_store_idx %arg7[%add3A_275], %gather3A_271 : memref<57344xf32, #tpu.memory_space<vmem>>[vector<16xi32>], vector<16xf32>,
      %add3A_276 = arith.constant 27 : i32
      %add3A_277 = vector.broadcast %add3A_276 : i32 to vector<16xi32>
      %add3A_278 = arith.addi %mul3A_55, %add3A_277 : vector<16xi32>
      %gather3A_279 = tpu.vector_load_idx %arg5[%add3A_278] : memref<65536xf32, #tpu.memory_space<vmem>>[vector<16xi32>], vector<16xf32>,
      %add3A_280 = arith.constant 27 : i32
      %add3A_281 = vector.broadcast %add3A_280 : i32 to vector<16xi32>
      %add3A_282 = arith.addi %mul3A_5, %add3A_281 : vector<16xi32>
      %add3A_283 = arith.addi %broadcast_in_dim3A, %add3A_282 : vector<16xi32>
      tpu.vector_store_idx %arg7[%add3A_283], %gather3A_279 : memref<57344xf32, #tpu.memory_space<vmem>>[vector<16xi32>], vector<16xf32>,
      %add3A_284 = arith.constant 28 : i32
      %add3A_285 = vector.broadcast %add3A_284 : i32 to vector<16xi32>
      %add3A_286 = arith.addi %mul3A_55, %add3A_285 : vector<16xi32>
      %gather3A_287 = tpu.vector_load_idx %arg5[%add3A_286] : memref<65536xf32, #tpu.memory_space<vmem>>[vector<16xi32>], vector<16xf32>,
      %add3A_288 = arith.constant 28 : i32
      %add3A_289 = vector.broadcast %add3A_288 : i32 to vector<16xi32>
      %add3A_290 = arith.addi %mul3A_5, %add3A_289 : vector<16xi32>
      %add3A_291 = arith.addi %broadcast_in_dim3A, %add3A_290 : vector<16xi32>
      tpu.vector_store_idx %arg7[%add3A_291], %gather3A_287 : memref<57344xf32, #tpu.memory_space<vmem>>[vector<16xi32>], vector<16xf32>,
      %add3A_292 = arith.constant 29 : i32
      %add3A_293 = vector.broadcast %add3A_292 : i32 to vector<16xi32>
      %add3A_294 = arith.addi %mul3A_55, %add3A_293 : vector<16xi32>
      %gather3A_295 = tpu.vector_load_idx %arg5[%add3A_294] : memref<65536xf32, #tpu.memory_space<vmem>>[vector<16xi32>], vector<16xf32>,
      %add3A_296 = arith.constant 29 : i32
      %add3A_297 = vector.broadcast %add3A_296 : i32 to vector<16xi32>
      %add3A_298 = arith.addi %mul3A_5, %add3A_297 : vector<16xi32>
      %add3A_299 = arith.addi %broadcast_in_dim3A, %add3A_298 : vector<16xi32>
      tpu.vector_store_idx %arg7[%add3A_299], %gather3A_295 : memref<57344xf32, #tpu.memory_space<vmem>>[vector<16xi32>], vector<16xf32>,
      %add3A_300 = arith.constant 30 : i32
      %add3A_301 = vector.broadcast %add3A_300 : i32 to vector<16xi32>
      %add3A_302 = arith.addi %mul3A_55, %add3A_301 : vector<16xi32>
      %gather3A_303 = tpu.vector_load_idx %arg5[%add3A_302] : memref<65536xf32, #tpu.memory_space<vmem>>[vector<16xi32>], vector<16xf32>,
      %add3A_304 = arith.constant 30 : i32
      %add3A_305 = vector.broadcast %add3A_304 : i32 to vector<16xi32>
      %add3A_306 = arith.addi %mul3A_5, %add3A_305 : vector<16xi32>
      %add3A_307 = arith.addi %broadcast_in_dim3A, %add3A_306 : vector<16xi32>
      tpu.vector_store_idx %arg7[%add3A_307], %gather3A_303 : memref<57344xf32, #tpu.memory_space<vmem>>[vector<16xi32>], vector<16xf32>,
      %add3A_308 = arith.constant 31 : i32
      %add3A_309 = vector.broadcast %add3A_308 : i32 to vector<16xi32>
      %add3A_310 = arith.addi %mul3A_55, %add3A_309 : vector<16xi32>
      %gather3A_311 = tpu.vector_load_idx %arg5[%add3A_310] : memref<65536xf32, #tpu.memory_space<vmem>>[vector<16xi32>], vector<16xf32>,
      %add3A_312 = arith.constant 31 : i32
      %add3A_313 = vector.broadcast %add3A_312 : i32 to vector<16xi32>
      %add3A_314 = arith.addi %mul3A_5, %add3A_313 : vector<16xi32>
      %add3A_315 = arith.addi %broadcast_in_dim3A, %add3A_314 : vector<16xi32>
      tpu.vector_store_idx %arg7[%add3A_315], %gather3A_311 : memref<57344xf32, #tpu.memory_space<vmem>>[vector<16xi32>], vector<16xf32>,
      %add3A_316 = arith.constant 32 : i32
      %add3A_317 = vector.broadcast %add3A_316 : i32 to vector<16xi32>
      %add3A_318 = arith.addi %mul3A_55, %add3A_317 : vector<16xi32>
      %gather3A_319 = tpu.vector_load_idx %arg5[%add3A_318] : memref<65536xf32, #tpu.memory_space<vmem>>[vector<16xi32>], vector<16xf32>,
      %add3A_320 = arith.constant 32 : i32
      %add3A_321 = vector.broadcast %add3A_320 : i32 to vector<16xi32>
      %add3A_322 = arith.addi %mul3A_5, %add3A_321 : vector<16xi32>
      %add3A_323 = arith.addi %broadcast_in_dim3A, %add3A_322 : vector<16xi32>
      tpu.vector_store_idx %arg7[%add3A_323], %gather3A_319 : memref<57344xf32, #tpu.memory_space<vmem>>[vector<16xi32>], vector<16xf32>,
      %add3A_324 = arith.constant 33 : i32
      %add3A_325 = vector.broadcast %add3A_324 : i32 to vector<16xi32>
      %add3A_326 = arith.addi %mul3A_55, %add3A_325 : vector<16xi32>
      %gather3A_327 = tpu.vector_load_idx %arg5[%add3A_326] : memref<65536xf32, #tpu.memory_space<vmem>>[vector<16xi32>], vector<16xf32>,
      %add3A_328 = arith.constant 33 : i32
      %add3A_329 = vector.broadcast %add3A_328 : i32 to vector<16xi32>
      %add3A_330 = arith.addi %mul3A_5, %add3A_329 : vector<16xi32>
      %add3A_331 = arith.addi %broadcast_in_dim3A, %add3A_330 : vector<16xi32>
      tpu.vector_store_idx %arg7[%add3A_331], %gather3A_327 : memref<57344xf32, #tpu.memory_space<vmem>>[vector<16xi32>], vector<16xf32>,
      %add3A_332 = arith.constant 34 : i32
      %add3A_333 = vector.broadcast %add3A_332 : i32 to vector<16xi32>
      %add3A_334 = arith.addi %mul3A_55, %add3A_333 : vector<16xi32>
      %gather3A_335 = tpu.vector_load_idx %arg5[%add3A_334] : memref<65536xf32, #tpu.memory_space<vmem>>[vector<16xi32>], vector<16xf32>,
      %add3A_336 = arith.constant 34 : i32
      %add3A_337 = vector.broadcast %add3A_336 : i32 to vector<16xi32>
      %add3A_338 = arith.addi %mul3A_5, %add3A_337 : vector<16xi32>
      %add3A_339 = arith.addi %broadcast_in_dim3A, %add3A_338 : vector<16xi32>
      tpu.vector_store_idx %arg7[%add3A_339], %gather3A_335 : memref<57344xf32, #tpu.memory_space<vmem>>[vector<16xi32>], vector<16xf32>,
      %add3A_340 = arith.constant 35 : i32
      %add3A_341 = vector.broadcast %add3A_340 : i32 to vector<16xi32>
      %add3A_342 = arith.addi %mul3A_55, %add3A_341 : vector<16xi32>
      %gather3A_343 = tpu.vector_load_idx %arg5[%add3A_342] : memref<65536xf32, #tpu.memory_space<vmem>>[vector<16xi32>], vector<16xf32>,
      %add3A_344 = arith.constant 35 : i32
      %add3A_345 = vector.broadcast %add3A_344 : i32 to vector<16xi32>
      %add3A_346 = arith.addi %mul3A_5, %add3A_345 : vector<16xi32>
      %add3A_347 = arith.addi %broadcast_in_dim3A, %add3A_346 : vector<16xi32>
      tpu.vector_store_idx %arg7[%add3A_347], %gather3A_343 : memref<57344xf32, #tpu.memory_space<vmem>>[vector<16xi32>], vector<16xf32>,
      %add3A_348 = arith.constant 36 : i32
      %add3A_349 = vector.broadcast %add3A_348 : i32 to vector<16xi32>
      %add3A_350 = arith.addi %mul3A_55, %add3A_349 : vector<16xi32>
      %gather3A_351 = tpu.vector_load_idx %arg5[%add3A_350] : memref<65536xf32, #tpu.memory_space<vmem>>[vector<16xi32>], vector<16xf32>,
      %add3A_352 = arith.constant 36 : i32
      %add3A_353 = vector.broadcast %add3A_352 : i32 to vector<16xi32>
      %add3A_354 = arith.addi %mul3A_5, %add3A_353 : vector<16xi32>
      %add3A_355 = arith.addi %broadcast_in_dim3A, %add3A_354 : vector<16xi32>
      tpu.vector_store_idx %arg7[%add3A_355], %gather3A_351 : memref<57344xf32, #tpu.memory_space<vmem>>[vector<16xi32>], vector<16xf32>,
      %add3A_356 = arith.constant 37 : i32
      %add3A_357 = vector.broadcast %add3A_356 : i32 to vector<16xi32>
      %add3A_358 = arith.addi %mul3A_55, %add3A_357 : vector<16xi32>
      %gather3A_359 = tpu.vector_load_idx %arg5[%add3A_358] : memref<65536xf32, #tpu.memory_space<vmem>>[vector<16xi32>], vector<16xf32>,
      %add3A_360 = arith.constant 37 : i32
      %add3A_361 = vector.broadcast %add3A_360 : i32 to vector<16xi32>
      %add3A_362 = arith.addi %mul3A_5, %add3A_361 : vector<16xi32>
      %add3A_363 = arith.addi %broadcast_in_dim3A, %add3A_362 : vector<16xi32>
      tpu.vector_store_idx %arg7[%add3A_363], %gather3A_359 : memref<57344xf32, #tpu.memory_space<vmem>>[vector<16xi32>], vector<16xf32>,
      %add3A_364 = arith.constant 38 : i32
      %add3A_365 = vector.broadcast %add3A_364 : i32 to vector<16xi32>
      %add3A_366 = arith.addi %mul3A_55, %add3A_365 : vector<16xi32>
      %gather3A_367 = tpu.vector_load_idx %arg5[%add3A_366] : memref<65536xf32, #tpu.memory_space<vmem>>[vector<16xi32>], vector<16xf32>,
      %add3A_368 = arith.constant 38 : i32
      %add3A_369 = vector.broadcast %add3A_368 : i32 to vector<16xi32>
      %add3A_370 = arith.addi %mul3A_5, %add3A_369 : vector<16xi32>
      %add3A_371 = arith.addi %broadcast_in_dim3A, %add3A_370 : vector<16xi32>
      tpu.vector_store_idx %arg7[%add3A_371], %gather3A_367 : memref<57344xf32, #tpu.memory_space<vmem>>[vector<16xi32>], vector<16xf32>,
      %add3A_372 = arith.constant 39 : i32
      %add3A_373 = vector.broadcast %add3A_372 : i32 to vector<16xi32>
      %add3A_374 = arith.addi %mul3A_55, %add3A_373 : vector<16xi32>
      %gather3A_375 = tpu.vector_load_idx %arg5[%add3A_374] : memref<65536xf32, #tpu.memory_space<vmem>>[vector<16xi32>], vector<16xf32>,
      %add3A_376 = arith.constant 39 : i32
      %add3A_377 = vector.broadcast %add3A_376 : i32 to vector<16xi32>
      %add3A_378 = arith.addi %mul3A_5, %add3A_377 : vector<16xi32>
      %add3A_379 = arith.addi %broadcast_in_dim3A, %add3A_378 : vector<16xi32>
      tpu.vector_store_idx %arg7[%add3A_379], %gather3A_375 : memref<57344xf32, #tpu.memory_space<vmem>>[vector<16xi32>], vector<16xf32>,
      %add3A_380 = arith.constant 40 : i32
      %add3A_381 = vector.broadcast %add3A_380 : i32 to vector<16xi32>
      %add3A_382 = arith.addi %mul3A_55, %add3A_381 : vector<16xi32>
      %gather3A_383 = tpu.vector_load_idx %arg5[%add3A_382] : memref<65536xf32, #tpu.memory_space<vmem>>[vector<16xi32>], vector<16xf32>,
      %add3A_384 = arith.constant 40 : i32
      %add3A_385 = vector.broadcast %add3A_384 : i32 to vector<16xi32>
      %add3A_386 = arith.addi %mul3A_5, %add3A_385 : vector<16xi32>
      %add3A_387 = arith.addi %broadcast_in_dim3A, %add3A_386 : vector<16xi32>
      tpu.vector_store_idx %arg7[%add3A_387], %gather3A_383 : memref<57344xf32, #tpu.memory_space<vmem>>[vector<16xi32>], vector<16xf32>,
      %add3A_388 = arith.constant 41 : i32
      %add3A_389 = vector.broadcast %add3A_388 : i32 to vector<16xi32>
      %add3A_390 = arith.addi %mul3A_55, %add3A_389 : vector<16xi32>
      %gather3A_391 = tpu.vector_load_idx %arg5[%add3A_390] : memref<65536xf32, #tpu.memory_space<vmem>>[vector<16xi32>], vector<16xf32>,
      %add3A_392 = arith.constant 41 : i32
      %add3A_393 = vector.broadcast %add3A_392 : i32 to vector<16xi32>
      %add3A_394 = arith.addi %mul3A_5, %add3A_393 : vector<16xi32>
      %add3A_395 = arith.addi %broadcast_in_dim3A, %add3A_394 : vector<16xi32>
      tpu.vector_store_idx %arg7[%add3A_395], %gather3A_391 : memref<57344xf32, #tpu.memory_space<vmem>>[vector<16xi32>], vector<16xf32>,
      %add3A_396 = arith.constant 42 : i32
      %add3A_397 = vector.broadcast %add3A_396 : i32 to vector<16xi32>
      %add3A_398 = arith.addi %mul3A_55, %add3A_397 : vector<16xi32>
      %gather3A_399 = tpu.vector_load_idx %arg5[%add3A_398] : memref<65536xf32, #tpu.memory_space<vmem>>[vector<16xi32>], vector<16xf32>,
      %add3A_400 = arith.constant 42 : i32
      %add3A_401 = vector.broadcast %add3A_400 : i32 to vector<16xi32>
      %add3A_402 = arith.addi %mul3A_5, %add3A_401 : vector<16xi32>
      %add3A_403 = arith.addi %broadcast_in_dim3A, %add3A_402 : vector<16xi32>
      tpu.vector_store_idx %arg7[%add3A_403], %gather3A_399 : memref<57344xf32, #tpu.memory_space<vmem>>[vector<16xi32>], vector<16xf32>,
      %add3A_404 = arith.constant 43 : i32
      %add3A_405 = vector.broadcast %add3A_404 : i32 to vector<16xi32>
      %add3A_406 = arith.addi %mul3A_55, %add3A_405 : vector<16xi32>
      %gather3A_407 = tpu.vector_load_idx %arg5[%add3A_406] : memref<65536xf32, #tpu.memory_space<vmem>>[vector<16xi32>], vector<16xf32>,
      %add3A_408 = arith.constant 43 : i32
      %add3A_409 = vector.broadcast %add3A_408 : i32 to vector<16xi32>
      %add3A_410 = arith.addi %mul3A_5, %add3A_409 : vector<16xi32>
      %add3A_411 = arith.addi %broadcast_in_dim3A, %add3A_410 : vector<16xi32>
      tpu.vector_store_idx %arg7[%add3A_411], %gather3A_407 : memref<57344xf32, #tpu.memory_space<vmem>>[vector<16xi32>], vector<16xf32>,
      %add3A_412 = arith.constant 44 : i32
      %add3A_413 = vector.broadcast %add3A_412 : i32 to vector<16xi32>
      %add3A_414 = arith.addi %mul3A_55, %add3A_413 : vector<16xi32>
      %gather3A_415 = tpu.vector_load_idx %arg5[%add3A_414] : memref<65536xf32, #tpu.memory_space<vmem>>[vector<16xi32>], vector<16xf32>,
      %add3A_416 = arith.constant 44 : i32
      %add3A_417 = vector.broadcast %add3A_416 : i32 to vector<16xi32>
      %add3A_418 = arith.addi %mul3A_5, %add3A_417 : vector<16xi32>
      %add3A_419 = arith.addi %broadcast_in_dim3A, %add3A_418 : vector<16xi32>
      tpu.vector_store_idx %arg7[%add3A_419], %gather3A_415 : memref<57344xf32, #tpu.memory_space<vmem>>[vector<16xi32>], vector<16xf32>,
      %add3A_420 = arith.constant 45 : i32
      %add3A_421 = vector.broadcast %add3A_420 : i32 to vector<16xi32>
      %add3A_422 = arith.addi %mul3A_55, %add3A_421 : vector<16xi32>
      %gather3A_423 = tpu.vector_load_idx %arg5[%add3A_422] : memref<65536xf32, #tpu.memory_space<vmem>>[vector<16xi32>], vector<16xf32>,
      %add3A_424 = arith.constant 45 : i32
      %add3A_425 = vector.broadcast %add3A_424 : i32 to vector<16xi32>
      %add3A_426 = arith.addi %mul3A_5, %add3A_425 : vector<16xi32>
      %add3A_427 = arith.addi %broadcast_in_dim3A, %add3A_426 : vector<16xi32>
      tpu.vector_store_idx %arg7[%add3A_427], %gather3A_423 : memref<57344xf32, #tpu.memory_space<vmem>>[vector<16xi32>], vector<16xf32>,
      %add3A_428 = arith.constant 46 : i32
      %add3A_429 = vector.broadcast %add3A_428 : i32 to vector<16xi32>
      %add3A_430 = arith.addi %mul3A_55, %add3A_429 : vector<16xi32>
      %gather3A_431 = tpu.vector_load_idx %arg5[%add3A_430] : memref<65536xf32, #tpu.memory_space<vmem>>[vector<16xi32>], vector<16xf32>,
      %add3A_432 = arith.constant 46 : i32
      %add3A_433 = vector.broadcast %add3A_432 : i32 to vector<16xi32>
      %add3A_434 = arith.addi %mul3A_5, %add3A_433 : vector<16xi32>
      %add3A_435 = arith.addi %broadcast_in_dim3A, %add3A_434 : vector<16xi32>
      tpu.vector_store_idx %arg7[%add3A_435], %gather3A_431 : memref<57344xf32, #tpu.memory_space<vmem>>[vector<16xi32>], vector<16xf32>,
      %add3A_436 = arith.constant 47 : i32
      %add3A_437 = vector.broadcast %add3A_436 : i32 to vector<16xi32>
      %add3A_438 = arith.addi %mul3A_55, %add3A_437 : vector<16xi32>
      %gather3A_439 = tpu.vector_load_idx %arg5[%add3A_438] : memref<65536xf32, #tpu.memory_space<vmem>>[vector<16xi32>], vector<16xf32>,
      %add3A_440 = arith.constant 47 : i32
      %add3A_441 = vector.broadcast %add3A_440 : i32 to vector<16xi32>
      %add3A_442 = arith.addi %mul3A_5, %add3A_441 : vector<16xi32>
      %add3A_443 = arith.addi %broadcast_in_dim3A, %add3A_442 : vector<16xi32>
      tpu.vector_store_idx %arg7[%add3A_443], %gather3A_439 : memref<57344xf32, #tpu.memory_space<vmem>>[vector<16xi32>], vector<16xf32>,
      %add3A_444 = arith.constant 48 : i32
      %add3A_445 = vector.broadcast %add3A_444 : i32 to vector<16xi32>
      %add3A_446 = arith.addi %mul3A_55, %add3A_445 : vector<16xi32>
      %gather3A_447 = tpu.vector_load_idx %arg5[%add3A_446] : memref<65536xf32, #tpu.memory_space<vmem>>[vector<16xi32>], vector<16xf32>,
      %add3A_448 = arith.constant 48 : i32
      %add3A_449 = vector.broadcast %add3A_448 : i32 to vector<16xi32>
      %add3A_450 = arith.addi %mul3A_5, %add3A_449 : vector<16xi32>
      %add3A_451 = arith.addi %broadcast_in_dim3A, %add3A_450 : vector<16xi32>
      tpu.vector_store_idx %arg7[%add3A_451], %gather3A_447 : memref<57344xf32, #tpu.memory_space<vmem>>[vector<16xi32>], vector<16xf32>,
      %add3A_452 = arith.constant 49 : i32
      %add3A_453 = vector.broadcast %add3A_452 : i32 to vector<16xi32>
      %add3A_454 = arith.addi %mul3A_55, %add3A_453 : vector<16xi32>
      %gather3A_455 = tpu.vector_load_idx %arg5[%add3A_454] : memref<65536xf32, #tpu.memory_space<vmem>>[vector<16xi32>], vector<16xf32>,
      %add3A_456 = arith.constant 49 : i32
      %add3A_457 = vector.broadcast %add3A_456 : i32 to vector<16xi32>
      %add3A_458 = arith.addi %mul3A_5, %add3A_457 : vector<16xi32>
      %add3A_459 = arith.addi %broadcast_in_dim3A, %add3A_458 : vector<16xi32>
      tpu.vector_store_idx %arg7[%add3A_459], %gather3A_455 : memref<57344xf32, #tpu.memory_space<vmem>>[vector<16xi32>], vector<16xf32>,
      %add3A_460 = arith.constant 50 : i32
      %add3A_461 = vector.broadcast %add3A_460 : i32 to vector<16xi32>
      %add3A_462 = arith.addi %mul3A_55, %add3A_461 : vector<16xi32>
      %gather3A_463 = tpu.vector_load_idx %arg5[%add3A_462] : memref<65536xf32, #tpu.memory_space<vmem>>[vector<16xi32>], vector<16xf32>,
      %add3A_464 = arith.constant 50 : i32
      %add3A_465 = vector.broadcast %add3A_464 : i32 to vector<16xi32>
      %add3A_466 = arith.addi %mul3A_5, %add3A_465 : vector<16xi32>
      %add3A_467 = arith.addi %broadcast_in_dim3A, %add3A_466 : vector<16xi32>
      tpu.vector_store_idx %arg7[%add3A_467], %gather3A_463 : memref<57344xf32, #tpu.memory_space<vmem>>[vector<16xi32>], vector<16xf32>,
      %add3A_468 = arith.constant 51 : i32
      %add3A_469 = vector.broadcast %add3A_468 : i32 to vector<16xi32>
      %add3A_470 = arith.addi %mul3A_55, %add3A_469 : vector<16xi32>
      %gather3A_471 = tpu.vector_load_idx %arg5[%add3A_470] : memref<65536xf32, #tpu.memory_space<vmem>>[vector<16xi32>], vector<16xf32>,
      %add3A_472 = arith.constant 51 : i32
      %add3A_473 = vector.broadcast %add3A_472 : i32 to vector<16xi32>
      %add3A_474 = arith.addi %mul3A_5, %add3A_473 : vector<16xi32>
      %add3A_475 = arith.addi %broadcast_in_dim3A, %add3A_474 : vector<16xi32>
      tpu.vector_store_idx %arg7[%add3A_475], %gather3A_471 : memref<57344xf32, #tpu.memory_space<vmem>>[vector<16xi32>], vector<16xf32>,
      %add3A_476 = arith.constant 52 : i32
      %add3A_477 = vector.broadcast %add3A_476 : i32 to vector<16xi32>
      %add3A_478 = arith.addi %mul3A_55, %add3A_477 : vector<16xi32>
      %gather3A_479 = tpu.vector_load_idx %arg5[%add3A_478] : memref<65536xf32, #tpu.memory_space<vmem>>[vector<16xi32>], vector<16xf32>,
      %add3A_480 = arith.constant 52 : i32
      %add3A_481 = vector.broadcast %add3A_480 : i32 to vector<16xi32>
      %add3A_482 = arith.addi %mul3A_5, %add3A_481 : vector<16xi32>
      %add3A_483 = arith.addi %broadcast_in_dim3A, %add3A_482 : vector<16xi32>
      tpu.vector_store_idx %arg7[%add3A_483], %gather3A_479 : memref<57344xf32, #tpu.memory_space<vmem>>[vector<16xi32>], vector<16xf32>,
      %add3A_484 = arith.constant 53 : i32
      %add3A_485 = vector.broadcast %add3A_484 : i32 to vector<16xi32>
      %add3A_486 = arith.addi %mul3A_55, %add3A_485 : vector<16xi32>
      %gather3A_487 = tpu.vector_load_idx %arg5[%add3A_486] : memref<65536xf32, #tpu.memory_space<vmem>>[vector<16xi32>], vector<16xf32>,
      %add3A_488 = arith.constant 53 : i32
      %add3A_489 = vector.broadcast %add3A_488 : i32 to vector<16xi32>
      %add3A_490 = arith.addi %mul3A_5, %add3A_489 : vector<16xi32>
      %add3A_491 = arith.addi %broadcast_in_dim3A, %add3A_490 : vector<16xi32>
      tpu.vector_store_idx %arg7[%add3A_491], %gather3A_487 : memref<57344xf32, #tpu.memory_space<vmem>>[vector<16xi32>], vector<16xf32>,
      %add3A_492 = arith.constant 54 : i32
      %add3A_493 = vector.broadcast %add3A_492 : i32 to vector<16xi32>
      %add3A_494 = arith.addi %mul3A_55, %add3A_493 : vector<16xi32>
      %gather3A_495 = tpu.vector_load_idx %arg5[%add3A_494] : memref<65536xf32, #tpu.memory_space<vmem>>[vector<16xi32>], vector<16xf32>,
      %add3A_496 = arith.constant 54 : i32
      %add3A_497 = vector.broadcast %add3A_496 : i32 to vector<16xi32>
      %add3A_498 = arith.addi %mul3A_5, %add3A_497 : vector<16xi32>
      %add3A_499 = arith.addi %broadcast_in_dim3A, %add3A_498 : vector<16xi32>
      tpu.vector_store_idx %arg7[%add3A_499], %gather3A_495 : memref<57344xf32, #tpu.memory_space<vmem>>[vector<16xi32>], vector<16xf32>,
      %add3A_500 = arith.constant 55 : i32
      %add3A_501 = vector.broadcast %add3A_500 : i32 to vector<16xi32>
      %add3A_502 = arith.addi %mul3A_55, %add3A_501 : vector<16xi32>
      %gather3A_503 = tpu.vector_load_idx %arg5[%add3A_502] : memref<65536xf32, #tpu.memory_space<vmem>>[vector<16xi32>], vector<16xf32>,
      %add3A_504 = arith.constant 55 : i32
      %add3A_505 = vector.broadcast %add3A_504 : i32 to vector<16xi32>
      %add3A_506 = arith.addi %mul3A_5, %add3A_505 : vector<16xi32>
      %add3A_507 = arith.addi %broadcast_in_dim3A, %add3A_506 : vector<16xi32>
      tpu.vector_store_idx %arg7[%add3A_507], %gather3A_503 : memref<57344xf32, #tpu.memory_space<vmem>>[vector<16xi32>], vector<16xf32>,
      %add3A_508 = arith.constant 56 : i32
      %add3A_509 = vector.broadcast %add3A_508 : i32 to vector<16xi32>
      %add3A_510 = arith.addi %mul3A_55, %add3A_509 : vector<16xi32>
      %gather3A_511 = tpu.vector_load_idx %arg5[%add3A_510] : memref<65536xf32, #tpu.memory_space<vmem>>[vector<16xi32>], vector<16xf32>,
      %add3A_512 = arith.constant 56 : i32
      %add3A_513 = vector.broadcast %add3A_512 : i32 to vector<16xi32>
      %add3A_514 = arith.addi %mul3A_5, %add3A_513 : vector<16xi32>
      %add3A_515 = arith.addi %broadcast_in_dim3A, %add3A_514 : vector<16xi32>
      tpu.vector_store_idx %arg7[%add3A_515], %gather3A_511 : memref<57344xf32, #tpu.memory_space<vmem>>[vector<16xi32>], vector<16xf32>,
      %add3A_516 = arith.constant 57 : i32
      %add3A_517 = vector.broadcast %add3A_516 : i32 to vector<16xi32>
      %add3A_518 = arith.addi %mul3A_55, %add3A_517 : vector<16xi32>
      %gather3A_519 = tpu.vector_load_idx %arg5[%add3A_518] : memref<65536xf32, #tpu.memory_space<vmem>>[vector<16xi32>], vector<16xf32>,
      %add3A_520 = arith.constant 57 : i32
      %add3A_521 = vector.broadcast %add3A_520 : i32 to vector<16xi32>
      %add3A_522 = arith.addi %mul3A_5, %add3A_521 : vector<16xi32>
      %add3A_523 = arith.addi %broadcast_in_dim3A, %add3A_522 : vector<16xi32>
      tpu.vector_store_idx %arg7[%add3A_523], %gather3A_519 : memref<57344xf32, #tpu.memory_space<vmem>>[vector<16xi32>], vector<16xf32>,
      %add3A_524 = arith.constant 58 : i32
      %add3A_525 = vector.broadcast %add3A_524 : i32 to vector<16xi32>
      %add3A_526 = arith.addi %mul3A_55, %add3A_525 : vector<16xi32>
      %gather3A_527 = tpu.vector_load_idx %arg5[%add3A_526] : memref<65536xf32, #tpu.memory_space<vmem>>[vector<16xi32>], vector<16xf32>,
      %add3A_528 = arith.constant 58 : i32
      %add3A_529 = vector.broadcast %add3A_528 : i32 to vector<16xi32>
      %add3A_530 = arith.addi %mul3A_5, %add3A_529 : vector<16xi32>
      %add3A_531 = arith.addi %broadcast_in_dim3A, %add3A_530 : vector<16xi32>
      tpu.vector_store_idx %arg7[%add3A_531], %gather3A_527 : memref<57344xf32, #tpu.memory_space<vmem>>[vector<16xi32>], vector<16xf32>,
      %add3A_532 = arith.constant 59 : i32
      %add3A_533 = vector.broadcast %add3A_532 : i32 to vector<16xi32>
      %add3A_534 = arith.addi %mul3A_55, %add3A_533 : vector<16xi32>
      %gather3A_535 = tpu.vector_load_idx %arg5[%add3A_534] : memref<65536xf32, #tpu.memory_space<vmem>>[vector<16xi32>], vector<16xf32>,
      %add3A_536 = arith.constant 59 : i32
      %add3A_537 = vector.broadcast %add3A_536 : i32 to vector<16xi32>
      %add3A_538 = arith.addi %mul3A_5, %add3A_537 : vector<16xi32>
      %add3A_539 = arith.addi %broadcast_in_dim3A, %add3A_538 : vector<16xi32>
      tpu.vector_store_idx %arg7[%add3A_539], %gather3A_535 : memref<57344xf32, #tpu.memory_space<vmem>>[vector<16xi32>], vector<16xf32>,
      %add3A_540 = arith.constant 60 : i32
      %add3A_541 = vector.broadcast %add3A_540 : i32 to vector<16xi32>
      %add3A_542 = arith.addi %mul3A_55, %add3A_541 : vector<16xi32>
      %gather3A_543 = tpu.vector_load_idx %arg5[%add3A_542] : memref<65536xf32, #tpu.memory_space<vmem>>[vector<16xi32>], vector<16xf32>,
      %add3A_544 = arith.constant 60 : i32
      %add3A_545 = vector.broadcast %add3A_544 : i32 to vector<16xi32>
      %add3A_546 = arith.addi %mul3A_5, %add3A_545 : vector<16xi32>
      %add3A_547 = arith.addi %broadcast_in_dim3A, %add3A_546 : vector<16xi32>
      tpu.vector_store_idx %arg7[%add3A_547], %gather3A_543 : memref<57344xf32, #tpu.memory_space<vmem>>[vector<16xi32>], vector<16xf32>,
      %add3A_548 = arith.constant 61 : i32
      %add3A_549 = vector.broadcast %add3A_548 : i32 to vector<16xi32>
      %add3A_550 = arith.addi %mul3A_55, %add3A_549 : vector<16xi32>
      %gather3A_551 = tpu.vector_load_idx %arg5[%add3A_550] : memref<65536xf32, #tpu.memory_space<vmem>>[vector<16xi32>], vector<16xf32>,
      %add3A_552 = arith.constant 61 : i32
      %add3A_553 = vector.broadcast %add3A_552 : i32 to vector<16xi32>
      %add3A_554 = arith.addi %mul3A_5, %add3A_553 : vector<16xi32>
      %add3A_555 = arith.addi %broadcast_in_dim3A, %add3A_554 : vector<16xi32>
      tpu.vector_store_idx %arg7[%add3A_555], %gather3A_551 : memref<57344xf32, #tpu.memory_space<vmem>>[vector<16xi32>], vector<16xf32>,
      %add3A_556 = arith.constant 62 : i32
      %add3A_557 = vector.broadcast %add3A_556 : i32 to vector<16xi32>
      %add3A_558 = arith.addi %mul3A_55, %add3A_557 : vector<16xi32>
      %gather3A_559 = tpu.vector_load_idx %arg5[%add3A_558] : memref<65536xf32, #tpu.memory_space<vmem>>[vector<16xi32>], vector<16xf32>,
      %add3A_560 = arith.constant 62 : i32
      %add3A_561 = vector.broadcast %add3A_560 : i32 to vector<16xi32>
      %add3A_562 = arith.addi %mul3A_5, %add3A_561 : vector<16xi32>
      %add3A_563 = arith.addi %broadcast_in_dim3A, %add3A_562 : vector<16xi32>
      tpu.vector_store_idx %arg7[%add3A_563], %gather3A_559 : memref<57344xf32, #tpu.memory_space<vmem>>[vector<16xi32>], vector<16xf32>,
      %add3A_564 = arith.constant 63 : i32
      %add3A_565 = vector.broadcast %add3A_564 : i32 to vector<16xi32>
      %add3A_566 = arith.addi %mul3A_55, %add3A_565 : vector<16xi32>
      %gather3A_567 = tpu.vector_load_idx %arg5[%add3A_566] : memref<65536xf32, #tpu.memory_space<vmem>>[vector<16xi32>], vector<16xf32>,
      %add3A_568 = arith.constant 63 : i32
      %add3A_569 = vector.broadcast %add3A_568 : i32 to vector<16xi32>
      %add3A_570 = arith.addi %mul3A_5, %add3A_569 : vector<16xi32>
      %add3A_571 = arith.addi %broadcast_in_dim3A, %add3A_570 : vector<16xi32>
      tpu.vector_store_idx %arg7[%add3A_571], %gather3A_567 : memref<57344xf32, #tpu.memory_space<vmem>>[vector<16xi32>], vector<16xf32>,
    }
    %scan3A_31 = arith.constant 28 : i32
    %add3A_32 = arith.constant 896 : i32
    %add3A_33 = arith.addi %mul3A_2, %add3A_32 : i32
    %mul3A_34 = arith.constant 64 : i32
    %mul3A_35 = arith.muli %add3A_33, %mul3A_34 : i32
    %multiple_of3A_36 = tpu.assume_multiple %mul3A_35, 8 : i32
    "tpu.region"() ({
      %run_scoped3A = tpu.sem_alloc : memref<!tpu.dma_semaphore, #tpu.memory_space<semaphore_mem>>
      %dma_start3A = arith.constant 0 : i32
      %dma_start3A_48 = tpu.memref_slice %arg7[%dma_start3A] : memref<57344xf32, #tpu.memory_space<vmem>> -> memref<28672xf32, #tpu.memory_space<vmem>>
      %dma_start3A_49 = tpu.memref_slice %arg4[%multiple_of3A_36] : memref<3211264xf32, #tpu.memory_space<hbm>> -> memref<28672xf32, #tpu.memory_space<hbm>>
      %dma_start3A_50 = tpu.memref_slice %arg4[%multiple_of3A_36] : memref<3211264xf32, #tpu.memory_space<hbm>> -> memref<28672xf32, #tpu.memory_space<hbm>>
      %dma_start3A_51 = arith.constant 0 : i32
      %dma_start3A_52 = tpu.memref_slice %arg7[%dma_start3A_51] : memref<57344xf32, #tpu.memory_space<vmem>> -> memref<28672xf32, #tpu.memory_space<vmem>>
      tpu.enqueue_dma source(%dma_start3A_52 : memref<28672xf32, #tpu.memory_space<vmem>>) target(%dma_start3A_50 : memref<28672xf32, #tpu.memory_space<hbm>>) target_semaphore(%run_scoped3A : memref<!tpu.dma_semaphore, #tpu.memory_space<semaphore_mem>>)
      %dma_wait3A = arith.constant 0 : i32
      %dma_wait3A_53 = tpu.memref_slice %arg7[%dma_wait3A] : memref<57344xf32, #tpu.memory_space<vmem>> -> memref<28672xf32, #tpu.memory_space<vmem>>
      %dma_wait3A_54 = tpu.memref_slice %arg4[%multiple_of3A_36] : memref<3211264xf32, #tpu.memory_space<hbm>> -> memref<28672xf32, #tpu.memory_space<hbm>>
      %dma_wait3A_55 = tpu.memref_slice %arg4[%multiple_of3A_36] : memref<3211264xf32, #tpu.memory_space<hbm>> -> memref<28672xf32, #tpu.memory_space<hbm>>
      %dma_wait3A_56 = arith.constant 0 : i32
      %dma_wait3A_57 = tpu.memref_slice %arg7[%dma_wait3A_56] : memref<57344xf32, #tpu.memory_space<vmem>> -> memref<28672xf32, #tpu.memory_space<vmem>>
      tpu.wait_dma2 semaphore(%run_scoped3A : memref<!tpu.dma_semaphore, #tpu.memory_space<semaphore_mem>>) src(%dma_wait3A_57 : memref<28672xf32, #tpu.memory_space<vmem>>) dst(%dma_wait3A_55 : memref<28672xf32, #tpu.memory_space<hbm>>)
      tpu.yield
    }) : () -> ()
    %scan3A_37 = arith.constant 0 : i32
    %scan3A_38 = arith.constant 84 : i32
    %scan3A_39 = arith.constant 14 : i32
    %scan3A_40 = arith.addi %scan3A_38, %scan3A_39 : i32
    %scan3A_41 = arith.constant 1 : i32
    scf.for %scan3A_48 = %scan3A_38 to %scan3A_40 step %scan3A_41  : i32 {
      %mul3A_49 = arith.constant 16 : i32
      %mul3A_50 = arith.muli %scan3A_48, %mul3A_49 : i32
      %multiple_of3A_51 = tpu.assume_multiple %mul3A_50, 8 : i32
      %get3A = arith.index_cast %multiple_of3A_51 : i32 to index
      %get3A_52 = tpu.vector_load %arg6[%get3A] {strides = array<i32>} : memref<1568xi32, #tpu.memory_space<vmem>>, vector<16xi32>,
      %mul3A_53 = arith.constant 64 : i32
      %mul3A_54 = vector.broadcast %mul3A_53 : i32 to vector<16xi32>
      %mul3A_55 = arith.muli %get3A_52, %mul3A_54 : vector<16xi32>
      %sub3A = arith.constant 84 : i32
      %sub3A_56 = arith.subi %scan3A_48, %sub3A : i32
      %mul3A_57 = arith.constant 1024 : i32
      %mul3A_58 = arith.muli %sub3A_56, %mul3A_57 : i32
      %add3A_59 = arith.constant 28672 : i32
      %add3A_60 = arith.addi %add3A_59, %mul3A_58 : i32
      %broadcast_in_dim3A = vector.broadcast %add3A_60 : i32 to vector<16xi32>
      %add3A_61 = arith.constant 0 : i32
      %add3A_62 = vector.broadcast %add3A_61 : i32 to vector<16xi32>
      %add3A_63 = arith.addi %mul3A_55, %add3A_62 : vector<16xi32>
      %gather3A = tpu.vector_load_idx %arg5[%add3A_63] : memref<65536xf32, #tpu.memory_space<vmem>>[vector<16xi32>], vector<16xf32>,
      %add3A_64 = arith.constant 0 : i32
      %add3A_65 = vector.broadcast %add3A_64 : i32 to vector<16xi32>
      %add3A_66 = arith.addi %mul3A_5, %add3A_65 : vector<16xi32>
      %add3A_67 = arith.addi %broadcast_in_dim3A, %add3A_66 : vector<16xi32>
      tpu.vector_store_idx %arg7[%add3A_67], %gather3A : memref<57344xf32, #tpu.memory_space<vmem>>[vector<16xi32>], vector<16xf32>,
      %add3A_68 = arith.constant 1 : i32
      %add3A_69 = vector.broadcast %add3A_68 : i32 to vector<16xi32>
      %add3A_70 = arith.addi %mul3A_55, %add3A_69 : vector<16xi32>
      %gather3A_71 = tpu.vector_load_idx %arg5[%add3A_70] : memref<65536xf32, #tpu.memory_space<vmem>>[vector<16xi32>], vector<16xf32>,
      %add3A_72 = arith.constant 1 : i32
      %add3A_73 = vector.broadcast %add3A_72 : i32 to vector<16xi32>
      %add3A_74 = arith.addi %mul3A_5, %add3A_73 : vector<16xi32>
      %add3A_75 = arith.addi %broadcast_in_dim3A, %add3A_74 : vector<16xi32>
      tpu.vector_store_idx %arg7[%add3A_75], %gather3A_71 : memref<57344xf32, #tpu.memory_space<vmem>>[vector<16xi32>], vector<16xf32>,
      %add3A_76 = arith.constant 2 : i32
      %add3A_77 = vector.broadcast %add3A_76 : i32 to vector<16xi32>
      %add3A_78 = arith.addi %mul3A_55, %add3A_77 : vector<16xi32>
      %gather3A_79 = tpu.vector_load_idx %arg5[%add3A_78] : memref<65536xf32, #tpu.memory_space<vmem>>[vector<16xi32>], vector<16xf32>,
      %add3A_80 = arith.constant 2 : i32
      %add3A_81 = vector.broadcast %add3A_80 : i32 to vector<16xi32>
      %add3A_82 = arith.addi %mul3A_5, %add3A_81 : vector<16xi32>
      %add3A_83 = arith.addi %broadcast_in_dim3A, %add3A_82 : vector<16xi32>
      tpu.vector_store_idx %arg7[%add3A_83], %gather3A_79 : memref<57344xf32, #tpu.memory_space<vmem>>[vector<16xi32>], vector<16xf32>,
      %add3A_84 = arith.constant 3 : i32
      %add3A_85 = vector.broadcast %add3A_84 : i32 to vector<16xi32>
      %add3A_86 = arith.addi %mul3A_55, %add3A_85 : vector<16xi32>
      %gather3A_87 = tpu.vector_load_idx %arg5[%add3A_86] : memref<65536xf32, #tpu.memory_space<vmem>>[vector<16xi32>], vector<16xf32>,
      %add3A_88 = arith.constant 3 : i32
      %add3A_89 = vector.broadcast %add3A_88 : i32 to vector<16xi32>
      %add3A_90 = arith.addi %mul3A_5, %add3A_89 : vector<16xi32>
      %add3A_91 = arith.addi %broadcast_in_dim3A, %add3A_90 : vector<16xi32>
      tpu.vector_store_idx %arg7[%add3A_91], %gather3A_87 : memref<57344xf32, #tpu.memory_space<vmem>>[vector<16xi32>], vector<16xf32>,
      %add3A_92 = arith.constant 4 : i32
      %add3A_93 = vector.broadcast %add3A_92 : i32 to vector<16xi32>
      %add3A_94 = arith.addi %mul3A_55, %add3A_93 : vector<16xi32>
      %gather3A_95 = tpu.vector_load_idx %arg5[%add3A_94] : memref<65536xf32, #tpu.memory_space<vmem>>[vector<16xi32>], vector<16xf32>,
      %add3A_96 = arith.constant 4 : i32
      %add3A_97 = vector.broadcast %add3A_96 : i32 to vector<16xi32>
      %add3A_98 = arith.addi %mul3A_5, %add3A_97 : vector<16xi32>
      %add3A_99 = arith.addi %broadcast_in_dim3A, %add3A_98 : vector<16xi32>
      tpu.vector_store_idx %arg7[%add3A_99], %gather3A_95 : memref<57344xf32, #tpu.memory_space<vmem>>[vector<16xi32>], vector<16xf32>,
      %add3A_100 = arith.constant 5 : i32
      %add3A_101 = vector.broadcast %add3A_100 : i32 to vector<16xi32>
      %add3A_102 = arith.addi %mul3A_55, %add3A_101 : vector<16xi32>
      %gather3A_103 = tpu.vector_load_idx %arg5[%add3A_102] : memref<65536xf32, #tpu.memory_space<vmem>>[vector<16xi32>], vector<16xf32>,
      %add3A_104 = arith.constant 5 : i32
      %add3A_105 = vector.broadcast %add3A_104 : i32 to vector<16xi32>
      %add3A_106 = arith.addi %mul3A_5, %add3A_105 : vector<16xi32>
      %add3A_107 = arith.addi %broadcast_in_dim3A, %add3A_106 : vector<16xi32>
      tpu.vector_store_idx %arg7[%add3A_107], %gather3A_103 : memref<57344xf32, #tpu.memory_space<vmem>>[vector<16xi32>], vector<16xf32>,
      %add3A_108 = arith.constant 6 : i32
      %add3A_109 = vector.broadcast %add3A_108 : i32 to vector<16xi32>
      %add3A_110 = arith.addi %mul3A_55, %add3A_109 : vector<16xi32>
      %gather3A_111 = tpu.vector_load_idx %arg5[%add3A_110] : memref<65536xf32, #tpu.memory_space<vmem>>[vector<16xi32>], vector<16xf32>,
      %add3A_112 = arith.constant 6 : i32
      %add3A_113 = vector.broadcast %add3A_112 : i32 to vector<16xi32>
      %add3A_114 = arith.addi %mul3A_5, %add3A_113 : vector<16xi32>
      %add3A_115 = arith.addi %broadcast_in_dim3A, %add3A_114 : vector<16xi32>
      tpu.vector_store_idx %arg7[%add3A_115], %gather3A_111 : memref<57344xf32, #tpu.memory_space<vmem>>[vector<16xi32>], vector<16xf32>,
      %add3A_116 = arith.constant 7 : i32
      %add3A_117 = vector.broadcast %add3A_116 : i32 to vector<16xi32>
      %add3A_118 = arith.addi %mul3A_55, %add3A_117 : vector<16xi32>
      %gather3A_119 = tpu.vector_load_idx %arg5[%add3A_118] : memref<65536xf32, #tpu.memory_space<vmem>>[vector<16xi32>], vector<16xf32>,
      %add3A_120 = arith.constant 7 : i32
      %add3A_121 = vector.broadcast %add3A_120 : i32 to vector<16xi32>
      %add3A_122 = arith.addi %mul3A_5, %add3A_121 : vector<16xi32>
      %add3A_123 = arith.addi %broadcast_in_dim3A, %add3A_122 : vector<16xi32>
      tpu.vector_store_idx %arg7[%add3A_123], %gather3A_119 : memref<57344xf32, #tpu.memory_space<vmem>>[vector<16xi32>], vector<16xf32>,
      %add3A_124 = arith.constant 8 : i32
      %add3A_125 = vector.broadcast %add3A_124 : i32 to vector<16xi32>
      %add3A_126 = arith.addi %mul3A_55, %add3A_125 : vector<16xi32>
      %gather3A_127 = tpu.vector_load_idx %arg5[%add3A_126] : memref<65536xf32, #tpu.memory_space<vmem>>[vector<16xi32>], vector<16xf32>,
      %add3A_128 = arith.constant 8 : i32
      %add3A_129 = vector.broadcast %add3A_128 : i32 to vector<16xi32>
      %add3A_130 = arith.addi %mul3A_5, %add3A_129 : vector<16xi32>
      %add3A_131 = arith.addi %broadcast_in_dim3A, %add3A_130 : vector<16xi32>
      tpu.vector_store_idx %arg7[%add3A_131], %gather3A_127 : memref<57344xf32, #tpu.memory_space<vmem>>[vector<16xi32>], vector<16xf32>,
      %add3A_132 = arith.constant 9 : i32
      %add3A_133 = vector.broadcast %add3A_132 : i32 to vector<16xi32>
      %add3A_134 = arith.addi %mul3A_55, %add3A_133 : vector<16xi32>
      %gather3A_135 = tpu.vector_load_idx %arg5[%add3A_134] : memref<65536xf32, #tpu.memory_space<vmem>>[vector<16xi32>], vector<16xf32>,
      %add3A_136 = arith.constant 9 : i32
      %add3A_137 = vector.broadcast %add3A_136 : i32 to vector<16xi32>
      %add3A_138 = arith.addi %mul3A_5, %add3A_137 : vector<16xi32>
      %add3A_139 = arith.addi %broadcast_in_dim3A, %add3A_138 : vector<16xi32>
      tpu.vector_store_idx %arg7[%add3A_139], %gather3A_135 : memref<57344xf32, #tpu.memory_space<vmem>>[vector<16xi32>], vector<16xf32>,
      %add3A_140 = arith.constant 10 : i32
      %add3A_141 = vector.broadcast %add3A_140 : i32 to vector<16xi32>
      %add3A_142 = arith.addi %mul3A_55, %add3A_141 : vector<16xi32>
      %gather3A_143 = tpu.vector_load_idx %arg5[%add3A_142] : memref<65536xf32, #tpu.memory_space<vmem>>[vector<16xi32>], vector<16xf32>,
      %add3A_144 = arith.constant 10 : i32
      %add3A_145 = vector.broadcast %add3A_144 : i32 to vector<16xi32>
      %add3A_146 = arith.addi %mul3A_5, %add3A_145 : vector<16xi32>
      %add3A_147 = arith.addi %broadcast_in_dim3A, %add3A_146 : vector<16xi32>
      tpu.vector_store_idx %arg7[%add3A_147], %gather3A_143 : memref<57344xf32, #tpu.memory_space<vmem>>[vector<16xi32>], vector<16xf32>,
      %add3A_148 = arith.constant 11 : i32
      %add3A_149 = vector.broadcast %add3A_148 : i32 to vector<16xi32>
      %add3A_150 = arith.addi %mul3A_55, %add3A_149 : vector<16xi32>
      %gather3A_151 = tpu.vector_load_idx %arg5[%add3A_150] : memref<65536xf32, #tpu.memory_space<vmem>>[vector<16xi32>], vector<16xf32>,
      %add3A_152 = arith.constant 11 : i32
      %add3A_153 = vector.broadcast %add3A_152 : i32 to vector<16xi32>
      %add3A_154 = arith.addi %mul3A_5, %add3A_153 : vector<16xi32>
      %add3A_155 = arith.addi %broadcast_in_dim3A, %add3A_154 : vector<16xi32>
      tpu.vector_store_idx %arg7[%add3A_155], %gather3A_151 : memref<57344xf32, #tpu.memory_space<vmem>>[vector<16xi32>], vector<16xf32>,
      %add3A_156 = arith.constant 12 : i32
      %add3A_157 = vector.broadcast %add3A_156 : i32 to vector<16xi32>
      %add3A_158 = arith.addi %mul3A_55, %add3A_157 : vector<16xi32>
      %gather3A_159 = tpu.vector_load_idx %arg5[%add3A_158] : memref<65536xf32, #tpu.memory_space<vmem>>[vector<16xi32>], vector<16xf32>,
      %add3A_160 = arith.constant 12 : i32
      %add3A_161 = vector.broadcast %add3A_160 : i32 to vector<16xi32>
      %add3A_162 = arith.addi %mul3A_5, %add3A_161 : vector<16xi32>
      %add3A_163 = arith.addi %broadcast_in_dim3A, %add3A_162 : vector<16xi32>
      tpu.vector_store_idx %arg7[%add3A_163], %gather3A_159 : memref<57344xf32, #tpu.memory_space<vmem>>[vector<16xi32>], vector<16xf32>,
      %add3A_164 = arith.constant 13 : i32
      %add3A_165 = vector.broadcast %add3A_164 : i32 to vector<16xi32>
      %add3A_166 = arith.addi %mul3A_55, %add3A_165 : vector<16xi32>
      %gather3A_167 = tpu.vector_load_idx %arg5[%add3A_166] : memref<65536xf32, #tpu.memory_space<vmem>>[vector<16xi32>], vector<16xf32>,
      %add3A_168 = arith.constant 13 : i32
      %add3A_169 = vector.broadcast %add3A_168 : i32 to vector<16xi32>
      %add3A_170 = arith.addi %mul3A_5, %add3A_169 : vector<16xi32>
      %add3A_171 = arith.addi %broadcast_in_dim3A, %add3A_170 : vector<16xi32>
      tpu.vector_store_idx %arg7[%add3A_171], %gather3A_167 : memref<57344xf32, #tpu.memory_space<vmem>>[vector<16xi32>], vector<16xf32>,
      %add3A_172 = arith.constant 14 : i32
      %add3A_173 = vector.broadcast %add3A_172 : i32 to vector<16xi32>
      %add3A_174 = arith.addi %mul3A_55, %add3A_173 : vector<16xi32>
      %gather3A_175 = tpu.vector_load_idx %arg5[%add3A_174] : memref<65536xf32, #tpu.memory_space<vmem>>[vector<16xi32>], vector<16xf32>,
      %add3A_176 = arith.constant 14 : i32
      %add3A_177 = vector.broadcast %add3A_176 : i32 to vector<16xi32>
      %add3A_178 = arith.addi %mul3A_5, %add3A_177 : vector<16xi32>
      %add3A_179 = arith.addi %broadcast_in_dim3A, %add3A_178 : vector<16xi32>
      tpu.vector_store_idx %arg7[%add3A_179], %gather3A_175 : memref<57344xf32, #tpu.memory_space<vmem>>[vector<16xi32>], vector<16xf32>,
      %add3A_180 = arith.constant 15 : i32
      %add3A_181 = vector.broadcast %add3A_180 : i32 to vector<16xi32>
      %add3A_182 = arith.addi %mul3A_55, %add3A_181 : vector<16xi32>
      %gather3A_183 = tpu.vector_load_idx %arg5[%add3A_182] : memref<65536xf32, #tpu.memory_space<vmem>>[vector<16xi32>], vector<16xf32>,
      %add3A_184 = arith.constant 15 : i32
      %add3A_185 = vector.broadcast %add3A_184 : i32 to vector<16xi32>
      %add3A_186 = arith.addi %mul3A_5, %add3A_185 : vector<16xi32>
      %add3A_187 = arith.addi %broadcast_in_dim3A, %add3A_186 : vector<16xi32>
      tpu.vector_store_idx %arg7[%add3A_187], %gather3A_183 : memref<57344xf32, #tpu.memory_space<vmem>>[vector<16xi32>], vector<16xf32>,
      %add3A_188 = arith.constant 16 : i32
      %add3A_189 = vector.broadcast %add3A_188 : i32 to vector<16xi32>
      %add3A_190 = arith.addi %mul3A_55, %add3A_189 : vector<16xi32>
      %gather3A_191 = tpu.vector_load_idx %arg5[%add3A_190] : memref<65536xf32, #tpu.memory_space<vmem>>[vector<16xi32>], vector<16xf32>,
      %add3A_192 = arith.constant 16 : i32
      %add3A_193 = vector.broadcast %add3A_192 : i32 to vector<16xi32>
      %add3A_194 = arith.addi %mul3A_5, %add3A_193 : vector<16xi32>
      %add3A_195 = arith.addi %broadcast_in_dim3A, %add3A_194 : vector<16xi32>
      tpu.vector_store_idx %arg7[%add3A_195], %gather3A_191 : memref<57344xf32, #tpu.memory_space<vmem>>[vector<16xi32>], vector<16xf32>,
      %add3A_196 = arith.constant 17 : i32
      %add3A_197 = vector.broadcast %add3A_196 : i32 to vector<16xi32>
      %add3A_198 = arith.addi %mul3A_55, %add3A_197 : vector<16xi32>
      %gather3A_199 = tpu.vector_load_idx %arg5[%add3A_198] : memref<65536xf32, #tpu.memory_space<vmem>>[vector<16xi32>], vector<16xf32>,
      %add3A_200 = arith.constant 17 : i32
      %add3A_201 = vector.broadcast %add3A_200 : i32 to vector<16xi32>
      %add3A_202 = arith.addi %mul3A_5, %add3A_201 : vector<16xi32>
      %add3A_203 = arith.addi %broadcast_in_dim3A, %add3A_202 : vector<16xi32>
      tpu.vector_store_idx %arg7[%add3A_203], %gather3A_199 : memref<57344xf32, #tpu.memory_space<vmem>>[vector<16xi32>], vector<16xf32>,
      %add3A_204 = arith.constant 18 : i32
      %add3A_205 = vector.broadcast %add3A_204 : i32 to vector<16xi32>
      %add3A_206 = arith.addi %mul3A_55, %add3A_205 : vector<16xi32>
      %gather3A_207 = tpu.vector_load_idx %arg5[%add3A_206] : memref<65536xf32, #tpu.memory_space<vmem>>[vector<16xi32>], vector<16xf32>,
      %add3A_208 = arith.constant 18 : i32
      %add3A_209 = vector.broadcast %add3A_208 : i32 to vector<16xi32>
      %add3A_210 = arith.addi %mul3A_5, %add3A_209 : vector<16xi32>
      %add3A_211 = arith.addi %broadcast_in_dim3A, %add3A_210 : vector<16xi32>
      tpu.vector_store_idx %arg7[%add3A_211], %gather3A_207 : memref<57344xf32, #tpu.memory_space<vmem>>[vector<16xi32>], vector<16xf32>,
      %add3A_212 = arith.constant 19 : i32
      %add3A_213 = vector.broadcast %add3A_212 : i32 to vector<16xi32>
      %add3A_214 = arith.addi %mul3A_55, %add3A_213 : vector<16xi32>
      %gather3A_215 = tpu.vector_load_idx %arg5[%add3A_214] : memref<65536xf32, #tpu.memory_space<vmem>>[vector<16xi32>], vector<16xf32>,
      %add3A_216 = arith.constant 19 : i32
      %add3A_217 = vector.broadcast %add3A_216 : i32 to vector<16xi32>
      %add3A_218 = arith.addi %mul3A_5, %add3A_217 : vector<16xi32>
      %add3A_219 = arith.addi %broadcast_in_dim3A, %add3A_218 : vector<16xi32>
      tpu.vector_store_idx %arg7[%add3A_219], %gather3A_215 : memref<57344xf32, #tpu.memory_space<vmem>>[vector<16xi32>], vector<16xf32>,
      %add3A_220 = arith.constant 20 : i32
      %add3A_221 = vector.broadcast %add3A_220 : i32 to vector<16xi32>
      %add3A_222 = arith.addi %mul3A_55, %add3A_221 : vector<16xi32>
      %gather3A_223 = tpu.vector_load_idx %arg5[%add3A_222] : memref<65536xf32, #tpu.memory_space<vmem>>[vector<16xi32>], vector<16xf32>,
      %add3A_224 = arith.constant 20 : i32
      %add3A_225 = vector.broadcast %add3A_224 : i32 to vector<16xi32>
      %add3A_226 = arith.addi %mul3A_5, %add3A_225 : vector<16xi32>
      %add3A_227 = arith.addi %broadcast_in_dim3A, %add3A_226 : vector<16xi32>
      tpu.vector_store_idx %arg7[%add3A_227], %gather3A_223 : memref<57344xf32, #tpu.memory_space<vmem>>[vector<16xi32>], vector<16xf32>,
      %add3A_228 = arith.constant 21 : i32
      %add3A_229 = vector.broadcast %add3A_228 : i32 to vector<16xi32>
      %add3A_230 = arith.addi %mul3A_55, %add3A_229 : vector<16xi32>
      %gather3A_231 = tpu.vector_load_idx %arg5[%add3A_230] : memref<65536xf32, #tpu.memory_space<vmem>>[vector<16xi32>], vector<16xf32>,
      %add3A_232 = arith.constant 21 : i32
      %add3A_233 = vector.broadcast %add3A_232 : i32 to vector<16xi32>
      %add3A_234 = arith.addi %mul3A_5, %add3A_233 : vector<16xi32>
      %add3A_235 = arith.addi %broadcast_in_dim3A, %add3A_234 : vector<16xi32>
      tpu.vector_store_idx %arg7[%add3A_235], %gather3A_231 : memref<57344xf32, #tpu.memory_space<vmem>>[vector<16xi32>], vector<16xf32>,
      %add3A_236 = arith.constant 22 : i32
      %add3A_237 = vector.broadcast %add3A_236 : i32 to vector<16xi32>
      %add3A_238 = arith.addi %mul3A_55, %add3A_237 : vector<16xi32>
      %gather3A_239 = tpu.vector_load_idx %arg5[%add3A_238] : memref<65536xf32, #tpu.memory_space<vmem>>[vector<16xi32>], vector<16xf32>,
      %add3A_240 = arith.constant 22 : i32
      %add3A_241 = vector.broadcast %add3A_240 : i32 to vector<16xi32>
      %add3A_242 = arith.addi %mul3A_5, %add3A_241 : vector<16xi32>
      %add3A_243 = arith.addi %broadcast_in_dim3A, %add3A_242 : vector<16xi32>
      tpu.vector_store_idx %arg7[%add3A_243], %gather3A_239 : memref<57344xf32, #tpu.memory_space<vmem>>[vector<16xi32>], vector<16xf32>,
      %add3A_244 = arith.constant 23 : i32
      %add3A_245 = vector.broadcast %add3A_244 : i32 to vector<16xi32>
      %add3A_246 = arith.addi %mul3A_55, %add3A_245 : vector<16xi32>
      %gather3A_247 = tpu.vector_load_idx %arg5[%add3A_246] : memref<65536xf32, #tpu.memory_space<vmem>>[vector<16xi32>], vector<16xf32>,
      %add3A_248 = arith.constant 23 : i32
      %add3A_249 = vector.broadcast %add3A_248 : i32 to vector<16xi32>
      %add3A_250 = arith.addi %mul3A_5, %add3A_249 : vector<16xi32>
      %add3A_251 = arith.addi %broadcast_in_dim3A, %add3A_250 : vector<16xi32>
      tpu.vector_store_idx %arg7[%add3A_251], %gather3A_247 : memref<57344xf32, #tpu.memory_space<vmem>>[vector<16xi32>], vector<16xf32>,
      %add3A_252 = arith.constant 24 : i32
      %add3A_253 = vector.broadcast %add3A_252 : i32 to vector<16xi32>
      %add3A_254 = arith.addi %mul3A_55, %add3A_253 : vector<16xi32>
      %gather3A_255 = tpu.vector_load_idx %arg5[%add3A_254] : memref<65536xf32, #tpu.memory_space<vmem>>[vector<16xi32>], vector<16xf32>,
      %add3A_256 = arith.constant 24 : i32
      %add3A_257 = vector.broadcast %add3A_256 : i32 to vector<16xi32>
      %add3A_258 = arith.addi %mul3A_5, %add3A_257 : vector<16xi32>
      %add3A_259 = arith.addi %broadcast_in_dim3A, %add3A_258 : vector<16xi32>
      tpu.vector_store_idx %arg7[%add3A_259], %gather3A_255 : memref<57344xf32, #tpu.memory_space<vmem>>[vector<16xi32>], vector<16xf32>,
      %add3A_260 = arith.constant 25 : i32
      %add3A_261 = vector.broadcast %add3A_260 : i32 to vector<16xi32>
      %add3A_262 = arith.addi %mul3A_55, %add3A_261 : vector<16xi32>
      %gather3A_263 = tpu.vector_load_idx %arg5[%add3A_262] : memref<65536xf32, #tpu.memory_space<vmem>>[vector<16xi32>], vector<16xf32>,
      %add3A_264 = arith.constant 25 : i32
      %add3A_265 = vector.broadcast %add3A_264 : i32 to vector<16xi32>
      %add3A_266 = arith.addi %mul3A_5, %add3A_265 : vector<16xi32>
      %add3A_267 = arith.addi %broadcast_in_dim3A, %add3A_266 : vector<16xi32>
      tpu.vector_store_idx %arg7[%add3A_267], %gather3A_263 : memref<57344xf32, #tpu.memory_space<vmem>>[vector<16xi32>], vector<16xf32>,
      %add3A_268 = arith.constant 26 : i32
      %add3A_269 = vector.broadcast %add3A_268 : i32 to vector<16xi32>
      %add3A_270 = arith.addi %mul3A_55, %add3A_269 : vector<16xi32>
      %gather3A_271 = tpu.vector_load_idx %arg5[%add3A_270] : memref<65536xf32, #tpu.memory_space<vmem>>[vector<16xi32>], vector<16xf32>,
      %add3A_272 = arith.constant 26 : i32
      %add3A_273 = vector.broadcast %add3A_272 : i32 to vector<16xi32>
      %add3A_274 = arith.addi %mul3A_5, %add3A_273 : vector<16xi32>
      %add3A_275 = arith.addi %broadcast_in_dim3A, %add3A_274 : vector<16xi32>
      tpu.vector_store_idx %arg7[%add3A_275], %gather3A_271 : memref<57344xf32, #tpu.memory_space<vmem>>[vector<16xi32>], vector<16xf32>,
      %add3A_276 = arith.constant 27 : i32
      %add3A_277 = vector.broadcast %add3A_276 : i32 to vector<16xi32>
      %add3A_278 = arith.addi %mul3A_55, %add3A_277 : vector<16xi32>
      %gather3A_279 = tpu.vector_load_idx %arg5[%add3A_278] : memref<65536xf32, #tpu.memory_space<vmem>>[vector<16xi32>], vector<16xf32>,
      %add3A_280 = arith.constant 27 : i32
      %add3A_281 = vector.broadcast %add3A_280 : i32 to vector<16xi32>
      %add3A_282 = arith.addi %mul3A_5, %add3A_281 : vector<16xi32>
      %add3A_283 = arith.addi %broadcast_in_dim3A, %add3A_282 : vector<16xi32>
      tpu.vector_store_idx %arg7[%add3A_283], %gather3A_279 : memref<57344xf32, #tpu.memory_space<vmem>>[vector<16xi32>], vector<16xf32>,
      %add3A_284 = arith.constant 28 : i32
      %add3A_285 = vector.broadcast %add3A_284 : i32 to vector<16xi32>
      %add3A_286 = arith.addi %mul3A_55, %add3A_285 : vector<16xi32>
      %gather3A_287 = tpu.vector_load_idx %arg5[%add3A_286] : memref<65536xf32, #tpu.memory_space<vmem>>[vector<16xi32>], vector<16xf32>,
      %add3A_288 = arith.constant 28 : i32
      %add3A_289 = vector.broadcast %add3A_288 : i32 to vector<16xi32>
      %add3A_290 = arith.addi %mul3A_5, %add3A_289 : vector<16xi32>
      %add3A_291 = arith.addi %broadcast_in_dim3A, %add3A_290 : vector<16xi32>
      tpu.vector_store_idx %arg7[%add3A_291], %gather3A_287 : memref<57344xf32, #tpu.memory_space<vmem>>[vector<16xi32>], vector<16xf32>,
      %add3A_292 = arith.constant 29 : i32
      %add3A_293 = vector.broadcast %add3A_292 : i32 to vector<16xi32>
      %add3A_294 = arith.addi %mul3A_55, %add3A_293 : vector<16xi32>
      %gather3A_295 = tpu.vector_load_idx %arg5[%add3A_294] : memref<65536xf32, #tpu.memory_space<vmem>>[vector<16xi32>], vector<16xf32>,
      %add3A_296 = arith.constant 29 : i32
      %add3A_297 = vector.broadcast %add3A_296 : i32 to vector<16xi32>
      %add3A_298 = arith.addi %mul3A_5, %add3A_297 : vector<16xi32>
      %add3A_299 = arith.addi %broadcast_in_dim3A, %add3A_298 : vector<16xi32>
      tpu.vector_store_idx %arg7[%add3A_299], %gather3A_295 : memref<57344xf32, #tpu.memory_space<vmem>>[vector<16xi32>], vector<16xf32>,
      %add3A_300 = arith.constant 30 : i32
      %add3A_301 = vector.broadcast %add3A_300 : i32 to vector<16xi32>
      %add3A_302 = arith.addi %mul3A_55, %add3A_301 : vector<16xi32>
      %gather3A_303 = tpu.vector_load_idx %arg5[%add3A_302] : memref<65536xf32, #tpu.memory_space<vmem>>[vector<16xi32>], vector<16xf32>,
      %add3A_304 = arith.constant 30 : i32
      %add3A_305 = vector.broadcast %add3A_304 : i32 to vector<16xi32>
      %add3A_306 = arith.addi %mul3A_5, %add3A_305 : vector<16xi32>
      %add3A_307 = arith.addi %broadcast_in_dim3A, %add3A_306 : vector<16xi32>
      tpu.vector_store_idx %arg7[%add3A_307], %gather3A_303 : memref<57344xf32, #tpu.memory_space<vmem>>[vector<16xi32>], vector<16xf32>,
      %add3A_308 = arith.constant 31 : i32
      %add3A_309 = vector.broadcast %add3A_308 : i32 to vector<16xi32>
      %add3A_310 = arith.addi %mul3A_55, %add3A_309 : vector<16xi32>
      %gather3A_311 = tpu.vector_load_idx %arg5[%add3A_310] : memref<65536xf32, #tpu.memory_space<vmem>>[vector<16xi32>], vector<16xf32>,
      %add3A_312 = arith.constant 31 : i32
      %add3A_313 = vector.broadcast %add3A_312 : i32 to vector<16xi32>
      %add3A_314 = arith.addi %mul3A_5, %add3A_313 : vector<16xi32>
      %add3A_315 = arith.addi %broadcast_in_dim3A, %add3A_314 : vector<16xi32>
      tpu.vector_store_idx %arg7[%add3A_315], %gather3A_311 : memref<57344xf32, #tpu.memory_space<vmem>>[vector<16xi32>], vector<16xf32>,
      %add3A_316 = arith.constant 32 : i32
      %add3A_317 = vector.broadcast %add3A_316 : i32 to vector<16xi32>
      %add3A_318 = arith.addi %mul3A_55, %add3A_317 : vector<16xi32>
      %gather3A_319 = tpu.vector_load_idx %arg5[%add3A_318] : memref<65536xf32, #tpu.memory_space<vmem>>[vector<16xi32>], vector<16xf32>,
      %add3A_320 = arith.constant 32 : i32
      %add3A_321 = vector.broadcast %add3A_320 : i32 to vector<16xi32>
      %add3A_322 = arith.addi %mul3A_5, %add3A_321 : vector<16xi32>
      %add3A_323 = arith.addi %broadcast_in_dim3A, %add3A_322 : vector<16xi32>
      tpu.vector_store_idx %arg7[%add3A_323], %gather3A_319 : memref<57344xf32, #tpu.memory_space<vmem>>[vector<16xi32>], vector<16xf32>,
      %add3A_324 = arith.constant 33 : i32
      %add3A_325 = vector.broadcast %add3A_324 : i32 to vector<16xi32>
      %add3A_326 = arith.addi %mul3A_55, %add3A_325 : vector<16xi32>
      %gather3A_327 = tpu.vector_load_idx %arg5[%add3A_326] : memref<65536xf32, #tpu.memory_space<vmem>>[vector<16xi32>], vector<16xf32>,
      %add3A_328 = arith.constant 33 : i32
      %add3A_329 = vector.broadcast %add3A_328 : i32 to vector<16xi32>
      %add3A_330 = arith.addi %mul3A_5, %add3A_329 : vector<16xi32>
      %add3A_331 = arith.addi %broadcast_in_dim3A, %add3A_330 : vector<16xi32>
      tpu.vector_store_idx %arg7[%add3A_331], %gather3A_327 : memref<57344xf32, #tpu.memory_space<vmem>>[vector<16xi32>], vector<16xf32>,
      %add3A_332 = arith.constant 34 : i32
      %add3A_333 = vector.broadcast %add3A_332 : i32 to vector<16xi32>
      %add3A_334 = arith.addi %mul3A_55, %add3A_333 : vector<16xi32>
      %gather3A_335 = tpu.vector_load_idx %arg5[%add3A_334] : memref<65536xf32, #tpu.memory_space<vmem>>[vector<16xi32>], vector<16xf32>,
      %add3A_336 = arith.constant 34 : i32
      %add3A_337 = vector.broadcast %add3A_336 : i32 to vector<16xi32>
      %add3A_338 = arith.addi %mul3A_5, %add3A_337 : vector<16xi32>
      %add3A_339 = arith.addi %broadcast_in_dim3A, %add3A_338 : vector<16xi32>
      tpu.vector_store_idx %arg7[%add3A_339], %gather3A_335 : memref<57344xf32, #tpu.memory_space<vmem>>[vector<16xi32>], vector<16xf32>,
      %add3A_340 = arith.constant 35 : i32
      %add3A_341 = vector.broadcast %add3A_340 : i32 to vector<16xi32>
      %add3A_342 = arith.addi %mul3A_55, %add3A_341 : vector<16xi32>
      %gather3A_343 = tpu.vector_load_idx %arg5[%add3A_342] : memref<65536xf32, #tpu.memory_space<vmem>>[vector<16xi32>], vector<16xf32>,
      %add3A_344 = arith.constant 35 : i32
      %add3A_345 = vector.broadcast %add3A_344 : i32 to vector<16xi32>
      %add3A_346 = arith.addi %mul3A_5, %add3A_345 : vector<16xi32>
      %add3A_347 = arith.addi %broadcast_in_dim3A, %add3A_346 : vector<16xi32>
      tpu.vector_store_idx %arg7[%add3A_347], %gather3A_343 : memref<57344xf32, #tpu.memory_space<vmem>>[vector<16xi32>], vector<16xf32>,
      %add3A_348 = arith.constant 36 : i32
      %add3A_349 = vector.broadcast %add3A_348 : i32 to vector<16xi32>
      %add3A_350 = arith.addi %mul3A_55, %add3A_349 : vector<16xi32>
      %gather3A_351 = tpu.vector_load_idx %arg5[%add3A_350] : memref<65536xf32, #tpu.memory_space<vmem>>[vector<16xi32>], vector<16xf32>,
      %add3A_352 = arith.constant 36 : i32
      %add3A_353 = vector.broadcast %add3A_352 : i32 to vector<16xi32>
      %add3A_354 = arith.addi %mul3A_5, %add3A_353 : vector<16xi32>
      %add3A_355 = arith.addi %broadcast_in_dim3A, %add3A_354 : vector<16xi32>
      tpu.vector_store_idx %arg7[%add3A_355], %gather3A_351 : memref<57344xf32, #tpu.memory_space<vmem>>[vector<16xi32>], vector<16xf32>,
      %add3A_356 = arith.constant 37 : i32
      %add3A_357 = vector.broadcast %add3A_356 : i32 to vector<16xi32>
      %add3A_358 = arith.addi %mul3A_55, %add3A_357 : vector<16xi32>
      %gather3A_359 = tpu.vector_load_idx %arg5[%add3A_358] : memref<65536xf32, #tpu.memory_space<vmem>>[vector<16xi32>], vector<16xf32>,
      %add3A_360 = arith.constant 37 : i32
      %add3A_361 = vector.broadcast %add3A_360 : i32 to vector<16xi32>
      %add3A_362 = arith.addi %mul3A_5, %add3A_361 : vector<16xi32>
      %add3A_363 = arith.addi %broadcast_in_dim3A, %add3A_362 : vector<16xi32>
      tpu.vector_store_idx %arg7[%add3A_363], %gather3A_359 : memref<57344xf32, #tpu.memory_space<vmem>>[vector<16xi32>], vector<16xf32>,
      %add3A_364 = arith.constant 38 : i32
      %add3A_365 = vector.broadcast %add3A_364 : i32 to vector<16xi32>
      %add3A_366 = arith.addi %mul3A_55, %add3A_365 : vector<16xi32>
      %gather3A_367 = tpu.vector_load_idx %arg5[%add3A_366] : memref<65536xf32, #tpu.memory_space<vmem>>[vector<16xi32>], vector<16xf32>,
      %add3A_368 = arith.constant 38 : i32
      %add3A_369 = vector.broadcast %add3A_368 : i32 to vector<16xi32>
      %add3A_370 = arith.addi %mul3A_5, %add3A_369 : vector<16xi32>
      %add3A_371 = arith.addi %broadcast_in_dim3A, %add3A_370 : vector<16xi32>
      tpu.vector_store_idx %arg7[%add3A_371], %gather3A_367 : memref<57344xf32, #tpu.memory_space<vmem>>[vector<16xi32>], vector<16xf32>,
      %add3A_372 = arith.constant 39 : i32
      %add3A_373 = vector.broadcast %add3A_372 : i32 to vector<16xi32>
      %add3A_374 = arith.addi %mul3A_55, %add3A_373 : vector<16xi32>
      %gather3A_375 = tpu.vector_load_idx %arg5[%add3A_374] : memref<65536xf32, #tpu.memory_space<vmem>>[vector<16xi32>], vector<16xf32>,
      %add3A_376 = arith.constant 39 : i32
      %add3A_377 = vector.broadcast %add3A_376 : i32 to vector<16xi32>
      %add3A_378 = arith.addi %mul3A_5, %add3A_377 : vector<16xi32>
      %add3A_379 = arith.addi %broadcast_in_dim3A, %add3A_378 : vector<16xi32>
      tpu.vector_store_idx %arg7[%add3A_379], %gather3A_375 : memref<57344xf32, #tpu.memory_space<vmem>>[vector<16xi32>], vector<16xf32>,
      %add3A_380 = arith.constant 40 : i32
      %add3A_381 = vector.broadcast %add3A_380 : i32 to vector<16xi32>
      %add3A_382 = arith.addi %mul3A_55, %add3A_381 : vector<16xi32>
      %gather3A_383 = tpu.vector_load_idx %arg5[%add3A_382] : memref<65536xf32, #tpu.memory_space<vmem>>[vector<16xi32>], vector<16xf32>,
      %add3A_384 = arith.constant 40 : i32
      %add3A_385 = vector.broadcast %add3A_384 : i32 to vector<16xi32>
      %add3A_386 = arith.addi %mul3A_5, %add3A_385 : vector<16xi32>
      %add3A_387 = arith.addi %broadcast_in_dim3A, %add3A_386 : vector<16xi32>
      tpu.vector_store_idx %arg7[%add3A_387], %gather3A_383 : memref<57344xf32, #tpu.memory_space<vmem>>[vector<16xi32>], vector<16xf32>,
      %add3A_388 = arith.constant 41 : i32
      %add3A_389 = vector.broadcast %add3A_388 : i32 to vector<16xi32>
      %add3A_390 = arith.addi %mul3A_55, %add3A_389 : vector<16xi32>
      %gather3A_391 = tpu.vector_load_idx %arg5[%add3A_390] : memref<65536xf32, #tpu.memory_space<vmem>>[vector<16xi32>], vector<16xf32>,
      %add3A_392 = arith.constant 41 : i32
      %add3A_393 = vector.broadcast %add3A_392 : i32 to vector<16xi32>
      %add3A_394 = arith.addi %mul3A_5, %add3A_393 : vector<16xi32>
      %add3A_395 = arith.addi %broadcast_in_dim3A, %add3A_394 : vector<16xi32>
      tpu.vector_store_idx %arg7[%add3A_395], %gather3A_391 : memref<57344xf32, #tpu.memory_space<vmem>>[vector<16xi32>], vector<16xf32>,
      %add3A_396 = arith.constant 42 : i32
      %add3A_397 = vector.broadcast %add3A_396 : i32 to vector<16xi32>
      %add3A_398 = arith.addi %mul3A_55, %add3A_397 : vector<16xi32>
      %gather3A_399 = tpu.vector_load_idx %arg5[%add3A_398] : memref<65536xf32, #tpu.memory_space<vmem>>[vector<16xi32>], vector<16xf32>,
      %add3A_400 = arith.constant 42 : i32
      %add3A_401 = vector.broadcast %add3A_400 : i32 to vector<16xi32>
      %add3A_402 = arith.addi %mul3A_5, %add3A_401 : vector<16xi32>
      %add3A_403 = arith.addi %broadcast_in_dim3A, %add3A_402 : vector<16xi32>
      tpu.vector_store_idx %arg7[%add3A_403], %gather3A_399 : memref<57344xf32, #tpu.memory_space<vmem>>[vector<16xi32>], vector<16xf32>,
      %add3A_404 = arith.constant 43 : i32
      %add3A_405 = vector.broadcast %add3A_404 : i32 to vector<16xi32>
      %add3A_406 = arith.addi %mul3A_55, %add3A_405 : vector<16xi32>
      %gather3A_407 = tpu.vector_load_idx %arg5[%add3A_406] : memref<65536xf32, #tpu.memory_space<vmem>>[vector<16xi32>], vector<16xf32>,
      %add3A_408 = arith.constant 43 : i32
      %add3A_409 = vector.broadcast %add3A_408 : i32 to vector<16xi32>
      %add3A_410 = arith.addi %mul3A_5, %add3A_409 : vector<16xi32>
      %add3A_411 = arith.addi %broadcast_in_dim3A, %add3A_410 : vector<16xi32>
      tpu.vector_store_idx %arg7[%add3A_411], %gather3A_407 : memref<57344xf32, #tpu.memory_space<vmem>>[vector<16xi32>], vector<16xf32>,
      %add3A_412 = arith.constant 44 : i32
      %add3A_413 = vector.broadcast %add3A_412 : i32 to vector<16xi32>
      %add3A_414 = arith.addi %mul3A_55, %add3A_413 : vector<16xi32>
      %gather3A_415 = tpu.vector_load_idx %arg5[%add3A_414] : memref<65536xf32, #tpu.memory_space<vmem>>[vector<16xi32>], vector<16xf32>,
      %add3A_416 = arith.constant 44 : i32
      %add3A_417 = vector.broadcast %add3A_416 : i32 to vector<16xi32>
      %add3A_418 = arith.addi %mul3A_5, %add3A_417 : vector<16xi32>
      %add3A_419 = arith.addi %broadcast_in_dim3A, %add3A_418 : vector<16xi32>
      tpu.vector_store_idx %arg7[%add3A_419], %gather3A_415 : memref<57344xf32, #tpu.memory_space<vmem>>[vector<16xi32>], vector<16xf32>,
      %add3A_420 = arith.constant 45 : i32
      %add3A_421 = vector.broadcast %add3A_420 : i32 to vector<16xi32>
      %add3A_422 = arith.addi %mul3A_55, %add3A_421 : vector<16xi32>
      %gather3A_423 = tpu.vector_load_idx %arg5[%add3A_422] : memref<65536xf32, #tpu.memory_space<vmem>>[vector<16xi32>], vector<16xf32>,
      %add3A_424 = arith.constant 45 : i32
      %add3A_425 = vector.broadcast %add3A_424 : i32 to vector<16xi32>
      %add3A_426 = arith.addi %mul3A_5, %add3A_425 : vector<16xi32>
      %add3A_427 = arith.addi %broadcast_in_dim3A, %add3A_426 : vector<16xi32>
      tpu.vector_store_idx %arg7[%add3A_427], %gather3A_423 : memref<57344xf32, #tpu.memory_space<vmem>>[vector<16xi32>], vector<16xf32>,
      %add3A_428 = arith.constant 46 : i32
      %add3A_429 = vector.broadcast %add3A_428 : i32 to vector<16xi32>
      %add3A_430 = arith.addi %mul3A_55, %add3A_429 : vector<16xi32>
      %gather3A_431 = tpu.vector_load_idx %arg5[%add3A_430] : memref<65536xf32, #tpu.memory_space<vmem>>[vector<16xi32>], vector<16xf32>,
      %add3A_432 = arith.constant 46 : i32
      %add3A_433 = vector.broadcast %add3A_432 : i32 to vector<16xi32>
      %add3A_434 = arith.addi %mul3A_5, %add3A_433 : vector<16xi32>
      %add3A_435 = arith.addi %broadcast_in_dim3A, %add3A_434 : vector<16xi32>
      tpu.vector_store_idx %arg7[%add3A_435], %gather3A_431 : memref<57344xf32, #tpu.memory_space<vmem>>[vector<16xi32>], vector<16xf32>,
      %add3A_436 = arith.constant 47 : i32
      %add3A_437 = vector.broadcast %add3A_436 : i32 to vector<16xi32>
      %add3A_438 = arith.addi %mul3A_55, %add3A_437 : vector<16xi32>
      %gather3A_439 = tpu.vector_load_idx %arg5[%add3A_438] : memref<65536xf32, #tpu.memory_space<vmem>>[vector<16xi32>], vector<16xf32>,
      %add3A_440 = arith.constant 47 : i32
      %add3A_441 = vector.broadcast %add3A_440 : i32 to vector<16xi32>
      %add3A_442 = arith.addi %mul3A_5, %add3A_441 : vector<16xi32>
      %add3A_443 = arith.addi %broadcast_in_dim3A, %add3A_442 : vector<16xi32>
      tpu.vector_store_idx %arg7[%add3A_443], %gather3A_439 : memref<57344xf32, #tpu.memory_space<vmem>>[vector<16xi32>], vector<16xf32>,
      %add3A_444 = arith.constant 48 : i32
      %add3A_445 = vector.broadcast %add3A_444 : i32 to vector<16xi32>
      %add3A_446 = arith.addi %mul3A_55, %add3A_445 : vector<16xi32>
      %gather3A_447 = tpu.vector_load_idx %arg5[%add3A_446] : memref<65536xf32, #tpu.memory_space<vmem>>[vector<16xi32>], vector<16xf32>,
      %add3A_448 = arith.constant 48 : i32
      %add3A_449 = vector.broadcast %add3A_448 : i32 to vector<16xi32>
      %add3A_450 = arith.addi %mul3A_5, %add3A_449 : vector<16xi32>
      %add3A_451 = arith.addi %broadcast_in_dim3A, %add3A_450 : vector<16xi32>
      tpu.vector_store_idx %arg7[%add3A_451], %gather3A_447 : memref<57344xf32, #tpu.memory_space<vmem>>[vector<16xi32>], vector<16xf32>,
      %add3A_452 = arith.constant 49 : i32
      %add3A_453 = vector.broadcast %add3A_452 : i32 to vector<16xi32>
      %add3A_454 = arith.addi %mul3A_55, %add3A_453 : vector<16xi32>
      %gather3A_455 = tpu.vector_load_idx %arg5[%add3A_454] : memref<65536xf32, #tpu.memory_space<vmem>>[vector<16xi32>], vector<16xf32>,
      %add3A_456 = arith.constant 49 : i32
      %add3A_457 = vector.broadcast %add3A_456 : i32 to vector<16xi32>
      %add3A_458 = arith.addi %mul3A_5, %add3A_457 : vector<16xi32>
      %add3A_459 = arith.addi %broadcast_in_dim3A, %add3A_458 : vector<16xi32>
      tpu.vector_store_idx %arg7[%add3A_459], %gather3A_455 : memref<57344xf32, #tpu.memory_space<vmem>>[vector<16xi32>], vector<16xf32>,
      %add3A_460 = arith.constant 50 : i32
      %add3A_461 = vector.broadcast %add3A_460 : i32 to vector<16xi32>
      %add3A_462 = arith.addi %mul3A_55, %add3A_461 : vector<16xi32>
      %gather3A_463 = tpu.vector_load_idx %arg5[%add3A_462] : memref<65536xf32, #tpu.memory_space<vmem>>[vector<16xi32>], vector<16xf32>,
      %add3A_464 = arith.constant 50 : i32
      %add3A_465 = vector.broadcast %add3A_464 : i32 to vector<16xi32>
      %add3A_466 = arith.addi %mul3A_5, %add3A_465 : vector<16xi32>
      %add3A_467 = arith.addi %broadcast_in_dim3A, %add3A_466 : vector<16xi32>
      tpu.vector_store_idx %arg7[%add3A_467], %gather3A_463 : memref<57344xf32, #tpu.memory_space<vmem>>[vector<16xi32>], vector<16xf32>,
      %add3A_468 = arith.constant 51 : i32
      %add3A_469 = vector.broadcast %add3A_468 : i32 to vector<16xi32>
      %add3A_470 = arith.addi %mul3A_55, %add3A_469 : vector<16xi32>
      %gather3A_471 = tpu.vector_load_idx %arg5[%add3A_470] : memref<65536xf32, #tpu.memory_space<vmem>>[vector<16xi32>], vector<16xf32>,
      %add3A_472 = arith.constant 51 : i32
      %add3A_473 = vector.broadcast %add3A_472 : i32 to vector<16xi32>
      %add3A_474 = arith.addi %mul3A_5, %add3A_473 : vector<16xi32>
      %add3A_475 = arith.addi %broadcast_in_dim3A, %add3A_474 : vector<16xi32>
      tpu.vector_store_idx %arg7[%add3A_475], %gather3A_471 : memref<57344xf32, #tpu.memory_space<vmem>>[vector<16xi32>], vector<16xf32>,
      %add3A_476 = arith.constant 52 : i32
      %add3A_477 = vector.broadcast %add3A_476 : i32 to vector<16xi32>
      %add3A_478 = arith.addi %mul3A_55, %add3A_477 : vector<16xi32>
      %gather3A_479 = tpu.vector_load_idx %arg5[%add3A_478] : memref<65536xf32, #tpu.memory_space<vmem>>[vector<16xi32>], vector<16xf32>,
      %add3A_480 = arith.constant 52 : i32
      %add3A_481 = vector.broadcast %add3A_480 : i32 to vector<16xi32>
      %add3A_482 = arith.addi %mul3A_5, %add3A_481 : vector<16xi32>
      %add3A_483 = arith.addi %broadcast_in_dim3A, %add3A_482 : vector<16xi32>
      tpu.vector_store_idx %arg7[%add3A_483], %gather3A_479 : memref<57344xf32, #tpu.memory_space<vmem>>[vector<16xi32>], vector<16xf32>,
      %add3A_484 = arith.constant 53 : i32
      %add3A_485 = vector.broadcast %add3A_484 : i32 to vector<16xi32>
      %add3A_486 = arith.addi %mul3A_55, %add3A_485 : vector<16xi32>
      %gather3A_487 = tpu.vector_load_idx %arg5[%add3A_486] : memref<65536xf32, #tpu.memory_space<vmem>>[vector<16xi32>], vector<16xf32>,
      %add3A_488 = arith.constant 53 : i32
      %add3A_489 = vector.broadcast %add3A_488 : i32 to vector<16xi32>
      %add3A_490 = arith.addi %mul3A_5, %add3A_489 : vector<16xi32>
      %add3A_491 = arith.addi %broadcast_in_dim3A, %add3A_490 : vector<16xi32>
      tpu.vector_store_idx %arg7[%add3A_491], %gather3A_487 : memref<57344xf32, #tpu.memory_space<vmem>>[vector<16xi32>], vector<16xf32>,
      %add3A_492 = arith.constant 54 : i32
      %add3A_493 = vector.broadcast %add3A_492 : i32 to vector<16xi32>
      %add3A_494 = arith.addi %mul3A_55, %add3A_493 : vector<16xi32>
      %gather3A_495 = tpu.vector_load_idx %arg5[%add3A_494] : memref<65536xf32, #tpu.memory_space<vmem>>[vector<16xi32>], vector<16xf32>,
      %add3A_496 = arith.constant 54 : i32
      %add3A_497 = vector.broadcast %add3A_496 : i32 to vector<16xi32>
      %add3A_498 = arith.addi %mul3A_5, %add3A_497 : vector<16xi32>
      %add3A_499 = arith.addi %broadcast_in_dim3A, %add3A_498 : vector<16xi32>
      tpu.vector_store_idx %arg7[%add3A_499], %gather3A_495 : memref<57344xf32, #tpu.memory_space<vmem>>[vector<16xi32>], vector<16xf32>,
      %add3A_500 = arith.constant 55 : i32
      %add3A_501 = vector.broadcast %add3A_500 : i32 to vector<16xi32>
      %add3A_502 = arith.addi %mul3A_55, %add3A_501 : vector<16xi32>
      %gather3A_503 = tpu.vector_load_idx %arg5[%add3A_502] : memref<65536xf32, #tpu.memory_space<vmem>>[vector<16xi32>], vector<16xf32>,
      %add3A_504 = arith.constant 55 : i32
      %add3A_505 = vector.broadcast %add3A_504 : i32 to vector<16xi32>
      %add3A_506 = arith.addi %mul3A_5, %add3A_505 : vector<16xi32>
      %add3A_507 = arith.addi %broadcast_in_dim3A, %add3A_506 : vector<16xi32>
      tpu.vector_store_idx %arg7[%add3A_507], %gather3A_503 : memref<57344xf32, #tpu.memory_space<vmem>>[vector<16xi32>], vector<16xf32>,
      %add3A_508 = arith.constant 56 : i32
      %add3A_509 = vector.broadcast %add3A_508 : i32 to vector<16xi32>
      %add3A_510 = arith.addi %mul3A_55, %add3A_509 : vector<16xi32>
      %gather3A_511 = tpu.vector_load_idx %arg5[%add3A_510] : memref<65536xf32, #tpu.memory_space<vmem>>[vector<16xi32>], vector<16xf32>,
      %add3A_512 = arith.constant 56 : i32
      %add3A_513 = vector.broadcast %add3A_512 : i32 to vector<16xi32>
      %add3A_514 = arith.addi %mul3A_5, %add3A_513 : vector<16xi32>
      %add3A_515 = arith.addi %broadcast_in_dim3A, %add3A_514 : vector<16xi32>
      tpu.vector_store_idx %arg7[%add3A_515], %gather3A_511 : memref<57344xf32, #tpu.memory_space<vmem>>[vector<16xi32>], vector<16xf32>,
      %add3A_516 = arith.constant 57 : i32
      %add3A_517 = vector.broadcast %add3A_516 : i32 to vector<16xi32>
      %add3A_518 = arith.addi %mul3A_55, %add3A_517 : vector<16xi32>
      %gather3A_519 = tpu.vector_load_idx %arg5[%add3A_518] : memref<65536xf32, #tpu.memory_space<vmem>>[vector<16xi32>], vector<16xf32>,
      %add3A_520 = arith.constant 57 : i32
      %add3A_521 = vector.broadcast %add3A_520 : i32 to vector<16xi32>
      %add3A_522 = arith.addi %mul3A_5, %add3A_521 : vector<16xi32>
      %add3A_523 = arith.addi %broadcast_in_dim3A, %add3A_522 : vector<16xi32>
      tpu.vector_store_idx %arg7[%add3A_523], %gather3A_519 : memref<57344xf32, #tpu.memory_space<vmem>>[vector<16xi32>], vector<16xf32>,
      %add3A_524 = arith.constant 58 : i32
      %add3A_525 = vector.broadcast %add3A_524 : i32 to vector<16xi32>
      %add3A_526 = arith.addi %mul3A_55, %add3A_525 : vector<16xi32>
      %gather3A_527 = tpu.vector_load_idx %arg5[%add3A_526] : memref<65536xf32, #tpu.memory_space<vmem>>[vector<16xi32>], vector<16xf32>,
      %add3A_528 = arith.constant 58 : i32
      %add3A_529 = vector.broadcast %add3A_528 : i32 to vector<16xi32>
      %add3A_530 = arith.addi %mul3A_5, %add3A_529 : vector<16xi32>
      %add3A_531 = arith.addi %broadcast_in_dim3A, %add3A_530 : vector<16xi32>
      tpu.vector_store_idx %arg7[%add3A_531], %gather3A_527 : memref<57344xf32, #tpu.memory_space<vmem>>[vector<16xi32>], vector<16xf32>,
      %add3A_532 = arith.constant 59 : i32
      %add3A_533 = vector.broadcast %add3A_532 : i32 to vector<16xi32>
      %add3A_534 = arith.addi %mul3A_55, %add3A_533 : vector<16xi32>
      %gather3A_535 = tpu.vector_load_idx %arg5[%add3A_534] : memref<65536xf32, #tpu.memory_space<vmem>>[vector<16xi32>], vector<16xf32>,
      %add3A_536 = arith.constant 59 : i32
      %add3A_537 = vector.broadcast %add3A_536 : i32 to vector<16xi32>
      %add3A_538 = arith.addi %mul3A_5, %add3A_537 : vector<16xi32>
      %add3A_539 = arith.addi %broadcast_in_dim3A, %add3A_538 : vector<16xi32>
      tpu.vector_store_idx %arg7[%add3A_539], %gather3A_535 : memref<57344xf32, #tpu.memory_space<vmem>>[vector<16xi32>], vector<16xf32>,
      %add3A_540 = arith.constant 60 : i32
      %add3A_541 = vector.broadcast %add3A_540 : i32 to vector<16xi32>
      %add3A_542 = arith.addi %mul3A_55, %add3A_541 : vector<16xi32>
      %gather3A_543 = tpu.vector_load_idx %arg5[%add3A_542] : memref<65536xf32, #tpu.memory_space<vmem>>[vector<16xi32>], vector<16xf32>,
      %add3A_544 = arith.constant 60 : i32
      %add3A_545 = vector.broadcast %add3A_544 : i32 to vector<16xi32>
      %add3A_546 = arith.addi %mul3A_5, %add3A_545 : vector<16xi32>
      %add3A_547 = arith.addi %broadcast_in_dim3A, %add3A_546 : vector<16xi32>
      tpu.vector_store_idx %arg7[%add3A_547], %gather3A_543 : memref<57344xf32, #tpu.memory_space<vmem>>[vector<16xi32>], vector<16xf32>,
      %add3A_548 = arith.constant 61 : i32
      %add3A_549 = vector.broadcast %add3A_548 : i32 to vector<16xi32>
      %add3A_550 = arith.addi %mul3A_55, %add3A_549 : vector<16xi32>
      %gather3A_551 = tpu.vector_load_idx %arg5[%add3A_550] : memref<65536xf32, #tpu.memory_space<vmem>>[vector<16xi32>], vector<16xf32>,
      %add3A_552 = arith.constant 61 : i32
      %add3A_553 = vector.broadcast %add3A_552 : i32 to vector<16xi32>
      %add3A_554 = arith.addi %mul3A_5, %add3A_553 : vector<16xi32>
      %add3A_555 = arith.addi %broadcast_in_dim3A, %add3A_554 : vector<16xi32>
      tpu.vector_store_idx %arg7[%add3A_555], %gather3A_551 : memref<57344xf32, #tpu.memory_space<vmem>>[vector<16xi32>], vector<16xf32>,
      %add3A_556 = arith.constant 62 : i32
      %add3A_557 = vector.broadcast %add3A_556 : i32 to vector<16xi32>
      %add3A_558 = arith.addi %mul3A_55, %add3A_557 : vector<16xi32>
      %gather3A_559 = tpu.vector_load_idx %arg5[%add3A_558] : memref<65536xf32, #tpu.memory_space<vmem>>[vector<16xi32>], vector<16xf32>,
      %add3A_560 = arith.constant 62 : i32
      %add3A_561 = vector.broadcast %add3A_560 : i32 to vector<16xi32>
      %add3A_562 = arith.addi %mul3A_5, %add3A_561 : vector<16xi32>
      %add3A_563 = arith.addi %broadcast_in_dim3A, %add3A_562 : vector<16xi32>
      tpu.vector_store_idx %arg7[%add3A_563], %gather3A_559 : memref<57344xf32, #tpu.memory_space<vmem>>[vector<16xi32>], vector<16xf32>,
      %add3A_564 = arith.constant 63 : i32
      %add3A_565 = vector.broadcast %add3A_564 : i32 to vector<16xi32>
      %add3A_566 = arith.addi %mul3A_55, %add3A_565 : vector<16xi32>
      %gather3A_567 = tpu.vector_load_idx %arg5[%add3A_566] : memref<65536xf32, #tpu.memory_space<vmem>>[vector<16xi32>], vector<16xf32>,
      %add3A_568 = arith.constant 63 : i32
      %add3A_569 = vector.broadcast %add3A_568 : i32 to vector<16xi32>
      %add3A_570 = arith.addi %mul3A_5, %add3A_569 : vector<16xi32>
      %add3A_571 = arith.addi %broadcast_in_dim3A, %add3A_570 : vector<16xi32>
      tpu.vector_store_idx %arg7[%add3A_571], %gather3A_567 : memref<57344xf32, #tpu.memory_space<vmem>>[vector<16xi32>], vector<16xf32>,
    }
    %scan3A_42 = arith.constant 14 : i32
    %add3A_43 = arith.constant 1344 : i32
    %add3A_44 = arith.addi %mul3A_2, %add3A_43 : i32
    %mul3A_45 = arith.constant 64 : i32
    %mul3A_46 = arith.muli %add3A_44, %mul3A_45 : i32
    %multiple_of3A_47 = tpu.assume_multiple %mul3A_46, 8 : i32
    "tpu.region"() ({
      %run_scoped3A = tpu.sem_alloc : memref<!tpu.dma_semaphore, #tpu.memory_space<semaphore_mem>>
      %dma_start3A = arith.constant 28672 : i32
      %dma_start3A_48 = tpu.memref_slice %arg7[%dma_start3A] : memref<57344xf32, #tpu.memory_space<vmem>> -> memref<14336xf32, #tpu.memory_space<vmem>>
      %dma_start3A_49 = tpu.memref_slice %arg4[%multiple_of3A_47] : memref<3211264xf32, #tpu.memory_space<hbm>> -> memref<14336xf32, #tpu.memory_space<hbm>>
      %dma_start3A_50 = tpu.memref_slice %arg4[%multiple_of3A_47] : memref<3211264xf32, #tpu.memory_space<hbm>> -> memref<14336xf32, #tpu.memory_space<hbm>>
      %dma_start3A_51 = arith.constant 28672 : i32
      %dma_start3A_52 = tpu.memref_slice %arg7[%dma_start3A_51] : memref<57344xf32, #tpu.memory_space<vmem>> -> memref<14336xf32, #tpu.memory_space<vmem>>
      tpu.enqueue_dma source(%dma_start3A_52 : memref<14336xf32, #tpu.memory_space<vmem>>) target(%dma_start3A_50 : memref<14336xf32, #tpu.memory_space<hbm>>) target_semaphore(%run_scoped3A : memref<!tpu.dma_semaphore, #tpu.memory_space<semaphore_mem>>)
      %dma_wait3A = arith.constant 28672 : i32
      %dma_wait3A_53 = tpu.memref_slice %arg7[%dma_wait3A] : memref<57344xf32, #tpu.memory_space<vmem>> -> memref<14336xf32, #tpu.memory_space<vmem>>
      %dma_wait3A_54 = tpu.memref_slice %arg4[%multiple_of3A_47] : memref<3211264xf32, #tpu.memory_space<hbm>> -> memref<14336xf32, #tpu.memory_space<hbm>>
      %dma_wait3A_55 = tpu.memref_slice %arg4[%multiple_of3A_47] : memref<3211264xf32, #tpu.memory_space<hbm>> -> memref<14336xf32, #tpu.memory_space<hbm>>
      %dma_wait3A_56 = arith.constant 28672 : i32
      %dma_wait3A_57 = tpu.memref_slice %arg7[%dma_wait3A_56] : memref<57344xf32, #tpu.memory_space<vmem>> -> memref<14336xf32, #tpu.memory_space<vmem>>
      tpu.wait_dma2 semaphore(%run_scoped3A : memref<!tpu.dma_semaphore, #tpu.memory_space<semaphore_mem>>) src(%dma_wait3A_57 : memref<14336xf32, #tpu.memory_space<vmem>>) dst(%dma_wait3A_55 : memref<14336xf32, #tpu.memory_space<hbm>>)
      tpu.yield
    }) : () -> ()
    return
  }
}

module attributes {stable_mosaic.version = 14 : i64} {
  func.func @_conv_pool_kernel(%arg0: i32, %arg1: memref<4x1024x32xf32, #tpu.memory_space<vmem>>, %arg2: memref<32x64xf32, #tpu.memory_space<vmem>>, %arg3: memref<8x64xf32, #tpu.memory_space<vmem>>, %arg4: memref<1024x64xf32, #tpu.memory_space<vmem>>, %arg5: memref<8x64xf32, #tpu.memory_space<vmem>>) attributes {dimension_semantics = [#tpu.dimension_semantics<arbitrary>], iteration_bounds = array<i64: 49>, scalar_prefetch = 0 : i64, scratch_operands = 0 : i64, tpu.core_type = #tpu.core_type<tc>, window_params = [{transform_indices = @transform_0, window_bounds = array<i64: 4, 1024, 32>}, {pipeline_mode = #tpu.pipeline_mode<synchronous>, transform_indices = @transform_1, window_bounds = array<i64: 32, 64>}, {pipeline_mode = #tpu.pipeline_mode<synchronous>, transform_indices = @transform_2, window_bounds = array<i64: 8, 64>}, {transform_indices = @transform_3, window_bounds = array<i64: 1024, 64>}, {pipeline_mode = #tpu.pipeline_mode<synchronous>, transform_indices = @transform_4, window_bounds = array<i64: 8, 64>}]} {
    %get3A = arith.constant 0 : index
    %get3A_0 = arith.constant 0 : index
    %get3A_1 = vector.load %arg3[%get3A, %get3A_0] : memref<8x64xf32, #tpu.memory_space<vmem>>, vector<1x64xf32>
    %get3A_2 = arith.constant 0 : index
    %get3A_3 = arith.constant 0 : index
    %get3A_4 = arith.constant 0 : index
    %get3A_5 = vector.load %arg1[%get3A_2, %get3A_3, %get3A_4] : memref<4x1024x32xf32, #tpu.memory_space<vmem>>, vector<1x1024x32xf32>
    %get3A_6 = vector.shape_cast %get3A_5 : vector<1x1024x32xf32> to vector<1024x32xf32>
    %get3A_7 = arith.constant 0 : index
    %get3A_8 = arith.constant 0 : index
    %get3A_9 = vector.load %arg2[%get3A_7, %get3A_8] : memref<32x64xf32, #tpu.memory_space<vmem>>, vector<32x64xf32>
    %dot_general3A = arith.constant dense<0.000000e+00> : vector<1024x64xf32>
    %dot_general3A_10 = tpu.matmul %get3A_6, %get3A_9, %dot_general3A {dimension_numbers = #tpu.dot_dimension_numbers<[1], [0], [0], [1], [0, 0, 1, 1], [], []>, transpose_lhs_hint = false} : vector<1024x32xf32>, vector<32x64xf32>, vector<1024x64xf32> -> vector<1024x64xf32>
    %add3A = vector.broadcast %get3A_1 : vector<1x64xf32> to vector<1024x64xf32>
    %add3A_11 = arith.addf %dot_general3A_10, %add3A : vector<1024x64xf32>
    %get3A_12 = arith.constant 1 : index
    %get3A_13 = arith.constant 0 : index
    %get3A_14 = arith.constant 0 : index
    %get3A_15 = vector.load %arg1[%get3A_12, %get3A_13, %get3A_14] : memref<4x1024x32xf32, #tpu.memory_space<vmem>>, vector<1x1024x32xf32>
    %get3A_16 = vector.shape_cast %get3A_15 : vector<1x1024x32xf32> to vector<1024x32xf32>
    %get3A_17 = arith.constant 0 : index
    %get3A_18 = arith.constant 0 : index
    %get3A_19 = vector.load %arg2[%get3A_17, %get3A_18] : memref<32x64xf32, #tpu.memory_space<vmem>>, vector<32x64xf32>
    %dot_general3A_20 = arith.constant dense<0.000000e+00> : vector<1024x64xf32>
    %dot_general3A_21 = tpu.matmul %get3A_16, %get3A_19, %dot_general3A_20 {dimension_numbers = #tpu.dot_dimension_numbers<[1], [0], [0], [1], [0, 0, 1, 1], [], []>, transpose_lhs_hint = false} : vector<1024x32xf32>, vector<32x64xf32>, vector<1024x64xf32> -> vector<1024x64xf32>
    %add3A_22 = vector.broadcast %get3A_1 : vector<1x64xf32> to vector<1024x64xf32>
    %add3A_23 = arith.addf %dot_general3A_21, %add3A_22 : vector<1024x64xf32>
    %max3A = arith.maximumf %add3A_11, %add3A_23 : vector<1024x64xf32>
    %get3A_24 = arith.constant 2 : index
    %get3A_25 = arith.constant 0 : index
    %get3A_26 = arith.constant 0 : index
    %get3A_27 = vector.load %arg1[%get3A_24, %get3A_25, %get3A_26] : memref<4x1024x32xf32, #tpu.memory_space<vmem>>, vector<1x1024x32xf32>
    %get3A_28 = vector.shape_cast %get3A_27 : vector<1x1024x32xf32> to vector<1024x32xf32>
    %get3A_29 = arith.constant 0 : index
    %get3A_30 = arith.constant 0 : index
    %get3A_31 = vector.load %arg2[%get3A_29, %get3A_30] : memref<32x64xf32, #tpu.memory_space<vmem>>, vector<32x64xf32>
    %dot_general3A_32 = arith.constant dense<0.000000e+00> : vector<1024x64xf32>
    %dot_general3A_33 = tpu.matmul %get3A_28, %get3A_31, %dot_general3A_32 {dimension_numbers = #tpu.dot_dimension_numbers<[1], [0], [0], [1], [0, 0, 1, 1], [], []>, transpose_lhs_hint = false} : vector<1024x32xf32>, vector<32x64xf32>, vector<1024x64xf32> -> vector<1024x64xf32>
    %add3A_34 = vector.broadcast %get3A_1 : vector<1x64xf32> to vector<1024x64xf32>
    %add3A_35 = arith.addf %dot_general3A_33, %add3A_34 : vector<1024x64xf32>
    %max3A_36 = arith.maximumf %max3A, %add3A_35 : vector<1024x64xf32>
    %get3A_37 = arith.constant 3 : index
    %get3A_38 = arith.constant 0 : index
    %get3A_39 = arith.constant 0 : index
    %get3A_40 = vector.load %arg1[%get3A_37, %get3A_38, %get3A_39] : memref<4x1024x32xf32, #tpu.memory_space<vmem>>, vector<1x1024x32xf32>
    %get3A_41 = vector.shape_cast %get3A_40 : vector<1x1024x32xf32> to vector<1024x32xf32>
    %get3A_42 = arith.constant 0 : index
    %get3A_43 = arith.constant 0 : index
    %get3A_44 = vector.load %arg2[%get3A_42, %get3A_43] : memref<32x64xf32, #tpu.memory_space<vmem>>, vector<32x64xf32>
    %dot_general3A_45 = arith.constant dense<0.000000e+00> : vector<1024x64xf32>
    %dot_general3A_46 = tpu.matmul %get3A_41, %get3A_44, %dot_general3A_45 {dimension_numbers = #tpu.dot_dimension_numbers<[1], [0], [0], [1], [0, 0, 1, 1], [], []>, transpose_lhs_hint = false} : vector<1024x32xf32>, vector<32x64xf32>, vector<1024x64xf32> -> vector<1024x64xf32>
    %add3A_47 = vector.broadcast %get3A_1 : vector<1x64xf32> to vector<1024x64xf32>
    %add3A_48 = arith.addf %dot_general3A_46, %add3A_47 : vector<1024x64xf32>
    %max3A_49 = arith.maximumf %max3A_36, %add3A_48 : vector<1024x64xf32>
    %swap3A = arith.constant 0 : index
    %swap3A_50 = arith.constant 0 : index
    %swap3A_51 = vector.load %arg4[%swap3A, %swap3A_50] : memref<1024x64xf32, #tpu.memory_space<vmem>>, vector<1024x64xf32>
    tpu.vector_store %arg4[%swap3A, %swap3A_50], %max3A_49 {strides = array<i32>} : memref<1024x64xf32, #tpu.memory_space<vmem>>, vector<1024x64xf32>,
    %eq3A = arith.constant 0 : i32
    %eq3A_52 = arith.cmpi eq, %arg0, %eq3A : i32
    %convert_element_type3A = arith.extui %eq3A_52 : i1 to i32
    %cond3A = arith.constant 0 : i32
    %cond3A_53 = arith.cmpi ne, %convert_element_type3A, %cond3A : i32
    scf.if %cond3A_53 {
      %broadcast_in_dim3A_72 = arith.constant 0.000000e+00 : f32
      %broadcast_in_dim3A_73 = vector.broadcast %broadcast_in_dim3A_72 : f32 to vector<8x64xf32>
      %swap3A_74 = arith.constant 0 : index
      %swap3A_75 = arith.constant 0 : index
      %swap3A_76 = vector.load %arg5[%swap3A_74, %swap3A_75] : memref<8x64xf32, #tpu.memory_space<vmem>>, vector<8x64xf32>
      tpu.vector_store %arg5[%swap3A_74, %swap3A_75], %broadcast_in_dim3A_73 {strides = array<i32>} : memref<8x64xf32, #tpu.memory_space<vmem>>, vector<8x64xf32>,
    } else {
    }
    %get3A_54 = arith.constant 0 : index
    %get3A_55 = arith.constant 0 : index
    %get3A_56 = vector.load %arg5[%get3A_54, %get3A_55] : memref<8x64xf32, #tpu.memory_space<vmem>>, vector<1x64xf32>
    %reduce_sum3A = arith.constant dense<0.000000e+00> : vector<64xf32>
    %reduce_sum3A_57 = vector.multi_reduction <add>, %max3A_49, %reduce_sum3A [0] : vector<1024x64xf32> to vector<64xf32>
    %broadcast_in_dim3A = vector.shape_cast %reduce_sum3A_57 : vector<64xf32> to vector<1x64xf32>
    %add3A_58 = arith.addf %get3A_56, %broadcast_in_dim3A : vector<1x64xf32>
    %swap3A_59 = arith.constant 0 : index
    %swap3A_60 = arith.constant 0 : index
    %swap3A_61 = vector.load %arg5[%swap3A_59, %swap3A_60] : memref<8x64xf32, #tpu.memory_space<vmem>>, vector<1x64xf32>
    tpu.vector_store %arg5[%swap3A_59, %swap3A_60], %add3A_58 {strides = array<i32>} : memref<8x64xf32, #tpu.memory_space<vmem>>, vector<1x64xf32>,
    %get3A_62 = arith.constant 1 : index
    %get3A_63 = arith.constant 0 : index
    %get3A_64 = vector.load %arg5[%get3A_62, %get3A_63] : memref<8x64xf32, #tpu.memory_space<vmem>>, vector<1x64xf32>
    %mul3A = arith.mulf %max3A_49, %max3A_49 : vector<1024x64xf32>
    %reduce_sum3A_65 = arith.constant dense<0.000000e+00> : vector<64xf32>
    %reduce_sum3A_66 = vector.multi_reduction <add>, %mul3A, %reduce_sum3A_65 [0] : vector<1024x64xf32> to vector<64xf32>
    %broadcast_in_dim3A_67 = vector.shape_cast %reduce_sum3A_66 : vector<64xf32> to vector<1x64xf32>
    %add3A_68 = arith.addf %get3A_64, %broadcast_in_dim3A_67 : vector<1x64xf32>
    %swap3A_69 = arith.constant 1 : index
    %swap3A_70 = arith.constant 0 : index
    %swap3A_71 = vector.load %arg5[%swap3A_69, %swap3A_70] : memref<8x64xf32, #tpu.memory_space<vmem>>, vector<1x64xf32>
    tpu.vector_store %arg5[%swap3A_69, %swap3A_70], %add3A_68 {strides = array<i32>} : memref<8x64xf32, #tpu.memory_space<vmem>>, vector<1x64xf32>,
    return
  }
  func.func @transform_0(%arg0: i32) -> (i32, i32, i32) {
    %c0_i32 = arith.constant 0 : i32
    %c0_i32_0 = arith.constant 0 : i32
    %c0_i32_1 = arith.constant 0 : i32
    return %c0_i32, %arg0, %c0_i32_0 : i32, i32, i32
  }
  func.func @transform_1(%arg0: i32) -> (i32, i32) {
    %c0_i32 = arith.constant 0 : i32
    %c0_i32_0 = arith.constant 0 : i32
    %c0_i32_1 = arith.constant 0 : i32
    return %c0_i32, %c0_i32_0 : i32, i32
  }
  func.func @transform_2(%arg0: i32) -> (i32, i32) {
    %c0_i32 = arith.constant 0 : i32
    %c0_i32_0 = arith.constant 0 : i32
    %c0_i32_1 = arith.constant 0 : i32
    return %c0_i32, %c0_i32_0 : i32, i32
  }
  func.func @transform_3(%arg0: i32) -> (i32, i32) {
    %c0_i32 = arith.constant 0 : i32
    %c0_i32_0 = arith.constant 0 : i32
    return %arg0, %c0_i32 : i32, i32
  }
  func.func @transform_4(%arg0: i32) -> (i32, i32) {
    %c0_i32 = arith.constant 0 : i32
    %c0_i32_0 = arith.constant 0 : i32
    %c0_i32_1 = arith.constant 0 : i32
    return %c0_i32, %c0_i32_0 : i32, i32
  }
}

module attributes {stable_mosaic.version = 14 : i64} {
  func.func @_vq_kernel(%arg0: i32, %arg1: memref<1024x64xf32, #tpu.memory_space<vmem>>, %arg2: memref<8x64xf32, #tpu.memory_space<vmem>>, %arg3: memref<64x1024xf32, #tpu.memory_space<vmem>>, %arg4: memref<1024x1xi32, #tpu.memory_space<vmem>>, %arg5: memref<1024x1xf32, #tpu.memory_space<vmem>>) attributes {dimension_semantics = [#tpu.dimension_semantics<arbitrary>], iteration_bounds = array<i64: 49>, scalar_prefetch = 0 : i64, scratch_operands = 0 : i64, tpu.core_type = #tpu.core_type<tc>, window_params = [{transform_indices = @transform_0, window_bounds = array<i64: 1024, 64>}, {pipeline_mode = #tpu.pipeline_mode<synchronous>, transform_indices = @transform_1, window_bounds = array<i64: 8, 64>}, {pipeline_mode = #tpu.pipeline_mode<synchronous>, transform_indices = @transform_2, window_bounds = array<i64: 64, 1024>}, {transform_indices = @transform_3, window_bounds = array<i64: 1024, 1>}, {transform_indices = @transform_4, window_bounds = array<i64: 1024, 1>}]} {
    %get3A = arith.constant 0 : index
    %get3A_0 = arith.constant 0 : index
    %get3A_1 = vector.load %arg1[%get3A, %get3A_0] : memref<1024x64xf32, #tpu.memory_space<vmem>>, vector<1024x64xf32>
    %get3A_2 = arith.constant 0 : index
    %get3A_3 = arith.constant 0 : index
    %get3A_4 = vector.load %arg2[%get3A_2, %get3A_3] : memref<8x64xf32, #tpu.memory_space<vmem>>, vector<1x64xf32>
    %get3A_5 = arith.constant 1 : index
    %get3A_6 = arith.constant 0 : index
    %get3A_7 = vector.load %arg2[%get3A_5, %get3A_6] : memref<8x64xf32, #tpu.memory_space<vmem>>, vector<1x64xf32>
    %get3A_8 = arith.constant 2 : index
    %get3A_9 = arith.constant 0 : index
    %get3A_10 = vector.load %arg2[%get3A_8, %get3A_9] : memref<8x64xf32, #tpu.memory_space<vmem>>, vector<1x64xf32>
    %get3A_11 = arith.constant 3 : index
    %get3A_12 = arith.constant 0 : index
    %get3A_13 = vector.load %arg2[%get3A_11, %get3A_12] : memref<8x64xf32, #tpu.memory_space<vmem>>, vector<1x64xf32>
    %sub3A = vector.broadcast %get3A_4 : vector<1x64xf32> to vector<1024x64xf32>
    %sub3A_14 = arith.subf %get3A_1, %sub3A : vector<1024x64xf32>
    %div3A = vector.broadcast %get3A_7 : vector<1x64xf32> to vector<1024x64xf32>
    %div3A_15 = arith.divf %sub3A_14, %div3A : vector<1024x64xf32>
    %mul3A = vector.broadcast %get3A_10 : vector<1x64xf32> to vector<1024x64xf32>
    %mul3A_16 = arith.mulf %div3A_15, %mul3A : vector<1024x64xf32>
    %add3A = vector.broadcast %get3A_13 : vector<1x64xf32> to vector<1024x64xf32>
    %add3A_17 = arith.addf %mul3A_16, %add3A : vector<1024x64xf32>
    %mul3A_18 = arith.constant 5.000000e-01 : f32
    %mul3A_19 = vector.broadcast %mul3A_18 : f32 to vector<1024x64xf32>
    %mul3A_20 = arith.mulf %mul3A_19, %add3A_17 : vector<1024x64xf32>
    %sqrt3A = arith.constant 2.000000e+00 : f32
    %sqrt3A_21 = math.sqrt %sqrt3A : f32
    %div3A_22 = arith.constant 1.000000e+00 : f32
    %div3A_23 = arith.divf %div3A_22, %sqrt3A_21 : f32
    %mul3A_24 = vector.broadcast %div3A_23 : f32 to vector<1024x64xf32>
    %mul3A_25 = arith.mulf %add3A_17, %mul3A_24 : vector<1024x64xf32>
    %erf3A = math.erf %mul3A_25 : vector<1024x64xf32>
    %add3A_26 = arith.constant 1.000000e+00 : f32
    %add3A_27 = vector.broadcast %add3A_26 : f32 to vector<1024x64xf32>
    %add3A_28 = arith.addf %add3A_27, %erf3A : vector<1024x64xf32>
    %mul3A_29 = arith.mulf %mul3A_20, %add3A_28 : vector<1024x64xf32>
    %get3A_30 = arith.constant 0 : index
    %get3A_31 = arith.constant 0 : index
    %get3A_32 = vector.load %arg3[%get3A_30, %get3A_31] : memref<64x1024xf32, #tpu.memory_space<vmem>>, vector<64x1024xf32>
    %dot_general3A = arith.constant dense<0.000000e+00> : vector<1024x1024xf32>
    %dot_general3A_33 = tpu.matmul %mul3A_29, %get3A_32, %dot_general3A {dimension_numbers = #tpu.dot_dimension_numbers<[1], [0], [0], [1], [0, 0, 1, 1], [], []>, transpose_lhs_hint = false} : vector<1024x64xf32>, vector<64x1024xf32>, vector<1024x1024xf32> -> vector<1024x1024xf32>
    %mul3A_34 = arith.mulf %get3A_32, %get3A_32 : vector<64x1024xf32>
    %reduce_sum3A = arith.constant dense<0.000000e+00> : vector<1024xf32>
    %reduce_sum3A_35 = vector.multi_reduction <add>, %mul3A_34, %reduce_sum3A [0] : vector<64x1024xf32> to vector<1024xf32>
    %broadcast_in_dim3A = vector.shape_cast %reduce_sum3A_35 : vector<1024xf32> to vector<1x1024xf32>
    %mul3A_36 = arith.mulf %mul3A_29, %mul3A_29 : vector<1024x64xf32>
    %reduce_sum3A_37 = arith.constant dense<0.000000e+00> : vector<1024xf32>
    %reduce_sum3A_38 = vector.multi_reduction <add>, %mul3A_36, %reduce_sum3A_37 [1] : vector<1024x64xf32> to vector<1024xf32>
    %broadcast_in_dim3A_39 = vector.shape_cast %reduce_sum3A_38 : vector<1024xf32> to vector<1024x1xf32>
    %mul3A_40 = arith.constant 2.000000e+00 : f32
    %mul3A_41 = vector.broadcast %mul3A_40 : f32 to vector<1024x1024xf32>
    %mul3A_42 = arith.mulf %mul3A_41, %dot_general3A_33 : vector<1024x1024xf32>
    %sub3A_43 = vector.broadcast %broadcast_in_dim3A_39 : vector<1024x1xf32> to vector<1024x1024xf32>
    %sub3A_44 = arith.subf %sub3A_43, %mul3A_42 : vector<1024x1024xf32>
    %add3A_45 = vector.broadcast %broadcast_in_dim3A : vector<1x1024xf32> to vector<1024x1024xf32>
    %add3A_46 = arith.addf %sub3A_44, %add3A_45 : vector<1024x1024xf32>
    %reduce_min3A = arith.constant dense<0x7F800000> : vector<1024xf32>
    %reduce_min3A_47 = vector.multi_reduction <minimumf>, %add3A_46, %reduce_min3A [1] : vector<1024x1024xf32> to vector<1024xf32>
    %broadcast_in_dim3A_48 = vector.shape_cast %reduce_min3A_47 : vector<1024xf32> to vector<1024x1xf32>
    %iota3A = tpu.iota {dimensions = array<i32: 1>} : vector<1024x1024xi32>
    %eq3A = vector.broadcast %broadcast_in_dim3A_48 : vector<1024x1xf32> to vector<1024x1024xf32>
    %eq3A_49 = arith.cmpf oeq, %add3A_46, %eq3A : vector<1024x1024xf32>
    %jit3A = arith.constant 1024 : i32
    %broadcast_in_dim3A_50 = vector.broadcast %jit3A : i32 to vector<1024x1024xi32>
    %select_n3A = arith.select %eq3A_49, %iota3A, %broadcast_in_dim3A_50 : vector<1024x1024xi1>, vector<1024x1024xi32>
    %reduce_min3A_51 = arith.constant dense<2147483647> : vector<1024xi32>
    %reduce_min3A_52 = vector.multi_reduction <minsi>, %select_n3A, %reduce_min3A_51 [1] : vector<1024x1024xi32> to vector<1024xi32>
    %broadcast_in_dim3A_53 = vector.shape_cast %reduce_min3A_52 : vector<1024xi32> to vector<1024x1xi32>
    %swap3A = arith.constant 0 : index
    %swap3A_54 = arith.constant 0 : index
    %swap3A_55 = vector.load %arg4[%swap3A, %swap3A_54] : memref<1024x1xi32, #tpu.memory_space<vmem>>, vector<1024x1xi32>
    tpu.vector_store %arg4[%swap3A, %swap3A_54], %broadcast_in_dim3A_53 {strides = array<i32>} : memref<1024x1xi32, #tpu.memory_space<vmem>>, vector<1024x1xi32>,
    %swap3A_56 = arith.constant 0 : index
    %swap3A_57 = arith.constant 0 : index
    %swap3A_58 = vector.load %arg5[%swap3A_56, %swap3A_57] : memref<1024x1xf32, #tpu.memory_space<vmem>>, vector<1024x1xf32>
    tpu.vector_store %arg5[%swap3A_56, %swap3A_57], %broadcast_in_dim3A_48 {strides = array<i32>} : memref<1024x1xf32, #tpu.memory_space<vmem>>, vector<1024x1xf32>,
    return
  }
  func.func @transform_0(%arg0: i32) -> (i32, i32) {
    %c0_i32 = arith.constant 0 : i32
    %c0_i32_0 = arith.constant 0 : i32
    return %arg0, %c0_i32 : i32, i32
  }
  func.func @transform_1(%arg0: i32) -> (i32, i32) {
    %c0_i32 = arith.constant 0 : i32
    %c0_i32_0 = arith.constant 0 : i32
    %c0_i32_1 = arith.constant 0 : i32
    return %c0_i32, %c0_i32_0 : i32, i32
  }
  func.func @transform_2(%arg0: i32) -> (i32, i32) {
    %c0_i32 = arith.constant 0 : i32
    %c0_i32_0 = arith.constant 0 : i32
    %c0_i32_1 = arith.constant 0 : i32
    return %c0_i32, %c0_i32_0 : i32, i32
  }
  func.func @transform_3(%arg0: i32) -> (i32, i32) {
    %c0_i32 = arith.constant 0 : i32
    %c0_i32_0 = arith.constant 0 : i32
    return %arg0, %c0_i32 : i32, i32
  }
  func.func @transform_4(%arg0: i32) -> (i32, i32) {
    %c0_i32 = arith.constant 0 : i32
    %c0_i32_0 = arith.constant 0 : i32
    return %arg0, %c0_i32 : i32, i32
  }
}

</mosaic_0001>

<sc_bundles>
// kernel: kernel.5.cloned.1.call-start
scs
__scs_entry_jumppad:
0x0: {  	(pc) =	sbr.rel $0x88, $3  }
0x1: {  	(tag) =	ssettag $0x0;
	lr =	simm.s32 $0x1  }
0x2: {  	[smem:$0x3F9B] =	sst lr;
	_ =	strace $0xD0000000  }
0x3: {  	_ = 	snop  }
0x4: {  	_ = 	snop  }
0x5: {  	_ = 	snop  }
0x6: {  	_ = 	snop  }
0x7: {  	_ = 	snop  }
__scs_overlays_trampoline_lowered:
0x8: {  	[smem:$0x3FAA] =	sst s0  }
0x9: {  	[smem:$0x3FAB] =	sst s1  }
0xa: {  	[smem:$0x3FAC] =	sst s2  }
0xb: {  	[smem:$0x3FAD] =	sst s3  }
0xc: {  	[smem:$0x3FAE] =	sst s4  }
0xd: {  	[smem:$0x3FAF] =	sst s5  }
0xe: {  	[smem:$0x3FB0] =	sst s6  }
0xf: {  	[smem:$0x3FB1] =	sst s7  }
0x10: {  	[smem:$0x3FB2] =	sst s8  }
0x11: {  	[smem:$0x3FB3] =	sst s9;
	s0 =	simm.s32 @!p0 $0x0  }
0x12: {  	s1 =	sld [smem:$0x3F99];
	s0 =	simm.s32 @p0 $0x1  }
0x13: {  	[smem:$0x3FB4] =	sst s0;
	s0 =	simm.s32 @!p1 $0x0  }
0x14: {  	s2 =	sld [smem:$0x3F98];
	s0 =	simm.s32 @p1 $0x1  }
0x15: {  	[smem:$0x3FB5] =	sst s0;
	s0 =	simm.s32 @!p2 $0x0  }
0x16: {  	s3 =	sld [smem:$0x3FDB];
	s0 =	simm.s32 @p2 $0x1  }
0x17: {  	s4 =	simm.s32 $0x1BF5;
	[smem:$0x3FB7] =	sst s0  }
0x18: {  	s0 =	sld [smem:$0x3F9A];
	_ =	swait.ge [sflag:s4], $0x0  }
0x19: {  	s7 =	sld [smem:$0x3F9B]  }
0x1a: {  	s8 =	sadd.s32 $0xFFFFE003, lr  }
0x1b: {  	s9 =	sadd.s32 $0xFFFFFEF7, lr;
	s5 =	simm.s32 $0xFFFFFFFF;
	p2 =	slt.u32 s8, $0xFFFFF086  }
0x1c: {  	p1 =	slt.u32 s9, $0xF7A;
	s5 =	simm.s32 @!p2 $0x0  }
0x1d: {  	s5 =	simm.s32 @p1 $0x1;
	p0 =	seq.s32 s7, s2  }
0x1e: {  	s7 =	smul.u32 @!p0 $0xF7A, s2;
	p2 =	seq.s32 @!p0 s5, $0x0  }
0x1f: {  	s9 =	smul.u32 $0xF7A, s1;
	s8 =	simm.s32 @!p0 $0x1BF5;
	p2 =	por !p2, p0  }
0x20: {  	[sflag:s8] =	ssyncset.s32 @!p0 $0xFFFFF086;
	s6 =	sadd.s32 @!p0 s3, s7;
	s7 =	simm.s32 @!p0 $0x108  }
0x21: {  	s3 =	sadd.s32 s3, s9;
	s6 =	sadd.s32 @!p0 $0x88, s6;
	s7 =	simm.s32 @p2 $0x1082  }
0x22: {  	[simem:s7], [sflag:s8] =	dma.local @!p0 [hbm:s6], $0xF7A  }
0x23: {  	s9 =	sor.u32 $0xD0000000, s2;
	s6 =	simm.s32 $0x108;
	_ =	swait.ge @!p0 [sflag:s8], $0x0  }
0x24: {  	s3 =	sadd.s32 $0x88, s3;
	s6 =	simm.s32 @!p1 $0x1082;
	[sflag:s4] =	ssyncset.s32 $0xFFFFF086  }
0x25: {  	[simem:s6], [sflag:s4] =	dma.local [hbm:s3], $0xF7A  }
0x26: {  	[smem:$0x3F9B] =	sst s1;
	(tag) =	ssettag s2;
	_ =	strace s9  }
0x27: {  	s1 =	sld [smem:$0x3FAB]  }
0x28: {  	s2 =	sld [smem:$0x3FAC]  }
0x29: {  	s4 =	sld [smem:$0x3FAE]  }
0x2a: {  	p0 =	seq.s32 s5, $0x0;
	s5 =	sld [smem:$0x3FAF]  }
0x2b: {  	s6 =	sld [smem:$0x3FB0]  }
0x2c: {  	s7 =	sld [smem:$0x3FB1]  }
0x2d: {  	s3 =	simm.s32 $0x108;
	s8 =	sld [smem:$0x3FB2]  }
0x2e: {  	s3 =	simm.s32 @!p0 $0x1082;
	s9 =	sld [smem:$0x3FB3]  }
0x2f: {  	lr =	sadd.s32 s0, s3;
	s0 =	sld [smem:$0x3FAA]  }
0x30: {  	s3 =	sld [smem:$0x3FAD]  }
0x31: {  	[smem:$0x3FB6] =	sst s10  }
0x32: {  	s10 =	sld [smem:$0x3FB4];
	_ =	sdelay $0x3  }
0x33: {  	p0 =	seq.s32 s10, $0x1;
	s10 =	sld [smem:$0x3FB6];
	_ =	sdelay $0x3  }
0x34: {  	[smem:$0x3FB6] =	sst s10  }
0x35: {  	s10 =	sld [smem:$0x3FB5];
	_ =	sdelay $0x3  }
0x36: {  	p1 =	seq.s32 s10, $0x1;
	s10 =	sld [smem:$0x3FB6];
	_ =	sdelay $0x3  }
0x37: {  	[smem:$0x3FB6] =	sst s10  }
0x38: {  	s10 =	sld [smem:$0x3FB7]  }
0x39: {  	_ = 	snop;
	(pc) =	sbr.ind lr, $3  }
0x3a: {  	_ = 	snop  }
0x3b: {  	_ = 	snop  }
0x3c: {  	p2 =	seq.s32 s10, $0x1;
	s10 =	sld [smem:$0x3FB6]  }
0x3d: {  	_ =	shalt  }
0x3e: {  	_ =	shalt  }
0x3f: {  	_ =	shalt  }
0x40: {  	_ =	shalt  }
0x41: {  	_ =	shalt  }
0x42: {  	_ =	shalt  }
0x43: {  	_ =	shalt  }
0x44: {  	_ =	shalt  }
0x45: {  	_ =	shalt  }
0x46: {  	_ =	shalt  }
0x47: {  	_ =	shalt  }
0x48: {  	_ =	shalt  }
0x49: {  	_ =	shalt  }
0x4a: {  	_ =	shalt  }
0x4b: {  	_ =	shalt  }
0x4c: {  	_ =	shalt  }
0x4d: {  	_ =	shalt  }
0x4e: {  	_ =	shalt  }
0x4f: {  	_ =	shalt  }
0x50: {  	_ =	shalt  }
0x51: {  	_ =	shalt  }
0x52: {  	_ =	shalt  }
0x53: {  	_ =	shalt  }
0x54: {  	_ =	shalt  }
0x55: {  	_ =	shalt  }
0x56: {  	_ =	shalt  }
0x57: {  	_ =	shalt  }
0x58: {  	_ =	shalt  }
0x59: {  	_ =	shalt  }
0x5a: {  	_ =	shalt  }
0x5b: {  	_ =	shalt  }
0x5c: {  	_ =	shalt  }
0x5d: {  	_ =	shalt  }
0x5e: {  	_ =	shalt  }
0x5f: {  	_ =	shalt  }
0x60: {  	_ =	shalt  }
0x61: {  	_ =	shalt  }
0x62: {  	_ =	shalt  }
0x63: {  	_ =	shalt  }
0x64: {  	_ =	shalt  }
0x65: {  	_ =	shalt  }
0x66: {  	_ =	shalt  }
0x67: {  	_ =	shalt  }
0x68: {  	_ =	shalt  }
0x69: {  	_ =	shalt  }
0x6a: {  	_ =	shalt  }
0x6b: {  	_ =	shalt  }
0x6c: {  	_ =	shalt  }
0x6d: {  	_ =	shalt  }
0x6e: {  	_ =	shalt  }
0x6f: {  	_ =	shalt  }
0x70: {  	_ =	shalt  }
0x71: {  	_ =	shalt  }
0x72: {  	_ =	shalt  }
0x73: {  	_ =	shalt  }
0x74: {  	_ =	shalt  }
0x75: {  	_ =	shalt  }
0x76: {  	_ =	shalt  }
0x77: {  	_ =	shalt  }
0x78: {  	_ =	shalt  }
0x79: {  	_ =	shalt  }
0x7a: {  	_ =	shalt  }
0x7b: {  	_ =	shalt  }
0x7c: {  	_ =	shalt  }
0x7d: {  	_ =	shalt  }
0x7e: {  	_ =	shalt  }
0x7f: {  	_ =	shalt  }
0x80: {  	_ =	shalt  }
0x81: {  	_ =	shalt  }
0x82: {  	_ =	shalt  }
0x83: {  	_ =	shalt  }
0x84: {  	_ =	shalt  }
0x85: {  	_ =	shalt  }
0x86: {  	_ =	shalt  }
0x87: {  	_ =	shalt  }
.Lfunc_end0:
.L_simem_size_0:
called_computation_lowered:
.L_overlay_start_0:
0x88: {  	s2 =	sld [smem:$0x3FD9]  }
0x89: {  	s3 =	sld [smem:$0x3FFE];
	_ =	sdelay $0x1  }
0x8a: {  	s1 =	srdreg.scid  }
0x8b: {  	s0 =	sand.u32 $0x1, s1  }
0x8c: {  	s14 =	sshll.u32 s0, $0xA;
	s2 =	sadd.s32 s3, s2  }
0x8d: {  	s2 =	sadd.s32 s2, s14  }
0x8e: {  	[smem:$0x3FC2] =	sst s2  }
0x8f: {  	_ = 	snop  }
0x90: {  	s2 =	sld [smem:$0x3FD0];
	_ =	sdelay $0x2  }
0x91: {  	s15 =	simm.s32 $0xA;
	s4 =	simm.s32 $0x10  }
0x92: {  	[smem:s4], [sflag:s15] =	dma.local [hbm:s2], $0x1  }
0x93: {  	_ =	swait.eq [sflag:s15], $0x1  }
0x94: {  	[sflag:s15] =	ssyncset.done $0x0  }
0x95: {  	[sflag:s15] =	ssyncadd.s32 $0xFFFFFFFF  }
0x96: {  	s16 =	sld [smem:$0x10];
	(tm) =	ssettm $0x1  }
0x97: {  	s17 =	sld [smem:$0x3FFB];
	_ =	sdelay $0x3  }
0x98: {  	_ =	strace s17  }
0x99: {  	s3 =	sld [smem:$0x3FFC];
	_ =	sdelay $0x3  }
0x9a: {  	_ =	strace s3  }
0x9b: {  	s3 =	sld [smem:$0x3FFD];
	_ =	sdelay $0x3  }
0x9c: {  	_ =	strace s3  }
0x9d: {  	_ =	strace $0x8FFFFFFF  }
0x9e: {  	s18 =	sld [smem:$0x3FDB];
	_ =	sdelay $0x1  }
0x9f: {  	s19 =	simm.s32 $_scs_section_size  }
0xa0: {  	s5 =	simm.s32 $_size__tile_overlayer_lowered;
	s6 =	simm.s32 $_tile_overlayer_lowered  }
0xa1: {  	s22 =	simm.s32 $0x1BFF;
	s21 =	sshll.u32 s6, $0x1;
	s3 =	sadd.s32 s19, s18  }
0xa2: {  	s7 =	simm.s32 $0x0;
	s20 =	sshll.u32 s5, $0x1;
	s5 =	sadd.s32 s21, s3  }
0xa3: {  	[timem:s7], [sflag:s22] =	dma.local [hbm:s5], s20  }
0xa4: {  	_ =	swait.ge [sflag:s22], s20  }
0xa5: {  	s4 =	ssub.s32 $0x0, s20;
	[sflag:s22] =	ssyncset.done $0x0  }
0xa6: {  	[sflag:s22] =	ssyncadd.s32 s4;
	_ =	sdelay $0x1  }
0xa7: {  	s23 =	simm.s32 $0x1B8B  }
0xa8: {  	_ =	swait.ge [sflag:s23], $0x1  }
0xa9: {  	[sflag:s23] =	ssyncset.done $0x0  }
0xaa: {  	s25 =	simm.s32 $0x1B8E;
	s24 =	sld [smem:$0x3FFE];
	[sflag:s23] =	ssyncadd.s32 $0xFFFFFFFF  }
0xab: {  	s26 =	simm.s32 $execute0_lowered;
	[smem:$0x3FD2] =	sst s25  }
0xac: {  	s5 =	sshll.u32 s26, $0x1;
	_ =	strace $0x80000046;
	[dreg:$0x1] =	wrdreg $0xFFFFFFFF  }
0xad: {  	s28 =	simm.s32 $_size_execute0_lowered;
	s3 =	sadd.s32 s3, s5;
	[dreg:$0x0] =	wrdreg $0x0  }
0xae: {  	s5 =	sshll.u32 s28, $0x1;
	[dreg:$0x2] =	wrdreg s3  }
0xaf: {  	[dreg:$0x3] =	wrdreg s5  }
0xb0: {  	[dreg:$0x4] =	wrdreg $0xC0  }
0xb1: {  	_ =	task [dreg:s7], $0x5FFFF  }
0xb2: {  	[dreg:$0x1] =	wrdreg $0xFFFFFFFF  }
0xb3: {  	[dreg:$0x0] =	wrdreg $0x60  }
0xb4: {  	[dreg:$0x2] =	wrdreg s24  }
0xb5: {  	[dreg:$0x3] =	wrdreg s16  }
0xb6: {  	[dreg:$0x4] =	wrdreg $0x9  }
0xb7: {  	_ =	task.clear_ibuf [dreg:s7], $0x5FFFF;
	_ =	strace $0x90000046  }
0xb8: {  	s29 =	simm.s32 $0x9;
	_ =	strace $0x80000048  }
0xb9: {  	_ =	swait.ge [sflag:s29], $0x1  }
0xba: {  	[sflag:s29] =	ssyncadd.s32 $0xFFFFFFFF  }
0xbb: {  	_ =	strace $0x90000048  }
0xbc: {  	_ =	sfence  }
0xbd: {  	s30 =	sld [smem:$0x0];
	_ =	sdelay $0x2  }
0xbe: {  	s31 =	sshll.u32 s1, $0xD;
	s1 =	sshrl.u32 s1, $0x2  }
0xbf: {  	s3 =	sand.u32 $0x4000, s31;
	s1 =	sadd.s32 s1, s30  }
0xc0: {  	s0 =	sor.u32 s3, s0;
	s1 =	sshll.u32 s1, $0x11  }
0xc1: {  	s0 =	sor.u32 s1, s0  }
0xc2: {  	s0 =	sadd.s32 $0x8F2B, s0  }
0xc3: {  	[sflag:s0] =	ssyncadd.remote.s32 $0x1  }
0xc4: {  	_ =	sfence.sel $0xFFFF  }
0xc5: {  	[dreg:$0x0] =	wrdreg $0xFFFFFFFF;
	(pc) =	sbr.abs _section_cstart, $3  }
0xc6: {  	[dreg:$0x1] =	wrdreg $0xFFFFFFFF  }
0xc7: {  	_ =	task.clear_ibuf [dreg:s7], $0x2FFFF;
	_ =	strace $0x9FFFFFFF  }
0xc8: {  	(tm) =	ssettm $0x7FFFFFFF  }
0xc9: {  	_ =	shalt  }
tec
execute0_lowered:
.L_overlay_start_1:
0x0: {  	(tag) =	ssettag $0x1  }
0x1: {  	v0 =	vlaneseq.u32  }
0x2: {  	v3 =	vmul.u32 $0x40, v0;
	_ =	sdelay $0x1  }
0x3: {  	v1 =	vor.u32 $0x1, v3  }
0x4: {  	v0 =	vor.u32 $0xF, v3;
	[tilespmem:$0x1FC20] =	vst v1  }
0x5: {  	v1 =	vor.u32 $0x2, v3;
	[tilespmem:$0x1FD00] =	vst v0  }
0x6: {  	v0 =	vor.u32 $0x10, v3;
	[tilespmem:$0x1FC30] =	vst v1  }
0x7: {  	v1 =	vor.u32 $0x3, v3;
	[tilespmem:$0x1FD10] =	vst v0  }
0x8: {  	v0 =	vor.u32 $0x11, v3;
	[tilespmem:$0x1FC40] =	vst v1  }
0x9: {  	v1 =	vor.u32 $0x4, v3;
	[tilespmem:$0x1FD20] =	vst v0  }
0xa: {  	v0 =	vor.u32 $0x12, v3;
	[tilespmem:$0x1FC50] =	vst v1  }
0xb: {  	v1 =	vor.u32 $0x5, v3;
	[tilespmem:$0x1FD30] =	vst v0  }
0xc: {  	v0 =	vor.u32 $0x13, v3;
	[tilespmem:$0x1FC60] =	vst v1  }
0xd: {  	v1 =	vor.u32 $0x6, v3;
	[tilespmem:$0x1FD40] =	vst v0  }
0xe: {  	v0 =	vor.u32 $0x14, v3;
	[tilespmem:$0x1FC70] =	vst v1  }
0xf: {  	v1 =	vor.u32 $0x7, v3;
	[tilespmem:$0x1FD50] =	vst v0  }
0x10: {  	v0 =	vor.u32 $0x15, v3;
	[tilespmem:$0x1FC80] =	vst v1  }
0x11: {  	v1 =	vor.u32 $0x8, v3;
	[tilespmem:$0x1FD60] =	vst v0  }
0x12: {  	v0 =	vor.u32 $0x16, v3;
	[tilespmem:$0x1FC90] =	vst v1  }
0x13: {  	v1 =	vor.u32 $0x9, v3;
	[tilespmem:$0x1FD70] =	vst v0  }
0x14: {  	v0 =	vor.u32 $0x17, v3;
	[tilespmem:$0x1FCA0] =	vst v1  }
0x15: {  	v1 =	vor.u32 $0xA, v3;
	[tilespmem:$0x1FD80] =	vst v0  }
0x16: {  	v0 =	vor.u32 $0x18, v3;
	[tilespmem:$0x1FCB0] =	vst v1  }
0x17: {  	v1 =	vor.u32 $0xB, v3;
	[tilespmem:$0x1FD90] =	vst v0  }
0x18: {  	v0 =	vor.u32 $0x19, v3;
	[tilespmem:$0x1FCC0] =	vst v1  }
0x19: {  	v1 =	vor.u32 $0xC, v3;
	[tilespmem:$0x1FDA0] =	vst v0  }
0x1a: {  	v0 =	vor.u32 $0x1A, v3;
	[tilespmem:$0x1FCD0] =	vst v1  }
0x1b: {  	v1 =	vor.u32 $0xD, v3;
	[tilespmem:$0x1FDB0] =	vst v0  }
0x1c: {  	v0 =	vor.u32 $0x1B, v3;
	[tilespmem:$0x1FCE0] =	vst v1  }
0x1d: {  	v1 =	vor.u32 $0xE, v3;
	[tilespmem:$0x1FDC0] =	vst v0  }
0x1e: {  	v0 =	vor.u32 $0x1C, v3;
	[tilespmem:$0x1FCF0] =	vst v1  }
0x1f: {  	[tilespmem:$0x1FDD0] =	vst v0;
	v0 =	vor.u32 $0x1D, v3  }
0x20: {  	[tilespmem:$0x1FDE0] =	vst v0;
	v0 =	vor.u32 $0x1E, v3  }
0x21: {  	[tilespmem:$0x1FDF0] =	vst v0;
	v0 =	vor.u32 $0x1F, v3  }
0x22: {  	[tilespmem:$0x1FE00] =	vst v0;
	v0 =	vor.u32 $0x20, v3  }
0x23: {  	[tilespmem:$0x1FE10] =	vst v0;
	v0 =	vor.u32 $0x21, v3  }
0x24: {  	[tilespmem:$0x1FE20] =	vst v0;
	v0 =	vor.u32 $0x22, v3  }
0x25: {  	[tilespmem:$0x1FE30] =	vst v0;
	v0 =	vor.u32 $0x23, v3  }
0x26: {  	[tilespmem:$0x1FE40] =	vst v0;
	v0 =	vor.u32 $0x24, v3  }
0x27: {  	[tilespmem:$0x1FE50] =	vst v0;
	v0 =	vor.u32 $0x25, v3  }
0x28: {  	[tilespmem:$0x1FE60] =	vst v0;
	v0 =	vor.u32 $0x26, v3  }
0x29: {  	[tilespmem:$0x1FE70] =	vst v0;
	v0 =	vor.u32 $0x27, v3  }
0x2a: {  	[tilespmem:$0x1FE80] =	vst v0;
	v0 =	vor.u32 $0x28, v3  }
0x2b: {  	s4 =	rddreg [dreg:$0x0];
	[tilespmem:$0x1FE90] =	vst v0;
	v0 =	vor.u32 $0x29, v3  }
0x2c: {  	s5 =	rddreg [dreg:$0x1];
	s2 =	simm.s32 $0x0;
	[tilespmem:$0x1FEA0] =	vst v0;
	v0 =	vor.u32 $0x2A, v3  }
0x2d: {  	s1 =	srdreg.scid;
	[smem:$0x7FF] =	sst s2;
	[tilespmem:$0x1FEB0] =	vst v0;
	v0 =	vor.u32 $0x2B, v3  }
0x2e: {  	s6 =	sand.u32 $0x1, s1;
	s1 =	rddreg [dreg:$0x2];
	_ =	strace $0x80000047;
	[tilespmem:$0x1FEC0] =	vst v0;
	v0 =	vor.u32 $0x2C, v3  }
0x2f: {  	[tilespmem:$0x1FED0] =	vst v0;
	v0 =	vor.u32 $0x2D, v3  }
0x30: {  	[tilespmem:$0x1FEE0] =	vst v0;
	v0 =	vor.u32 $0x2E, v3  }
0x31: {  	[tilespmem:$0x1FEF0] =	vst v0;
	v0 =	vor.u32 $0x2F, v3  }
0x32: {  	[tilespmem:$0x1FF00] =	vst v0;
	v0 =	vor.u32 $0x30, v3  }
0x33: {  	[tilespmem:$0x1FF10] =	vst v0;
	v0 =	vor.u32 $0x31, v3  }
0x34: {  	[tilespmem:$0x1FF20] =	vst v0;
	v0 =	vor.u32 $0x32, v3  }
0x35: {  	[tilespmem:$0x1FF30] =	vst v0;
	v0 =	vor.u32 $0x33, v3  }
0x36: {  	[tilespmem:$0x1FF40] =	vst v0;
	v0 =	vor.u32 $0x34, v3  }
0x37: {  	[tilespmem:$0x1FF50] =	vst v0;
	v0 =	vor.u32 $0x35, v3  }
0x38: {  	s0 =	stileid.u32;
	[tilespmem:$0x1FF60] =	vst v0;
	v0 =	vor.u32 $0x36, v3  }
0x39: {  	s3 =	sshll.u32 s0, $0x1;
	[tilespmem:$0x1FF70] =	vst v0;
	v0 =	vor.u32 $0x37, v3  }
0x3a: {  	s7 =	sor.u32 s6, s3;
	[tilespmem:$0x1FF80] =	vst v0;
	v0 =	vor.u32 $0x38, v3  }
0x3b: {  	s11 =	simm.s32 $0x10620;
	s8 =	smul.u32 $0xC4, s7;
	[tilespmem:$0x1FF90] =	vst v0;
	v0 =	vor.u32 $0x39, v3  }
0x3c: {  	s12 =	simm.s32 $0x17620;
	s6 =	ssub.s32 $0x2, s6;
	s9 =	smul.u32 $0x18800, s7;
	[tilespmem:$0x1FFA0] =	vst v0;
	v0 =	vor.u32 $0x3A, v3  }
0x3d: {  	s13 =	simm.s32 $0x0;
	s3 =	sadd.s32 $0xC6800, s4;
	s30 =	sshrl.u32 s6, $0x1;
	[tilespmem:$0x1FFB0] =	vst v0;
	v0 =	vor.u32 $0x3B, v3  }
0x3e: {  	s7 =	smul.u32 $0x3100, s7;
	s4 =	sadd.s32 s8, s4;
	s9 =	sshrl.u32 s9, $0x3;
	[tilespmem:$0x1FFC0] =	vst v0;
	v0 =	vor.u32 $0x3C, v3  }
0x3f: {  	s10 =	ssub.s32 s6, s30;
	s4 =	sadd.s32 $0x2800, s4;
	s31 =	sadd.s32 s5, s9;
	[tilespmem:$0x1FFD0] =	vst v0;
	v0 =	vor.u32 $0x3D, v3  }
0x40: {  	s5 =	sadd.s32 s5, s7;
	s9 =	smax.u32 s10, $0x1;
	s10 =	simm.s32 $0x1;
	[tilespmem:$0x1FFE0] =	vst v0;
	v0 =	vor.u32 $0x3F, v3  }
0x41: {  	v4 =	vor.u32 $0x3E, v3;
	s6 =	sadd.s32 $0xE00, s31;
	s7 =	sadd.s32 $0x1C00, s31;
	s8 =	sadd.s32 $0x2A00, s31;
	[tilespmem:$0x1FFF0] =	vst v0  }
.LBB2_1:
0x42: {  	[tilespmem:s2], [sflag:$0x1] =	stream.linear.gather [hbm4b:s3+s2], $0x10000, $0x38;
	[tilespmem:$0x1E620] =	vst v63  }
0x43: {  	_ =	swait.ge [sflag:s10], $0x10000  }
0x44: {  	[sflag:s10] =	ssyncset.done $0x0  }
0x45: {  	s14 =	simm.s32 $0x10000;
	[sflag:s10] =	ssyncadd.s32 $0xFFFF0000  }
0x46: {  	[tilespmem:s14], [sflag:$0x1] =	stream.linear.gather [hbm4b:s4+s2], $0x620, $0x38;
	[tilespmem:$0x1E620] =	vst v63  }
0x47: {  	_ =	swait.ge [sflag:s10], $0x620  }
0x48: {  	v9 =	vld [tilespmem:$0x1FC60]  }
0x49: {  	v10 =	vld [tilespmem:$0x1FC70]  }
0x4a: {  	v11 =	vld [tilespmem:$0x1FC80]  }
0x4b: {  	v12 =	vld [tilespmem:$0x1FC90]  }
0x4c: {  	v13 =	vld [tilespmem:$0x1FCA0]  }
0x4d: {  	v14 =	vld [tilespmem:$0x1FCB0]  }
0x4e: {  	v15 =	vld [tilespmem:$0x1FCC0]  }
0x4f: {  	v16 =	vld [tilespmem:$0x1FCD0]  }
0x50: {  	v17 =	vld [tilespmem:$0x1FCE0]  }
0x51: {  	v18 =	vld [tilespmem:$0x1FCF0]  }
0x52: {  	v0 =	vld [tilespmem:$0x1FD00]  }
0x53: {  	v20 =	vld [tilespmem:$0x1FD10]  }
0x54: {  	v21 =	vld [tilespmem:$0x1FD20]  }
0x55: {  	v22 =	vld [tilespmem:$0x1FD30]  }
0x56: {  	v23 =	vld [tilespmem:$0x1FD40]  }
0x57: {  	v24 =	vld [tilespmem:$0x1FD50]  }
0x58: {  	v25 =	vld [tilespmem:$0x1FD60]  }
0x59: {  	v26 =	vld [tilespmem:$0x1FD70]  }
0x5a: {  	v27 =	vld [tilespmem:$0x1FD80]  }
0x5b: {  	v28 =	vld [tilespmem:$0x1FD90]  }
0x5c: {  	v29 =	vld [tilespmem:$0x1FDA0]  }
0x5d: {  	v30 =	vld [tilespmem:$0x1FDB0]  }
0x5e: {  	v31 =	vld [tilespmem:$0x1FDC0]  }
0x5f: {  	v32 =	vld [tilespmem:$0x1FDD0]  }
0x60: {  	v33 =	vld [tilespmem:$0x1FDE0]  }
0x61: {  	v34 =	vld [tilespmem:$0x1FDF0]  }
0x62: {  	v35 =	vld [tilespmem:$0x1FE00]  }
0x63: {  	v36 =	vld [tilespmem:$0x1FE10]  }
0x64: {  	v37 =	vld [tilespmem:$0x1FE20]  }
0x65: {  	v38 =	vld [tilespmem:$0x1FE30]  }
0x66: {  	v39 =	vld [tilespmem:$0x1FE40]  }
0x67: {  	v40 =	vld [tilespmem:$0x1FE50]  }
0x68: {  	v41 =	vld [tilespmem:$0x1FE60]  }
0x69: {  	v42 =	vld [tilespmem:$0x1FE70]  }
0x6a: {  	v43 =	vld [tilespmem:$0x1FE80]  }
0x6b: {  	v44 =	vld [tilespmem:$0x1FE90]  }
0x6c: {  	v45 =	vld [tilespmem:$0x1FEA0]  }
0x6d: {  	v46 =	vld [tilespmem:$0x1FEB0]  }
0x6e: {  	v47 =	vld [tilespmem:$0x1FEC0]  }
0x6f: {  	v48 =	vld [tilespmem:$0x1FED0]  }
0x70: {  	v49 =	vld [tilespmem:$0x1FEE0]  }
0x71: {  	v50 =	vld [tilespmem:$0x1FEF0]  }
0x72: {  	v51 =	vld [tilespmem:$0x1FF00]  }
0x73: {  	v52 =	vld [tilespmem:$0x1FF10]  }
0x74: {  	v53 =	vld [tilespmem:$0x1FF20]  }
0x75: {  	v54 =	vld [tilespmem:$0x1FF30]  }
0x76: {  	v55 =	vld [tilespmem:$0x1FF40]  }
0x77: {  	v56 =	vld [tilespmem:$0x1FF50]  }
0x78: {  	v57 =	vld [tilespmem:$0x1FF60]  }
0x79: {  	v58 =	vld [tilespmem:$0x1FF70]  }
0x7a: {  	v59 =	vld [tilespmem:$0x1FF80]  }
0x7b: {  	v60 =	vld [tilespmem:$0x1FF90]  }
0x7c: {  	v61 =	vld [tilespmem:$0x1FFA0]  }
0x7d: {  	v62 =	vld [tilespmem:$0x1FFB0]  }
0x7e: {  	v63 =	vld [tilespmem:$0x1FFC0]  }
0x7f: {  	v5 =	vld [tilespmem:$0x1FFD0]  }
0x80: {  	[sflag:s10] =	ssyncset.done $0x0;
	v6 =	vld [tilespmem:$0x1FFE0]  }
0x81: {  	s15 =	simm.s32 $0x0;
	v8 =	vld [tilespmem:$0x1FFF0];
	[sflag:s10] =	ssyncadd.s32 $0xFFFFF9E0  }
.LBB2_2:
0x82: {  	v1 =	vld [tilespmem:s14+$0x0];
	_ =	sdelay $0x4  }
0x83: {  	v1 =	vshll.u32 v1, $0x6;
	_ =	sdelay $0x4  }
0x84: {  	v19 =	vmov v3;
	v3 =	vor.u32 s15, v3;
	v2 =	vld.idx.msk [tilespmem:v1+s2+$0x0], $0xffff;
	_ =	sdelay $0x4  }
0x85: {  	v7 =	vmov v4;
	v4 =	vor.u32 $0x1, v1;
	[tilespmem:v3+s11+$0x0] =	vst.idx.msk $0xffff, v2;
	v3 =	vld [tilespmem:$0x1FC20];
	_ =	sdelay $0x4  }
0x86: {  	v2 =	vld.idx.msk [tilespmem:v4+s2+$0x0], $0xffff;
	v3 =	vor.u32 s15, v3;
	_ =	sdelay $0x4  }
0x87: {  	v4 =	vor.u32 $0x2, v1;
	[tilespmem:v3+s11+$0x0] =	vst.idx.msk $0xffff, v2;
	v3 =	vld [tilespmem:$0x1FC30];
	_ =	sdelay $0x4  }
0x88: {  	v2 =	vld.idx.msk [tilespmem:v4+s2+$0x0], $0xffff;
	v3 =	vor.u32 s15, v3;
	_ =	sdelay $0x4  }
0x89: {  	v4 =	vor.u32 $0x3, v1;
	[tilespmem:v3+s11+$0x0] =	vst.idx.msk $0xffff, v2;
	v3 =	vld [tilespmem:$0x1FC40];
	_ =	sdelay $0x4  }
0x8a: {  	v2 =	vld.idx.msk [tilespmem:v4+s2+$0x0], $0xffff;
	v3 =	vor.u32 s15, v3;
	_ =	sdelay $0x4  }
0x8b: {  	v4 =	vor.u32 $0x4, v1;
	[tilespmem:v3+s11+$0x0] =	vst.idx.msk $0xffff, v2;
	v3 =	vld [tilespmem:$0x1FC50];
	_ =	sdelay $0x4  }
0x8c: {  	v2 =	vld.idx.msk [tilespmem:v4+s2+$0x0], $0xffff;
	v3 =	vor.u32 s15, v3  }
0x8d: {  	v4 =	vor.u32 $0x5, v1;
	_ =	sdelay $0x3  }
0x8e: {  	[tilespmem:v3+s11+$0x0] =	vst.idx.msk $0xffff, v2  }
0x8f: {  	v3 =	vor.u32 s15, v9;
	v2 =	vld.idx.msk [tilespmem:v4+s2+$0x0], $0xffff  }
0x90: {  	v4 =	vor.u32 $0x6, v1;
	_ =	sdelay $0x3  }
0x91: {  	[tilespmem:v3+s11+$0x0] =	vst.idx.msk $0xffff, v2  }
0x92: {  	v3 =	vor.u32 s15, v10;
	v2 =	vld.idx.msk [tilespmem:v4+s2+$0x0], $0xffff  }
0x93: {  	v4 =	vor.u32 $0x7, v1;
	_ =	sdelay $0x3  }
0x94: {  	[tilespmem:v3+s11+$0x0] =	vst.idx.msk $0xffff, v2  }
0x95: {  	v3 =	vor.u32 s15, v11;
	v2 =	vld.idx.msk [tilespmem:v4+s2+$0x0], $0xffff  }
0x96: {  	v4 =	vor.u32 $0x8, v1;
	_ =	sdelay $0x3  }
0x97: {  	[tilespmem:v3+s11+$0x0] =	vst.idx.msk $0xffff, v2  }
0x98: {  	v3 =	vor.u32 s15, v12;
	v2 =	vld.idx.msk [tilespmem:v4+s2+$0x0], $0xffff  }
0x99: {  	v4 =	vor.u32 $0x9, v1;
	_ =	sdelay $0x3  }
0x9a: {  	[tilespmem:v3+s11+$0x0] =	vst.idx.msk $0xffff, v2  }
0x9b: {  	v3 =	vor.u32 s15, v13;
	v2 =	vld.idx.msk [tilespmem:v4+s2+$0x0], $0xffff  }
0x9c: {  	v4 =	vor.u32 $0xA, v1;
	_ =	sdelay $0x3  }
0x9d: {  	[tilespmem:v3+s11+$0x0] =	vst.idx.msk $0xffff, v2  }
0x9e: {  	v3 =	vor.u32 s15, v14;
	v2 =	vld.idx.msk [tilespmem:v4+s2+$0x0], $0xffff  }
0x9f: {  	v4 =	vor.u32 $0xB, v1;
	_ =	sdelay $0x3  }
0xa0: {  	[tilespmem:v3+s11+$0x0] =	vst.idx.msk $0xffff, v2  }
0xa1: {  	v3 =	vor.u32 s15, v15;
	v2 =	vld.idx.msk [tilespmem:v4+s2+$0x0], $0xffff  }
0xa2: {  	v4 =	vor.u32 $0xC, v1;
	_ =	sdelay $0x3  }
0xa3: {  	[tilespmem:v3+s11+$0x0] =	vst.idx.msk $0xffff, v2  }
0xa4: {  	v3 =	vor.u32 s15, v16;
	v2 =	vld.idx.msk [tilespmem:v4+s2+$0x0], $0xffff  }
0xa5: {  	v4 =	vor.u32 $0xD, v1;
	_ =	sdelay $0x3  }
0xa6: {  	[tilespmem:v3+s11+$0x0] =	vst.idx.msk $0xffff, v2  }
0xa7: {  	v3 =	vor.u32 s15, v17;
	v2 =	vld.idx.msk [tilespmem:v4+s2+$0x0], $0xffff  }
0xa8: {  	v4 =	vor.u32 $0xE, v1;
	_ =	sdelay $0x3  }
0xa9: {  	[tilespmem:v3+s11+$0x0] =	vst.idx.msk $0xffff, v2  }
0xaa: {  	v3 =	vor.u32 s15, v18;
	v2 =	vld.idx.msk [tilespmem:v4+s2+$0x0], $0xffff  }
0xab: {  	v4 =	vor.u32 $0xF, v1;
	_ =	sdelay $0x3  }
0xac: {  	[tilespmem:v3+s11+$0x0] =	vst.idx.msk $0xffff, v2  }
0xad: {  	v3 =	vor.u32 s15, v0;
	v2 =	vld.idx.msk [tilespmem:v4+s2+$0x0], $0xffff  }
0xae: {  	v4 =	vor.u32 $0x10, v1;
	_ =	sdelay $0x3  }
0xaf: {  	[tilespmem:v3+s11+$0x0] =	vst.idx.msk $0xffff, v2  }
0xb0: {  	v3 =	vor.u32 s15, v20;
	v2 =	vld.idx.msk [tilespmem:v4+s2+$0x0], $0xffff  }
0xb1: {  	v4 =	vor.u32 $0x11, v1;
	_ =	sdelay $0x3  }
0xb2: {  	[tilespmem:v3+s11+$0x0] =	vst.idx.msk $0xffff, v2  }
0xb3: {  	v3 =	vor.u32 s15, v21;
	v2 =	vld.idx.msk [tilespmem:v4+s2+$0x0], $0xffff  }
0xb4: {  	v4 =	vor.u32 $0x12, v1;
	_ =	sdelay $0x3  }
0xb5: {  	[tilespmem:v3+s11+$0x0] =	vst.idx.msk $0xffff, v2  }
0xb6: {  	v3 =	vor.u32 s15, v22;
	v2 =	vld.idx.msk [tilespmem:v4+s2+$0x0], $0xffff  }
0xb7: {  	v4 =	vor.u32 $0x13, v1;
	_ =	sdelay $0x3  }
0xb8: {  	[tilespmem:v3+s11+$0x0] =	vst.idx.msk $0xffff, v2  }
0xb9: {  	v3 =	vor.u32 s15, v23;
	v2 =	vld.idx.msk [tilespmem:v4+s2+$0x0], $0xffff  }
0xba: {  	v4 =	vor.u32 $0x14, v1;
	_ =	sdelay $0x3  }
0xbb: {  	[tilespmem:v3+s11+$0x0] =	vst.idx.msk $0xffff, v2  }
0xbc: {  	v3 =	vor.u32 s15, v24;
	v2 =	vld.idx.msk [tilespmem:v4+s2+$0x0], $0xffff  }
0xbd: {  	v4 =	vor.u32 $0x15, v1;
	_ =	sdelay $0x3  }
0xbe: {  	[tilespmem:v3+s11+$0x0] =	vst.idx.msk $0xffff, v2  }
0xbf: {  	v3 =	vor.u32 s15, v25;
	v2 =	vld.idx.msk [tilespmem:v4+s2+$0x0], $0xffff  }
0xc0: {  	v4 =	vor.u32 $0x16, v1;
	_ =	sdelay $0x3  }
0xc1: {  	[tilespmem:v3+s11+$0x0] =	vst.idx.msk $0xffff, v2  }
0xc2: {  	v3 =	vor.u32 s15, v26;
	v2 =	vld.idx.msk [tilespmem:v4+s2+$0x0], $0xffff  }
0xc3: {  	v4 =	vor.u32 $0x17, v1;
	_ =	sdelay $0x3  }
0xc4: {  	[tilespmem:v3+s11+$0x0] =	vst.idx.msk $0xffff, v2  }
0xc5: {  	v3 =	vor.u32 s15, v27;
	v2 =	vld.idx.msk [tilespmem:v4+s2+$0x0], $0xffff  }
0xc6: {  	v4 =	vor.u32 $0x18, v1;
	_ =	sdelay $0x3  }
0xc7: {  	[tilespmem:v3+s11+$0x0] =	vst.idx.msk $0xffff, v2  }
0xc8: {  	v3 =	vor.u32 s15, v28;
	v2 =	vld.idx.msk [tilespmem:v4+s2+$0x0], $0xffff  }
0xc9: {  	v4 =	vor.u32 $0x19, v1;
	_ =	sdelay $0x3  }
0xca: {  	[tilespmem:v3+s11+$0x0] =	vst.idx.msk $0xffff, v2  }
0xcb: {  	v3 =	vor.u32 s15, v29;
	v2 =	vld.idx.msk [tilespmem:v4+s2+$0x0], $0xffff  }
0xcc: {  	v4 =	vor.u32 $0x1A, v1;
	_ =	sdelay $0x3  }
0xcd: {  	[tilespmem:v3+s11+$0x0] =	vst.idx.msk $0xffff, v2  }
0xce: {  	v3 =	vor.u32 s15, v30;
	v2 =	vld.idx.msk [tilespmem:v4+s2+$0x0], $0xffff  }
0xcf: {  	v4 =	vor.u32 $0x1B, v1;
	_ =	sdelay $0x3  }
0xd0: {  	[tilespmem:v3+s11+$0x0] =	vst.idx.msk $0xffff, v2  }
0xd1: {  	v3 =	vor.u32 s15, v31;
	v2 =	vld.idx.msk [tilespmem:v4+s2+$0x0], $0xffff  }
0xd2: {  	v4 =	vor.u32 $0x1C, v1;
	_ =	sdelay $0x3  }
0xd3: {  	[tilespmem:v3+s11+$0x0] =	vst.idx.msk $0xffff, v2  }
0xd4: {  	v3 =	vor.u32 s15, v32;
	v2 =	vld.idx.msk [tilespmem:v4+s2+$0x0], $0xffff  }
0xd5: {  	v4 =	vor.u32 $0x1D, v1;
	_ =	sdelay $0x3  }
0xd6: {  	[tilespmem:v3+s11+$0x0] =	vst.idx.msk $0xffff, v2  }
0xd7: {  	v3 =	vor.u32 s15, v33;
	v2 =	vld.idx.msk [tilespmem:v4+s2+$0x0], $0xffff  }
0xd8: {  	v4 =	vor.u32 $0x1E, v1;
	_ =	sdelay $0x3  }
0xd9: {  	[tilespmem:v3+s11+$0x0] =	vst.idx.msk $0xffff, v2  }
0xda: {  	v3 =	vor.u32 s15, v34;
	v2 =	vld.idx.msk [tilespmem:v4+s2+$0x0], $0xffff  }
0xdb: {  	v4 =	vor.u32 $0x1F, v1;
	_ =	sdelay $0x3  }
0xdc: {  	[tilespmem:v3+s11+$0x0] =	vst.idx.msk $0xffff, v2  }
0xdd: {  	v3 =	vor.u32 s15, v35;
	v2 =	vld.idx.msk [tilespmem:v4+s2+$0x0], $0xffff  }
0xde: {  	v4 =	vor.u32 $0x20, v1;
	_ =	sdelay $0x3  }
0xdf: {  	[tilespmem:v3+s11+$0x0] =	vst.idx.msk $0xffff, v2  }
0xe0: {  	v3 =	vor.u32 s15, v36;
	v2 =	vld.idx.msk [tilespmem:v4+s2+$0x0], $0xffff  }
0xe1: {  	v4 =	vor.u32 $0x21, v1;
	_ =	sdelay $0x3  }
0xe2: {  	[tilespmem:v3+s11+$0x0] =	vst.idx.msk $0xffff, v2  }
0xe3: {  	v3 =	vor.u32 s15, v37;
	v2 =	vld.idx.msk [tilespmem:v4+s2+$0x0], $0xffff  }
0xe4: {  	v4 =	vor.u32 $0x22, v1;
	_ =	sdelay $0x3  }
0xe5: {  	[tilespmem:v3+s11+$0x0] =	vst.idx.msk $0xffff, v2  }
0xe6: {  	v3 =	vor.u32 s15, v38;
	v2 =	vld.idx.msk [tilespmem:v4+s2+$0x0], $0xffff  }
0xe7: {  	v4 =	vor.u32 $0x23, v1;
	_ =	sdelay $0x3  }
0xe8: {  	[tilespmem:v3+s11+$0x0] =	vst.idx.msk $0xffff, v2  }
0xe9: {  	v3 =	vor.u32 s15, v39;
	v2 =	vld.idx.msk [tilespmem:v4+s2+$0x0], $0xffff  }
0xea: {  	v4 =	vor.u32 $0x24, v1;
	_ =	sdelay $0x3  }
0xeb: {  	[tilespmem:v3+s11+$0x0] =	vst.idx.msk $0xffff, v2  }
0xec: {  	v3 =	vor.u32 s15, v40;
	v2 =	vld.idx.msk [tilespmem:v4+s2+$0x0], $0xffff  }
0xed: {  	v4 =	vor.u32 $0x25, v1;
	_ =	sdelay $0x3  }
0xee: {  	[tilespmem:v3+s11+$0x0] =	vst.idx.msk $0xffff, v2  }
0xef: {  	v3 =	vor.u32 s15, v41;
	v2 =	vld.idx.msk [tilespmem:v4+s2+$0x0], $0xffff  }
0xf0: {  	v4 =	vor.u32 $0x26, v1;
	_ =	sdelay $0x3  }
0xf1: {  	[tilespmem:v3+s11+$0x0] =	vst.idx.msk $0xffff, v2  }
0xf2: {  	v3 =	vor.u32 s15, v42;
	v2 =	vld.idx.msk [tilespmem:v4+s2+$0x0], $0xffff  }
0xf3: {  	v4 =	vor.u32 $0x27, v1;
	_ =	sdelay $0x3  }
0xf4: {  	[tilespmem:v3+s11+$0x0] =	vst.idx.msk $0xffff, v2  }
0xf5: {  	v3 =	vor.u32 s15, v43;
	v2 =	vld.idx.msk [tilespmem:v4+s2+$0x0], $0xffff  }
0xf6: {  	v4 =	vor.u32 $0x28, v1;
	_ =	sdelay $0x3  }
0xf7: {  	[tilespmem:v3+s11+$0x0] =	vst.idx.msk $0xffff, v2  }
0xf8: {  	v3 =	vor.u32 s15, v44;
	v2 =	vld.idx.msk [tilespmem:v4+s2+$0x0], $0xffff  }
0xf9: {  	v4 =	vor.u32 $0x29, v1;
	_ =	sdelay $0x3  }
0xfa: {  	[tilespmem:v3+s11+$0x0] =	vst.idx.msk $0xffff, v2  }
0xfb: {  	v3 =	vor.u32 s15, v45;
	v2 =	vld.idx.msk [tilespmem:v4+s2+$0x0], $0xffff  }
0xfc: {  	v4 =	vor.u32 $0x2A, v1;
	_ =	sdelay $0x3  }
0xfd: {  	[tilespmem:v3+s11+$0x0] =	vst.idx.msk $0xffff, v2  }
0xfe: {  	v3 =	vor.u32 s15, v46;
	v2 =	vld.idx.msk [tilespmem:v4+s2+$0x0], $0xffff  }
0xff: {  	v4 =	vor.u32 $0x2B, v1;
	_ =	sdelay $0x3  }
0x100: {  	[tilespmem:v3+s11+$0x0] =	vst.idx.msk $0xffff, v2  }
0x101: {  	v3 =	vor.u32 s15, v47;
	v2 =	vld.idx.msk [tilespmem:v4+s2+$0x0], $0xffff  }
0x102: {  	v4 =	vor.u32 $0x2C, v1;
	_ =	sdelay $0x3  }
0x103: {  	[tilespmem:v3+s11+$0x0] =	vst.idx.msk $0xffff, v2  }
0x104: {  	v3 =	vor.u32 s15, v48;
	v2 =	vld.idx.msk [tilespmem:v4+s2+$0x0], $0xffff  }
0x105: {  	v4 =	vor.u32 $0x2D, v1;
	_ =	sdelay $0x3  }
0x106: {  	[tilespmem:v3+s11+$0x0] =	vst.idx.msk $0xffff, v2  }
0x107: {  	v3 =	vor.u32 s15, v49;
	v2 =	vld.idx.msk [tilespmem:v4+s2+$0x0], $0xffff  }
0x108: {  	v4 =	vor.u32 $0x2E, v1;
	_ =	sdelay $0x3  }
0x109: {  	[tilespmem:v3+s11+$0x0] =	vst.idx.msk $0xffff, v2  }
0x10a: {  	v3 =	vor.u32 s15, v50;
	v2 =	vld.idx.msk [tilespmem:v4+s2+$0x0], $0xffff  }
0x10b: {  	v4 =	vor.u32 $0x2F, v1;
	_ =	sdelay $0x3  }
0x10c: {  	[tilespmem:v3+s11+$0x0] =	vst.idx.msk $0xffff, v2  }
0x10d: {  	v3 =	vor.u32 s15, v51;
	v2 =	vld.idx.msk [tilespmem:v4+s2+$0x0], $0xffff  }
0x10e: {  	v4 =	vor.u32 $0x30, v1;
	_ =	sdelay $0x3  }
0x10f: {  	[tilespmem:v3+s11+$0x0] =	vst.idx.msk $0xffff, v2  }
0x110: {  	v3 =	vor.u32 s15, v52;
	v2 =	vld.idx.msk [tilespmem:v4+s2+$0x0], $0xffff  }
0x111: {  	v4 =	vor.u32 $0x31, v1;
	_ =	sdelay $0x3  }
0x112: {  	[tilespmem:v3+s11+$0x0] =	vst.idx.msk $0xffff, v2  }
0x113: {  	v3 =	vor.u32 s15, v53;
	v2 =	vld.idx.msk [tilespmem:v4+s2+$0x0], $0xffff  }
0x114: {  	v4 =	vor.u32 $0x32, v1;
	_ =	sdelay $0x3  }
0x115: {  	[tilespmem:v3+s11+$0x0] =	vst.idx.msk $0xffff, v2  }
0x116: {  	v3 =	vor.u32 s15, v54;
	v2 =	vld.idx.msk [tilespmem:v4+s2+$0x0], $0xffff  }
0x117: {  	v4 =	vor.u32 $0x33, v1;
	_ =	sdelay $0x3  }
0x118: {  	[tilespmem:v3+s11+$0x0] =	vst.idx.msk $0xffff, v2  }
0x119: {  	v3 =	vor.u32 s15, v55;
	v2 =	vld.idx.msk [tilespmem:v4+s2+$0x0], $0xffff  }
0x11a: {  	v4 =	vor.u32 $0x34, v1;
	_ =	sdelay $0x3  }
0x11b: {  	[tilespmem:v3+s11+$0x0] =	vst.idx.msk $0xffff, v2  }
0x11c: {  	v3 =	vor.u32 s15, v56;
	v2 =	vld.idx.msk [tilespmem:v4+s2+$0x0], $0xffff  }
0x11d: {  	v4 =	vor.u32 $0x35, v1;
	_ =	sdelay $0x3  }
0x11e: {  	[tilespmem:v3+s11+$0x0] =	vst.idx.msk $0xffff, v2  }
0x11f: {  	v3 =	vor.u32 s15, v57;
	v2 =	vld.idx.msk [tilespmem:v4+s2+$0x0], $0xffff  }
0x120: {  	v4 =	vor.u32 $0x36, v1;
	_ =	sdelay $0x3  }
0x121: {  	[tilespmem:v3+s11+$0x0] =	vst.idx.msk $0xffff, v2  }
0x122: {  	v3 =	vor.u32 s15, v58;
	v2 =	vld.idx.msk [tilespmem:v4+s2+$0x0], $0xffff  }
0x123: {  	v4 =	vor.u32 $0x37, v1;
	_ =	sdelay $0x3  }
0x124: {  	[tilespmem:v3+s11+$0x0] =	vst.idx.msk $0xffff, v2  }
0x125: {  	v3 =	vor.u32 s15, v59;
	v2 =	vld.idx.msk [tilespmem:v4+s2+$0x0], $0xffff  }
0x126: {  	v4 =	vor.u32 $0x38, v1;
	_ =	sdelay $0x3  }
0x127: {  	[tilespmem:v3+s11+$0x0] =	vst.idx.msk $0xffff, v2  }
0x128: {  	v3 =	vor.u32 s15, v60;
	v2 =	vld.idx.msk [tilespmem:v4+s2+$0x0], $0xffff  }
0x129: {  	v4 =	vor.u32 $0x39, v1;
	_ =	sdelay $0x3  }
0x12a: {  	[tilespmem:v3+s11+$0x0] =	vst.idx.msk $0xffff, v2  }
0x12b: {  	v3 =	vor.u32 s15, v61;
	v2 =	vld.idx.msk [tilespmem:v4+s2+$0x0], $0xffff  }
0x12c: {  	v4 =	vor.u32 $0x3A, v1;
	_ =	sdelay $0x3  }
0x12d: {  	[tilespmem:v3+s11+$0x0] =	vst.idx.msk $0xffff, v2  }
0x12e: {  	v3 =	vor.u32 s15, v62;
	v2 =	vld.idx.msk [tilespmem:v4+s2+$0x0], $0xffff  }
0x12f: {  	v4 =	vor.u32 $0x3B, v1;
	_ =	sdelay $0x3  }
0x130: {  	[tilespmem:v3+s11+$0x0] =	vst.idx.msk $0xffff, v2  }
0x131: {  	v3 =	vor.u32 s15, v63;
	v2 =	vld.idx.msk [tilespmem:v4+s2+$0x0], $0xffff  }
0x132: {  	v4 =	vor.u32 $0x3C, v1;
	_ =	sdelay $0x3  }
0x133: {  	[tilespmem:v3+s11+$0x0] =	vst.idx.msk $0xffff, v2  }
0x134: {  	v3 =	vor.u32 s15, v5;
	v2 =	vld.idx.msk [tilespmem:v4+s2+$0x0], $0xffff  }
0x135: {  	v4 =	vor.u32 $0x3D, v1;
	_ =	sdelay $0x3  }
0x136: {  	[tilespmem:v3+s11+$0x0] =	vst.idx.msk $0xffff, v2  }
0x137: {  	v3 =	vor.u32 s15, v6;
	v2 =	vld.idx.msk [tilespmem:v4+s2+$0x0], $0xffff  }
0x138: {  	v4 =	vor.u32 $0x3E, v1;
	_ =	sdelay $0x3  }
0x139: {  	[tilespmem:v3+s11+$0x0] =	vst.idx.msk $0xffff, v2  }
0x13a: {  	v3 =	vor.u32 s15, v7;
	v2 =	vld.idx.msk [tilespmem:v4+s2+$0x0], $0xffff  }
0x13b: {  	v1 =	vor.u32 $0x3F, v1;
	_ =	sdelay $0x3  }
0x13c: {  	[tilespmem:v3+s11+$0x0] =	vst.idx.msk $0xffff, v2  }
0x13d: {  	p0 =	sne.s32 s15, $0x6C00;
	v2 =	vor.u32 s15, v8;
	v1 =	vld.idx.msk [tilespmem:v1+s2+$0x0], $0xffff  }
.Ltmp0:
0x13e: {  	_ = 	snop;
	(pc) =	sbr.rel @p0 .LBB2_2-.Ltmp0, $2  }
0x13f: {  	_ =	sdelay $0x2  }
0x140: {  	s14 =	sadd.s32 $0x10, s14;
	v4 =	vmov v7;
	v3 =	vmov v19;
	s15 =	sadd.s32 $0x400, s15;
	[tilespmem:v2+s11+$0x0] =	vst.idx.msk $0xffff, v1  }
0x141: {  	[hbm4b:s5+s2] =	stream.linear.scatter [tilespmem:s11], [sflag:$0x1], $0x7000, $0x38;
	[tilespmem:$0x1E620] =	vst v63  }
0x142: {  	_ =	swait.ge [sflag:s10], $0x7000  }
0x143: {  	[sflag:s10] =	ssyncset.done $0x0  }
0x144: {  	s14 =	simm.s32 $0x7000;
	s15 =	simm.s32 $0x101C0;
	[sflag:s10] =	ssyncadd.s32 $0xFFFF9000  }
.LBB2_4:
0x145: {  	v1 =	vld [tilespmem:s15+$0x0];
	_ =	sdelay $0x4  }
0x146: {  	v1 =	vshll.u32 v1, $0x6;
	_ =	sdelay $0x4  }
0x147: {  	v3 =	vor.u32 s14, v19;
	v2 =	vld.idx.msk [tilespmem:v1+s2+$0x0], $0xffff;
	_ =	sdelay $0x4  }
0x148: {  	v4 =	vor.u32 $0x1, v1;
	[tilespmem:v3+s11+$0x0] =	vst.idx.msk $0xffff, v2;
	v3 =	vld [tilespmem:$0x1FC20];
	_ =	sdelay $0x4  }
0x149: {  	v2 =	vld.idx.msk [tilespmem:v4+s2+$0x0], $0xffff;
	v3 =	vor.u32 s14, v3;
	_ =	sdelay $0x4  }
0x14a: {  	v4 =	vor.u32 $0x2, v1;
	[tilespmem:v3+s11+$0x0] =	vst.idx.msk $0xffff, v2;
	v3 =	vld [tilespmem:$0x1FC30];
	_ =	sdelay $0x4  }
0x14b: {  	v2 =	vld.idx.msk [tilespmem:v4+s2+$0x0], $0xffff;
	v3 =	vor.u32 s14, v3;
	_ =	sdelay $0x4  }
0x14c: {  	v4 =	vor.u32 $0x3, v1;
	[tilespmem:v3+s11+$0x0] =	vst.idx.msk $0xffff, v2;
	v3 =	vld [tilespmem:$0x1FC40];
	_ =	sdelay $0x4  }
0x14d: {  	v2 =	vld.idx.msk [tilespmem:v4+s2+$0x0], $0xffff;
	v3 =	vor.u32 s14, v3;
	_ =	sdelay $0x4  }
0x14e: {  	v4 =	vor.u32 $0x4, v1;
	[tilespmem:v3+s11+$0x0] =	vst.idx.msk $0xffff, v2;
	v3 =	vld [tilespmem:$0x1FC50];
	_ =	sdelay $0x4  }
0x14f: {  	v2 =	vld.idx.msk [tilespmem:v4+s2+$0x0], $0xffff;
	v3 =	vor.u32 s14, v3  }
0x150: {  	v4 =	vor.u32 $0x5, v1;
	_ =	sdelay $0x3  }
0x151: {  	[tilespmem:v3+s11+$0x0] =	vst.idx.msk $0xffff, v2  }
0x152: {  	v3 =	vor.u32 s14, v9;
	v2 =	vld.idx.msk [tilespmem:v4+s2+$0x0], $0xffff  }
0x153: {  	v4 =	vor.u32 $0x6, v1;
	_ =	sdelay $0x3  }
0x154: {  	[tilespmem:v3+s11+$0x0] =	vst.idx.msk $0xffff, v2  }
0x155: {  	v3 =	vor.u32 s14, v10;
	v2 =	vld.idx.msk [tilespmem:v4+s2+$0x0], $0xffff  }
0x156: {  	v4 =	vor.u32 $0x7, v1;
	_ =	sdelay $0x3  }
0x157: {  	[tilespmem:v3+s11+$0x0] =	vst.idx.msk $0xffff, v2  }
0x158: {  	v3 =	vor.u32 s14, v11;
	v2 =	vld.idx.msk [tilespmem:v4+s2+$0x0], $0xffff  }
0x159: {  	v4 =	vor.u32 $0x8, v1;
	_ =	sdelay $0x3  }
0x15a: {  	[tilespmem:v3+s11+$0x0] =	vst.idx.msk $0xffff, v2  }
0x15b: {  	v3 =	vor.u32 s14, v12;
	v2 =	vld.idx.msk [tilespmem:v4+s2+$0x0], $0xffff  }
0x15c: {  	v4 =	vor.u32 $0x9, v1;
	_ =	sdelay $0x3  }
0x15d: {  	[tilespmem:v3+s11+$0x0] =	vst.idx.msk $0xffff, v2  }
0x15e: {  	v3 =	vor.u32 s14, v13;
	v2 =	vld.idx.msk [tilespmem:v4+s2+$0x0], $0xffff  }
0x15f: {  	v4 =	vor.u32 $0xA, v1;
	_ =	sdelay $0x3  }
0x160: {  	[tilespmem:v3+s11+$0x0] =	vst.idx.msk $0xffff, v2  }
0x161: {  	v3 =	vor.u32 s14, v14;
	v2 =	vld.idx.msk [tilespmem:v4+s2+$0x0], $0xffff  }
0x162: {  	v4 =	vor.u32 $0xB, v1;
	_ =	sdelay $0x3  }
0x163: {  	[tilespmem:v3+s11+$0x0] =	vst.idx.msk $0xffff, v2  }
0x164: {  	v3 =	vor.u32 s14, v15;
	v2 =	vld.idx.msk [tilespmem:v4+s2+$0x0], $0xffff  }
0x165: {  	v4 =	vor.u32 $0xC, v1;
	_ =	sdelay $0x3  }
0x166: {  	[tilespmem:v3+s11+$0x0] =	vst.idx.msk $0xffff, v2  }
0x167: {  	v3 =	vor.u32 s14, v16;
	v2 =	vld.idx.msk [tilespmem:v4+s2+$0x0], $0xffff  }
0x168: {  	v4 =	vor.u32 $0xD, v1;
	_ =	sdelay $0x3  }
0x169: {  	[tilespmem:v3+s11+$0x0] =	vst.idx.msk $0xffff, v2  }
0x16a: {  	v3 =	vor.u32 s14, v17;
	v2 =	vld.idx.msk [tilespmem:v4+s2+$0x0], $0xffff  }
0x16b: {  	v4 =	vor.u32 $0xE, v1;
	_ =	sdelay $0x3  }
0x16c: {  	[tilespmem:v3+s11+$0x0] =	vst.idx.msk $0xffff, v2  }
0x16d: {  	v3 =	vor.u32 s14, v18;
	v2 =	vld.idx.msk [tilespmem:v4+s2+$0x0], $0xffff  }
0x16e: {  	v4 =	vor.u32 $0xF, v1;
	_ =	sdelay $0x3  }
0x16f: {  	[tilespmem:v3+s11+$0x0] =	vst.idx.msk $0xffff, v2  }
0x170: {  	v3 =	vor.u32 s14, v0;
	v2 =	vld.idx.msk [tilespmem:v4+s2+$0x0], $0xffff  }
0x171: {  	v4 =	vor.u32 $0x10, v1;
	_ =	sdelay $0x3  }
0x172: {  	[tilespmem:v3+s11+$0x0] =	vst.idx.msk $0xffff, v2  }
0x173: {  	v3 =	vor.u32 s14, v20;
	v2 =	vld.idx.msk [tilespmem:v4+s2+$0x0], $0xffff  }
0x174: {  	v4 =	vor.u32 $0x11, v1;
	_ =	sdelay $0x3  }
0x175: {  	[tilespmem:v3+s11+$0x0] =	vst.idx.msk $0xffff, v2  }
0x176: {  	v3 =	vor.u32 s14, v21;
	v2 =	vld.idx.msk [tilespmem:v4+s2+$0x0], $0xffff  }
0x177: {  	v4 =	vor.u32 $0x12, v1;
	_ =	sdelay $0x3  }
0x178: {  	[tilespmem:v3+s11+$0x0] =	vst.idx.msk $0xffff, v2  }
0x179: {  	v3 =	vor.u32 s14, v22;
	v2 =	vld.idx.msk [tilespmem:v4+s2+$0x0], $0xffff  }
0x17a: {  	v4 =	vor.u32 $0x13, v1;
	_ =	sdelay $0x3  }
0x17b: {  	[tilespmem:v3+s11+$0x0] =	vst.idx.msk $0xffff, v2  }
0x17c: {  	v3 =	vor.u32 s14, v23;
	v2 =	vld.idx.msk [tilespmem:v4+s2+$0x0], $0xffff  }
0x17d: {  	v4 =	vor.u32 $0x14, v1;
	_ =	sdelay $0x3  }
0x17e: {  	[tilespmem:v3+s11+$0x0] =	vst.idx.msk $0xffff, v2  }
0x17f: {  	v3 =	vor.u32 s14, v24;
	v2 =	vld.idx.msk [tilespmem:v4+s2+$0x0], $0xffff  }
0x180: {  	v4 =	vor.u32 $0x15, v1;
	_ =	sdelay $0x3  }
0x181: {  	[tilespmem:v3+s11+$0x0] =	vst.idx.msk $0xffff, v2  }
0x182: {  	v3 =	vor.u32 s14, v25;
	v2 =	vld.idx.msk [tilespmem:v4+s2+$0x0], $0xffff  }
0x183: {  	v4 =	vor.u32 $0x16, v1;
	_ =	sdelay $0x3  }
0x184: {  	[tilespmem:v3+s11+$0x0] =	vst.idx.msk $0xffff, v2  }
0x185: {  	v3 =	vor.u32 s14, v26;
	v2 =	vld.idx.msk [tilespmem:v4+s2+$0x0], $0xffff  }
0x186: {  	v4 =	vor.u32 $0x17, v1;
	_ =	sdelay $0x3  }
0x187: {  	[tilespmem:v3+s11+$0x0] =	vst.idx.msk $0xffff, v2  }
0x188: {  	v3 =	vor.u32 s14, v27;
	v2 =	vld.idx.msk [tilespmem:v4+s2+$0x0], $0xffff  }
0x189: {  	v4 =	vor.u32 $0x18, v1;
	_ =	sdelay $0x3  }
0x18a: {  	[tilespmem:v3+s11+$0x0] =	vst.idx.msk $0xffff, v2  }
0x18b: {  	v3 =	vor.u32 s14, v28;
	v2 =	vld.idx.msk [tilespmem:v4+s2+$0x0], $0xffff  }
0x18c: {  	v4 =	vor.u32 $0x19, v1;
	_ =	sdelay $0x3  }
0x18d: {  	[tilespmem:v3+s11+$0x0] =	vst.idx.msk $0xffff, v2  }
0x18e: {  	v3 =	vor.u32 s14, v29;
	v2 =	vld.idx.msk [tilespmem:v4+s2+$0x0], $0xffff  }
0x18f: {  	v4 =	vor.u32 $0x1A, v1;
	_ =	sdelay $0x3  }
0x190: {  	[tilespmem:v3+s11+$0x0] =	vst.idx.msk $0xffff, v2  }
0x191: {  	v3 =	vor.u32 s14, v30;
	v2 =	vld.idx.msk [tilespmem:v4+s2+$0x0], $0xffff  }
0x192: {  	v4 =	vor.u32 $0x1B, v1;
	_ =	sdelay $0x3  }
0x193: {  	[tilespmem:v3+s11+$0x0] =	vst.idx.msk $0xffff, v2  }
0x194: {  	v3 =	vor.u32 s14, v31;
	v2 =	vld.idx.msk [tilespmem:v4+s2+$0x0], $0xffff  }
0x195: {  	v4 =	vor.u32 $0x1C, v1;
	_ =	sdelay $0x3  }
0x196: {  	[tilespmem:v3+s11+$0x0] =	vst.idx.msk $0xffff, v2  }
0x197: {  	v3 =	vor.u32 s14, v32;
	v2 =	vld.idx.msk [tilespmem:v4+s2+$0x0], $0xffff  }
0x198: {  	v4 =	vor.u32 $0x1D, v1;
	_ =	sdelay $0x3  }
0x199: {  	[tilespmem:v3+s11+$0x0] =	vst.idx.msk $0xffff, v2  }
0x19a: {  	v3 =	vor.u32 s14, v33;
	v2 =	vld.idx.msk [tilespmem:v4+s2+$0x0], $0xffff  }
0x19b: {  	v4 =	vor.u32 $0x1E, v1;
	_ =	sdelay $0x3  }
0x19c: {  	[tilespmem:v3+s11+$0x0] =	vst.idx.msk $0xffff, v2  }
0x19d: {  	v3 =	vor.u32 s14, v34;
	v2 =	vld.idx.msk [tilespmem:v4+s2+$0x0], $0xffff  }
0x19e: {  	v4 =	vor.u32 $0x1F, v1;
	_ =	sdelay $0x3  }
0x19f: {  	[tilespmem:v3+s11+$0x0] =	vst.idx.msk $0xffff, v2  }
0x1a0: {  	v3 =	vor.u32 s14, v35;
	v2 =	vld.idx.msk [tilespmem:v4+s2+$0x0], $0xffff  }
0x1a1: {  	v4 =	vor.u32 $0x20, v1;
	_ =	sdelay $0x3  }
0x1a2: {  	[tilespmem:v3+s11+$0x0] =	vst.idx.msk $0xffff, v2  }
0x1a3: {  	v3 =	vor.u32 s14, v36;
	v2 =	vld.idx.msk [tilespmem:v4+s2+$0x0], $0xffff  }
0x1a4: {  	v4 =	vor.u32 $0x21, v1;
	_ =	sdelay $0x3  }
0x1a5: {  	[tilespmem:v3+s11+$0x0] =	vst.idx.msk $0xffff, v2  }
0x1a6: {  	v3 =	vor.u32 s14, v37;
	v2 =	vld.idx.msk [tilespmem:v4+s2+$0x0], $0xffff  }
0x1a7: {  	v4 =	vor.u32 $0x22, v1;
	_ =	sdelay $0x3  }
0x1a8: {  	[tilespmem:v3+s11+$0x0] =	vst.idx.msk $0xffff, v2  }
0x1a9: {  	v3 =	vor.u32 s14, v38;
	v2 =	vld.idx.msk [tilespmem:v4+s2+$0x0], $0xffff  }
0x1aa: {  	v4 =	vor.u32 $0x23, v1;
	_ =	sdelay $0x3  }
0x1ab: {  	[tilespmem:v3+s11+$0x0] =	vst.idx.msk $0xffff, v2  }
0x1ac: {  	v3 =	vor.u32 s14, v39;
	v2 =	vld.idx.msk [tilespmem:v4+s2+$0x0], $0xffff  }
0x1ad: {  	v4 =	vor.u32 $0x24, v1;
	_ =	sdelay $0x3  }
0x1ae: {  	[tilespmem:v3+s11+$0x0] =	vst.idx.msk $0xffff, v2  }
0x1af: {  	v3 =	vor.u32 s14, v40;
	v2 =	vld.idx.msk [tilespmem:v4+s2+$0x0], $0xffff  }
0x1b0: {  	v4 =	vor.u32 $0x25, v1;
	_ =	sdelay $0x3  }
0x1b1: {  	[tilespmem:v3+s11+$0x0] =	vst.idx.msk $0xffff, v2  }
0x1b2: {  	v3 =	vor.u32 s14, v41;
	v2 =	vld.idx.msk [tilespmem:v4+s2+$0x0], $0xffff  }
0x1b3: {  	v4 =	vor.u32 $0x26, v1;
	_ =	sdelay $0x3  }
0x1b4: {  	[tilespmem:v3+s11+$0x0] =	vst.idx.msk $0xffff, v2  }
0x1b5: {  	v3 =	vor.u32 s14, v42;
	v2 =	vld.idx.msk [tilespmem:v4+s2+$0x0], $0xffff  }
0x1b6: {  	v4 =	vor.u32 $0x27, v1;
	_ =	sdelay $0x3  }
0x1b7: {  	[tilespmem:v3+s11+$0x0] =	vst.idx.msk $0xffff, v2  }
0x1b8: {  	v3 =	vor.u32 s14, v43;
	v2 =	vld.idx.msk [tilespmem:v4+s2+$0x0], $0xffff  }
0x1b9: {  	v4 =	vor.u32 $0x28, v1;
	_ =	sdelay $0x3  }
0x1ba: {  	[tilespmem:v3+s11+$0x0] =	vst.idx.msk $0xffff, v2  }
0x1bb: {  	v3 =	vor.u32 s14, v44;
	v2 =	vld.idx.msk [tilespmem:v4+s2+$0x0], $0xffff  }
0x1bc: {  	v4 =	vor.u32 $0x29, v1;
	_ =	sdelay $0x3  }
0x1bd: {  	[tilespmem:v3+s11+$0x0] =	vst.idx.msk $0xffff, v2  }
0x1be: {  	v3 =	vor.u32 s14, v45;
	v2 =	vld.idx.msk [tilespmem:v4+s2+$0x0], $0xffff  }
0x1bf: {  	v4 =	vor.u32 $0x2A, v1;
	_ =	sdelay $0x3  }
0x1c0: {  	[tilespmem:v3+s11+$0x0] =	vst.idx.msk $0xffff, v2  }
0x1c1: {  	v3 =	vor.u32 s14, v46;
	v2 =	vld.idx.msk [tilespmem:v4+s2+$0x0], $0xffff  }
0x1c2: {  	v4 =	vor.u32 $0x2B, v1;
	_ =	sdelay $0x3  }
0x1c3: {  	[tilespmem:v3+s11+$0x0] =	vst.idx.msk $0xffff, v2  }
0x1c4: {  	v3 =	vor.u32 s14, v47;
	v2 =	vld.idx.msk [tilespmem:v4+s2+$0x0], $0xffff  }
0x1c5: {  	v4 =	vor.u32 $0x2C, v1;
	_ =	sdelay $0x3  }
0x1c6: {  	[tilespmem:v3+s11+$0x0] =	vst.idx.msk $0xffff, v2  }
0x1c7: {  	v3 =	vor.u32 s14, v48;
	v2 =	vld.idx.msk [tilespmem:v4+s2+$0x0], $0xffff  }
0x1c8: {  	v4 =	vor.u32 $0x2D, v1;
	_ =	sdelay $0x3  }
0x1c9: {  	[tilespmem:v3+s11+$0x0] =	vst.idx.msk $0xffff, v2  }
0x1ca: {  	v3 =	vor.u32 s14, v49;
	v2 =	vld.idx.msk [tilespmem:v4+s2+$0x0], $0xffff  }
0x1cb: {  	v4 =	vor.u32 $0x2E, v1;
	_ =	sdelay $0x3  }
0x1cc: {  	[tilespmem:v3+s11+$0x0] =	vst.idx.msk $0xffff, v2  }
0x1cd: {  	v3 =	vor.u32 s14, v50;
	v2 =	vld.idx.msk [tilespmem:v4+s2+$0x0], $0xffff  }
0x1ce: {  	v4 =	vor.u32 $0x2F, v1;
	_ =	sdelay $0x3  }
0x1cf: {  	[tilespmem:v3+s11+$0x0] =	vst.idx.msk $0xffff, v2  }
0x1d0: {  	v3 =	vor.u32 s14, v51;
	v2 =	vld.idx.msk [tilespmem:v4+s2+$0x0], $0xffff  }
0x1d1: {  	v4 =	vor.u32 $0x30, v1;
	_ =	sdelay $0x3  }
0x1d2: {  	[tilespmem:v3+s11+$0x0] =	vst.idx.msk $0xffff, v2  }
0x1d3: {  	v3 =	vor.u32 s14, v52;
	v2 =	vld.idx.msk [tilespmem:v4+s2+$0x0], $0xffff  }
0x1d4: {  	v4 =	vor.u32 $0x31, v1;
	_ =	sdelay $0x3  }
0x1d5: {  	[tilespmem:v3+s11+$0x0] =	vst.idx.msk $0xffff, v2  }
0x1d6: {  	v3 =	vor.u32 s14, v53;
	v2 =	vld.idx.msk [tilespmem:v4+s2+$0x0], $0xffff  }
0x1d7: {  	v4 =	vor.u32 $0x32, v1;
	_ =	sdelay $0x3  }
0x1d8: {  	[tilespmem:v3+s11+$0x0] =	vst.idx.msk $0xffff, v2  }
0x1d9: {  	v3 =	vor.u32 s14, v54;
	v2 =	vld.idx.msk [tilespmem:v4+s2+$0x0], $0xffff  }
0x1da: {  	v4 =	vor.u32 $0x33, v1;
	_ =	sdelay $0x3  }
0x1db: {  	[tilespmem:v3+s11+$0x0] =	vst.idx.msk $0xffff, v2  }
0x1dc: {  	v3 =	vor.u32 s14, v55;
	v2 =	vld.idx.msk [tilespmem:v4+s2+$0x0], $0xffff  }
0x1dd: {  	v4 =	vor.u32 $0x34, v1;
	_ =	sdelay $0x3  }
0x1de: {  	[tilespmem:v3+s11+$0x0] =	vst.idx.msk $0xffff, v2  }
0x1df: {  	v3 =	vor.u32 s14, v56;
	v2 =	vld.idx.msk [tilespmem:v4+s2+$0x0], $0xffff  }
0x1e0: {  	v4 =	vor.u32 $0x35, v1;
	_ =	sdelay $0x3  }
0x1e1: {  	[tilespmem:v3+s11+$0x0] =	vst.idx.msk $0xffff, v2  }
0x1e2: {  	v3 =	vor.u32 s14, v57;
	v2 =	vld.idx.msk [tilespmem:v4+s2+$0x0], $0xffff  }
0x1e3: {  	v4 =	vor.u32 $0x36, v1;
	_ =	sdelay $0x3  }
0x1e4: {  	[tilespmem:v3+s11+$0x0] =	vst.idx.msk $0xffff, v2  }
0x1e5: {  	v3 =	vor.u32 s14, v58;
	v2 =	vld.idx.msk [tilespmem:v4+s2+$0x0], $0xffff  }
0x1e6: {  	v4 =	vor.u32 $0x37, v1;
	_ =	sdelay $0x3  }
0x1e7: {  	[tilespmem:v3+s11+$0x0] =	vst.idx.msk $0xffff, v2  }
0x1e8: {  	v3 =	vor.u32 s14, v59;
	v2 =	vld.idx.msk [tilespmem:v4+s2+$0x0], $0xffff  }
0x1e9: {  	v4 =	vor.u32 $0x38, v1;
	_ =	sdelay $0x3  }
0x1ea: {  	[tilespmem:v3+s11+$0x0] =	vst.idx.msk $0xffff, v2  }
0x1eb: {  	v3 =	vor.u32 s14, v60;
	v2 =	vld.idx.msk [tilespmem:v4+s2+$0x0], $0xffff  }
0x1ec: {  	v4 =	vor.u32 $0x39, v1;
	_ =	sdelay $0x3  }
0x1ed: {  	[tilespmem:v3+s11+$0x0] =	vst.idx.msk $0xffff, v2  }
0x1ee: {  	v3 =	vor.u32 s14, v61;
	v2 =	vld.idx.msk [tilespmem:v4+s2+$0x0], $0xffff  }
0x1ef: {  	v4 =	vor.u32 $0x3A, v1;
	_ =	sdelay $0x3  }
0x1f0: {  	[tilespmem:v3+s11+$0x0] =	vst.idx.msk $0xffff, v2  }
0x1f1: {  	v3 =	vor.u32 s14, v62;
	v2 =	vld.idx.msk [tilespmem:v4+s2+$0x0], $0xffff  }
0x1f2: {  	v4 =	vor.u32 $0x3B, v1;
	_ =	sdelay $0x3  }
0x1f3: {  	[tilespmem:v3+s11+$0x0] =	vst.idx.msk $0xffff, v2  }
0x1f4: {  	v3 =	vor.u32 s14, v63;
	v2 =	vld.idx.msk [tilespmem:v4+s2+$0x0], $0xffff  }
0x1f5: {  	v4 =	vor.u32 $0x3C, v1;
	_ =	sdelay $0x3  }
0x1f6: {  	[tilespmem:v3+s11+$0x0] =	vst.idx.msk $0xffff, v2  }
0x1f7: {  	v3 =	vor.u32 s14, v5;
	v2 =	vld.idx.msk [tilespmem:v4+s2+$0x0], $0xffff  }
0x1f8: {  	v4 =	vor.u32 $0x3D, v1;
	_ =	sdelay $0x3  }
0x1f9: {  	[tilespmem:v3+s11+$0x0] =	vst.idx.msk $0xffff, v2  }
0x1fa: {  	v3 =	vor.u32 s14, v6;
	v2 =	vld.idx.msk [tilespmem:v4+s2+$0x0], $0xffff  }
0x1fb: {  	v4 =	vor.u32 $0x3E, v1;
	_ =	sdelay $0x3  }
0x1fc: {  	[tilespmem:v3+s11+$0x0] =	vst.idx.msk $0xffff, v2  }
0x1fd: {  	v3 =	vor.u32 s14, v7;
	v2 =	vld.idx.msk [tilespmem:v4+s2+$0x0], $0xffff  }
0x1fe: {  	v1 =	vor.u32 $0x3F, v1;
	_ =	sdelay $0x3  }
0x1ff: {  	[tilespmem:v3+s11+$0x0] =	vst.idx.msk $0xffff, v2  }
0x200: {  	p0 =	sne.s32 s14, $0xDC00;
	v2 =	vor.u32 s14, v8;
	v1 =	vld.idx.msk [tilespmem:v1+s2+$0x0], $0xffff  }
.Ltmp1:
0x201: {  	_ = 	snop;
	(pc) =	sbr.rel @p0 .LBB2_4-.Ltmp1, $2  }
0x202: {  	_ =	sdelay $0x2  }
0x203: {  	s15 =	sadd.s32 $0x10, s15;
	s14 =	sadd.s32 $0x400, s14;
	[tilespmem:v2+s11+$0x0] =	vst.idx.msk $0xffff, v1  }
0x204: {  	s14 =	simm.s32 $0x0  }
0x205: {  	[hbm4b:s6+s14] =	stream.linear.scatter [tilespmem:s12], [sflag:$0x1], $0x7000, $0x38;
	[tilespmem:$0x1E620] =	vst v63  }
0x206: {  	_ =	swait.ge [sflag:s10], $0x7000  }
0x207: {  	[sflag:s10] =	ssyncset.done $0x0  }
0x208: {  	s15 =	simm.s32 $0x10380;
	[sflag:s10] =	ssyncadd.s32 $0xFFFF9000  }
.LBB2_6:
0x209: {  	v1 =	vld [tilespmem:s15+$0x0];
	_ =	sdelay $0x4  }
0x20a: {  	v1 =	vshll.u32 v1, $0x6;
	_ =	sdelay $0x4  }
0x20b: {  	v3 =	vor.u32 s14, v19;
	v2 =	vld.idx.msk [tilespmem:v1+s2+$0x0], $0xffff;
	_ =	sdelay $0x4  }
0x20c: {  	v4 =	vor.u32 $0x1, v1;
	[tilespmem:v3+s11+$0x0] =	vst.idx.msk $0xffff, v2;
	v3 =	vld [tilespmem:$0x1FC20];
	_ =	sdelay $0x4  }
0x20d: {  	v2 =	vld.idx.msk [tilespmem:v4+s2+$0x0], $0xffff;
	v3 =	vor.u32 s14, v3;
	_ =	sdelay $0x4  }
0x20e: {  	v4 =	vor.u32 $0x2, v1;
	[tilespmem:v3+s11+$0x0] =	vst.idx.msk $0xffff, v2;
	v3 =	vld [tilespmem:$0x1FC30];
	_ =	sdelay $0x4  }
0x20f: {  	v2 =	vld.idx.msk [tilespmem:v4+s2+$0x0], $0xffff;
	v3 =	vor.u32 s14, v3;
	_ =	sdelay $0x4  }
0x210: {  	v4 =	vor.u32 $0x3, v1;
	[tilespmem:v3+s11+$0x0] =	vst.idx.msk $0xffff, v2;
	v3 =	vld [tilespmem:$0x1FC40];
	_ =	sdelay $0x4  }
0x211: {  	v2 =	vld.idx.msk [tilespmem:v4+s2+$0x0], $0xffff;
	v3 =	vor.u32 s14, v3;
	_ =	sdelay $0x4  }
0x212: {  	v4 =	vor.u32 $0x4, v1;
	[tilespmem:v3+s11+$0x0] =	vst.idx.msk $0xffff, v2;
	v3 =	vld [tilespmem:$0x1FC50];
	_ =	sdelay $0x4  }
0x213: {  	v2 =	vld.idx.msk [tilespmem:v4+s2+$0x0], $0xffff;
	v3 =	vor.u32 s14, v3  }
0x214: {  	v4 =	vor.u32 $0x5, v1;
	_ =	sdelay $0x3  }
0x215: {  	[tilespmem:v3+s11+$0x0] =	vst.idx.msk $0xffff, v2  }
0x216: {  	v3 =	vor.u32 s14, v9;
	v2 =	vld.idx.msk [tilespmem:v4+s2+$0x0], $0xffff  }
0x217: {  	v4 =	vor.u32 $0x6, v1;
	_ =	sdelay $0x3  }
0x218: {  	[tilespmem:v3+s11+$0x0] =	vst.idx.msk $0xffff, v2  }
0x219: {  	v3 =	vor.u32 s14, v10;
	v2 =	vld.idx.msk [tilespmem:v4+s2+$0x0], $0xffff  }
0x21a: {  	v4 =	vor.u32 $0x7, v1;
	_ =	sdelay $0x3  }
0x21b: {  	[tilespmem:v3+s11+$0x0] =	vst.idx.msk $0xffff, v2  }
0x21c: {  	v3 =	vor.u32 s14, v11;
	v2 =	vld.idx.msk [tilespmem:v4+s2+$0x0], $0xffff  }
0x21d: {  	v4 =	vor.u32 $0x8, v1;
	_ =	sdelay $0x3  }
0x21e: {  	[tilespmem:v3+s11+$0x0] =	vst.idx.msk $0xffff, v2  }
0x21f: {  	v3 =	vor.u32 s14, v12;
	v2 =	vld.idx.msk [tilespmem:v4+s2+$0x0], $0xffff  }
0x220: {  	v4 =	vor.u32 $0x9, v1;
	_ =	sdelay $0x3  }
0x221: {  	[tilespmem:v3+s11+$0x0] =	vst.idx.msk $0xffff, v2  }
0x222: {  	v3 =	vor.u32 s14, v13;
	v2 =	vld.idx.msk [tilespmem:v4+s2+$0x0], $0xffff  }
0x223: {  	v4 =	vor.u32 $0xA, v1;
	_ =	sdelay $0x3  }
0x224: {  	[tilespmem:v3+s11+$0x0] =	vst.idx.msk $0xffff, v2  }
0x225: {  	v3 =	vor.u32 s14, v14;
	v2 =	vld.idx.msk [tilespmem:v4+s2+$0x0], $0xffff  }
0x226: {  	v4 =	vor.u32 $0xB, v1;
	_ =	sdelay $0x3  }
0x227: {  	[tilespmem:v3+s11+$0x0] =	vst.idx.msk $0xffff, v2  }
0x228: {  	v3 =	vor.u32 s14, v15;
	v2 =	vld.idx.msk [tilespmem:v4+s2+$0x0], $0xffff  }
0x229: {  	v4 =	vor.u32 $0xC, v1;
	_ =	sdelay $0x3  }
0x22a: {  	[tilespmem:v3+s11+$0x0] =	vst.idx.msk $0xffff, v2  }
0x22b: {  	v3 =	vor.u32 s14, v16;
	v2 =	vld.idx.msk [tilespmem:v4+s2+$0x0], $0xffff  }
0x22c: {  	v4 =	vor.u32 $0xD, v1;
	_ =	sdelay $0x3  }
0x22d: {  	[tilespmem:v3+s11+$0x0] =	vst.idx.msk $0xffff, v2  }
0x22e: {  	v3 =	vor.u32 s14, v17;
	v2 =	vld.idx.msk [tilespmem:v4+s2+$0x0], $0xffff  }
0x22f: {  	v4 =	vor.u32 $0xE, v1;
	_ =	sdelay $0x3  }
0x230: {  	[tilespmem:v3+s11+$0x0] =	vst.idx.msk $0xffff, v2  }
0x231: {  	v3 =	vor.u32 s14, v18;
	v2 =	vld.idx.msk [tilespmem:v4+s2+$0x0], $0xffff  }
0x232: {  	v4 =	vor.u32 $0xF, v1;
	_ =	sdelay $0x3  }
0x233: {  	[tilespmem:v3+s11+$0x0] =	vst.idx.msk $0xffff, v2  }
0x234: {  	v3 =	vor.u32 s14, v0;
	v2 =	vld.idx.msk [tilespmem:v4+s2+$0x0], $0xffff  }
0x235: {  	v4 =	vor.u32 $0x10, v1;
	_ =	sdelay $0x3  }
0x236: {  	[tilespmem:v3+s11+$0x0] =	vst.idx.msk $0xffff, v2  }
0x237: {  	v3 =	vor.u32 s14, v20;
	v2 =	vld.idx.msk [tilespmem:v4+s2+$0x0], $0xffff  }
0x238: {  	v4 =	vor.u32 $0x11, v1;
	_ =	sdelay $0x3  }
0x239: {  	[tilespmem:v3+s11+$0x0] =	vst.idx.msk $0xffff, v2  }
0x23a: {  	v3 =	vor.u32 s14, v21;
	v2 =	vld.idx.msk [tilespmem:v4+s2+$0x0], $0xffff  }
0x23b: {  	v4 =	vor.u32 $0x12, v1;
	_ =	sdelay $0x3  }
0x23c: {  	[tilespmem:v3+s11+$0x0] =	vst.idx.msk $0xffff, v2  }
0x23d: {  	v3 =	vor.u32 s14, v22;
	v2 =	vld.idx.msk [tilespmem:v4+s2+$0x0], $0xffff  }
0x23e: {  	v4 =	vor.u32 $0x13, v1;
	_ =	sdelay $0x3  }
0x23f: {  	[tilespmem:v3+s11+$0x0] =	vst.idx.msk $0xffff, v2  }
0x240: {  	v3 =	vor.u32 s14, v23;
	v2 =	vld.idx.msk [tilespmem:v4+s2+$0x0], $0xffff  }
0x241: {  	v4 =	vor.u32 $0x14, v1;
	_ =	sdelay $0x3  }
0x242: {  	[tilespmem:v3+s11+$0x0] =	vst.idx.msk $0xffff, v2  }
0x243: {  	v3 =	vor.u32 s14, v24;
	v2 =	vld.idx.msk [tilespmem:v4+s2+$0x0], $0xffff  }
0x244: {  	v4 =	vor.u32 $0x15, v1;
	_ =	sdelay $0x3  }
0x245: {  	[tilespmem:v3+s11+$0x0] =	vst.idx.msk $0xffff, v2  }
0x246: {  	v3 =	vor.u32 s14, v25;
	v2 =	vld.idx.msk [tilespmem:v4+s2+$0x0], $0xffff  }
0x247: {  	v4 =	vor.u32 $0x16, v1;
	_ =	sdelay $0x3  }
0x248: {  	[tilespmem:v3+s11+$0x0] =	vst.idx.msk $0xffff, v2  }
0x249: {  	v3 =	vor.u32 s14, v26;
	v2 =	vld.idx.msk [tilespmem:v4+s2+$0x0], $0xffff  }
0x24a: {  	v4 =	vor.u32 $0x17, v1;
	_ =	sdelay $0x3  }
0x24b: {  	[tilespmem:v3+s11+$0x0] =	vst.idx.msk $0xffff, v2  }
0x24c: {  	v3 =	vor.u32 s14, v27;
	v2 =	vld.idx.msk [tilespmem:v4+s2+$0x0], $0xffff  }
0x24d: {  	v4 =	vor.u32 $0x18, v1;
	_ =	sdelay $0x3  }
0x24e: {  	[tilespmem:v3+s11+$0x0] =	vst.idx.msk $0xffff, v2  }
0x24f: {  	v3 =	vor.u32 s14, v28;
	v2 =	vld.idx.msk [tilespmem:v4+s2+$0x0], $0xffff  }
0x250: {  	v4 =	vor.u32 $0x19, v1;
	_ =	sdelay $0x3  }
0x251: {  	[tilespmem:v3+s11+$0x0] =	vst.idx.msk $0xffff, v2  }
0x252: {  	v3 =	vor.u32 s14, v29;
	v2 =	vld.idx.msk [tilespmem:v4+s2+$0x0], $0xffff  }
0x253: {  	v4 =	vor.u32 $0x1A, v1;
	_ =	sdelay $0x3  }
0x254: {  	[tilespmem:v3+s11+$0x0] =	vst.idx.msk $0xffff, v2  }
0x255: {  	v3 =	vor.u32 s14, v30;
	v2 =	vld.idx.msk [tilespmem:v4+s2+$0x0], $0xffff  }
0x256: {  	v4 =	vor.u32 $0x1B, v1;
	_ =	sdelay $0x3  }
0x257: {  	[tilespmem:v3+s11+$0x0] =	vst.idx.msk $0xffff, v2  }
0x258: {  	v3 =	vor.u32 s14, v31;
	v2 =	vld.idx.msk [tilespmem:v4+s2+$0x0], $0xffff  }
0x259: {  	v4 =	vor.u32 $0x1C, v1;
	_ =	sdelay $0x3  }
0x25a: {  	[tilespmem:v3+s11+$0x0] =	vst.idx.msk $0xffff, v2  }
0x25b: {  	v3 =	vor.u32 s14, v32;
	v2 =	vld.idx.msk [tilespmem:v4+s2+$0x0], $0xffff  }
0x25c: {  	v4 =	vor.u32 $0x1D, v1;
	_ =	sdelay $0x3  }
0x25d: {  	[tilespmem:v3+s11+$0x0] =	vst.idx.msk $0xffff, v2  }
0x25e: {  	v3 =	vor.u32 s14, v33;
	v2 =	vld.idx.msk [tilespmem:v4+s2+$0x0], $0xffff  }
0x25f: {  	v4 =	vor.u32 $0x1E, v1;
	_ =	sdelay $0x3  }
0x260: {  	[tilespmem:v3+s11+$0x0] =	vst.idx.msk $0xffff, v2  }
0x261: {  	v3 =	vor.u32 s14, v34;
	v2 =	vld.idx.msk [tilespmem:v4+s2+$0x0], $0xffff  }
0x262: {  	v4 =	vor.u32 $0x1F, v1;
	_ =	sdelay $0x3  }
0x263: {  	[tilespmem:v3+s11+$0x0] =	vst.idx.msk $0xffff, v2  }
0x264: {  	v3 =	vor.u32 s14, v35;
	v2 =	vld.idx.msk [tilespmem:v4+s2+$0x0], $0xffff  }
0x265: {  	v4 =	vor.u32 $0x20, v1;
	_ =	sdelay $0x3  }
0x266: {  	[tilespmem:v3+s11+$0x0] =	vst.idx.msk $0xffff, v2  }
0x267: {  	v3 =	vor.u32 s14, v36;
	v2 =	vld.idx.msk [tilespmem:v4+s2+$0x0], $0xffff  }
0x268: {  	v4 =	vor.u32 $0x21, v1;
	_ =	sdelay $0x3  }
0x269: {  	[tilespmem:v3+s11+$0x0] =	vst.idx.msk $0xffff, v2  }
0x26a: {  	v3 =	vor.u32 s14, v37;
	v2 =	vld.idx.msk [tilespmem:v4+s2+$0x0], $0xffff  }
0x26b: {  	v4 =	vor.u32 $0x22, v1;
	_ =	sdelay $0x3  }
0x26c: {  	[tilespmem:v3+s11+$0x0] =	vst.idx.msk $0xffff, v2  }
0x26d: {  	v3 =	vor.u32 s14, v38;
	v2 =	vld.idx.msk [tilespmem:v4+s2+$0x0], $0xffff  }
0x26e: {  	v4 =	vor.u32 $0x23, v1;
	_ =	sdelay $0x3  }
0x26f: {  	[tilespmem:v3+s11+$0x0] =	vst.idx.msk $0xffff, v2  }
0x270: {  	v3 =	vor.u32 s14, v39;
	v2 =	vld.idx.msk [tilespmem:v4+s2+$0x0], $0xffff  }
0x271: {  	v4 =	vor.u32 $0x24, v1;
	_ =	sdelay $0x3  }
0x272: {  	[tilespmem:v3+s11+$0x0] =	vst.idx.msk $0xffff, v2  }
0x273: {  	v3 =	vor.u32 s14, v40;
	v2 =	vld.idx.msk [tilespmem:v4+s2+$0x0], $0xffff  }
0x274: {  	v4 =	vor.u32 $0x25, v1;
	_ =	sdelay $0x3  }
0x275: {  	[tilespmem:v3+s11+$0x0] =	vst.idx.msk $0xffff, v2  }
0x276: {  	v3 =	vor.u32 s14, v41;
	v2 =	vld.idx.msk [tilespmem:v4+s2+$0x0], $0xffff  }
0x277: {  	v4 =	vor.u32 $0x26, v1;
	_ =	sdelay $0x3  }
0x278: {  	[tilespmem:v3+s11+$0x0] =	vst.idx.msk $0xffff, v2  }
0x279: {  	v3 =	vor.u32 s14, v42;
	v2 =	vld.idx.msk [tilespmem:v4+s2+$0x0], $0xffff  }
0x27a: {  	v4 =	vor.u32 $0x27, v1;
	_ =	sdelay $0x3  }
0x27b: {  	[tilespmem:v3+s11+$0x0] =	vst.idx.msk $0xffff, v2  }
0x27c: {  	v3 =	vor.u32 s14, v43;
	v2 =	vld.idx.msk [tilespmem:v4+s2+$0x0], $0xffff  }
0x27d: {  	v4 =	vor.u32 $0x28, v1;
	_ =	sdelay $0x3  }
0x27e: {  	[tilespmem:v3+s11+$0x0] =	vst.idx.msk $0xffff, v2  }
0x27f: {  	v3 =	vor.u32 s14, v44;
	v2 =	vld.idx.msk [tilespmem:v4+s2+$0x0], $0xffff  }
0x280: {  	v4 =	vor.u32 $0x29, v1;
	_ =	sdelay $0x3  }
0x281: {  	[tilespmem:v3+s11+$0x0] =	vst.idx.msk $0xffff, v2  }
0x282: {  	v3 =	vor.u32 s14, v45;
	v2 =	vld.idx.msk [tilespmem:v4+s2+$0x0], $0xffff  }
0x283: {  	v4 =	vor.u32 $0x2A, v1;
	_ =	sdelay $0x3  }
0x284: {  	[tilespmem:v3+s11+$0x0] =	vst.idx.msk $0xffff, v2  }
0x285: {  	v3 =	vor.u32 s14, v46;
	v2 =	vld.idx.msk [tilespmem:v4+s2+$0x0], $0xffff  }
0x286: {  	v4 =	vor.u32 $0x2B, v1;
	_ =	sdelay $0x3  }
0x287: {  	[tilespmem:v3+s11+$0x0] =	vst.idx.msk $0xffff, v2  }
0x288: {  	v3 =	vor.u32 s14, v47;
	v2 =	vld.idx.msk [tilespmem:v4+s2+$0x0], $0xffff  }
0x289: {  	v4 =	vor.u32 $0x2C, v1;
	_ =	sdelay $0x3  }
0x28a: {  	[tilespmem:v3+s11+$0x0] =	vst.idx.msk $0xffff, v2  }
0x28b: {  	v3 =	vor.u32 s14, v48;
	v2 =	vld.idx.msk [tilespmem:v4+s2+$0x0], $0xffff  }
0x28c: {  	v4 =	vor.u32 $0x2D, v1;
	_ =	sdelay $0x3  }
0x28d: {  	[tilespmem:v3+s11+$0x0] =	vst.idx.msk $0xffff, v2  }
0x28e: {  	v3 =	vor.u32 s14, v49;
	v2 =	vld.idx.msk [tilespmem:v4+s2+$0x0], $0xffff  }
0x28f: {  	v4 =	vor.u32 $0x2E, v1;
	_ =	sdelay $0x3  }
0x290: {  	[tilespmem:v3+s11+$0x0] =	vst.idx.msk $0xffff, v2  }
0x291: {  	v3 =	vor.u32 s14, v50;
	v2 =	vld.idx.msk [tilespmem:v4+s2+$0x0], $0xffff  }
0x292: {  	v4 =	vor.u32 $0x2F, v1;
	_ =	sdelay $0x3  }
0x293: {  	[tilespmem:v3+s11+$0x0] =	vst.idx.msk $0xffff, v2  }
0x294: {  	v3 =	vor.u32 s14, v51;
	v2 =	vld.idx.msk [tilespmem:v4+s2+$0x0], $0xffff  }
0x295: {  	v4 =	vor.u32 $0x30, v1;
	_ =	sdelay $0x3  }
0x296: {  	[tilespmem:v3+s11+$0x0] =	vst.idx.msk $0xffff, v2  }
0x297: {  	v3 =	vor.u32 s14, v52;
	v2 =	vld.idx.msk [tilespmem:v4+s2+$0x0], $0xffff  }
0x298: {  	v4 =	vor.u32 $0x31, v1;
	_ =	sdelay $0x3  }
0x299: {  	[tilespmem:v3+s11+$0x0] =	vst.idx.msk $0xffff, v2  }
0x29a: {  	v3 =	vor.u32 s14, v53;
	v2 =	vld.idx.msk [tilespmem:v4+s2+$0x0], $0xffff  }
0x29b: {  	v4 =	vor.u32 $0x32, v1;
	_ =	sdelay $0x3  }
0x29c: {  	[tilespmem:v3+s11+$0x0] =	vst.idx.msk $0xffff, v2  }
0x29d: {  	v3 =	vor.u32 s14, v54;
	v2 =	vld.idx.msk [tilespmem:v4+s2+$0x0], $0xffff  }
0x29e: {  	v4 =	vor.u32 $0x33, v1;
	_ =	sdelay $0x3  }
0x29f: {  	[tilespmem:v3+s11+$0x0] =	vst.idx.msk $0xffff, v2  }
0x2a0: {  	v3 =	vor.u32 s14, v55;
	v2 =	vld.idx.msk [tilespmem:v4+s2+$0x0], $0xffff  }
0x2a1: {  	v4 =	vor.u32 $0x34, v1;
	_ =	sdelay $0x3  }
0x2a2: {  	[tilespmem:v3+s11+$0x0] =	vst.idx.msk $0xffff, v2  }
0x2a3: {  	v3 =	vor.u32 s14, v56;
	v2 =	vld.idx.msk [tilespmem:v4+s2+$0x0], $0xffff  }
0x2a4: {  	v4 =	vor.u32 $0x35, v1;
	_ =	sdelay $0x3  }
0x2a5: {  	[tilespmem:v3+s11+$0x0] =	vst.idx.msk $0xffff, v2  }
0x2a6: {  	v3 =	vor.u32 s14, v57;
	v2 =	vld.idx.msk [tilespmem:v4+s2+$0x0], $0xffff  }
0x2a7: {  	v4 =	vor.u32 $0x36, v1;
	_ =	sdelay $0x3  }
0x2a8: {  	[tilespmem:v3+s11+$0x0] =	vst.idx.msk $0xffff, v2  }
0x2a9: {  	v3 =	vor.u32 s14, v58;
	v2 =	vld.idx.msk [tilespmem:v4+s2+$0x0], $0xffff  }
0x2aa: {  	v4 =	vor.u32 $0x37, v1;
	_ =	sdelay $0x3  }
0x2ab: {  	[tilespmem:v3+s11+$0x0] =	vst.idx.msk $0xffff, v2  }
0x2ac: {  	v3 =	vor.u32 s14, v59;
	v2 =	vld.idx.msk [tilespmem:v4+s2+$0x0], $0xffff  }
0x2ad: {  	v4 =	vor.u32 $0x38, v1;
	_ =	sdelay $0x3  }
0x2ae: {  	[tilespmem:v3+s11+$0x0] =	vst.idx.msk $0xffff, v2  }
0x2af: {  	v3 =	vor.u32 s14, v60;
	v2 =	vld.idx.msk [tilespmem:v4+s2+$0x0], $0xffff  }
0x2b0: {  	v4 =	vor.u32 $0x39, v1;
	_ =	sdelay $0x3  }
0x2b1: {  	[tilespmem:v3+s11+$0x0] =	vst.idx.msk $0xffff, v2  }
0x2b2: {  	v3 =	vor.u32 s14, v61;
	v2 =	vld.idx.msk [tilespmem:v4+s2+$0x0], $0xffff  }
0x2b3: {  	v4 =	vor.u32 $0x3A, v1;
	_ =	sdelay $0x3  }
0x2b4: {  	[tilespmem:v3+s11+$0x0] =	vst.idx.msk $0xffff, v2  }
0x2b5: {  	v3 =	vor.u32 s14, v62;
	v2 =	vld.idx.msk [tilespmem:v4+s2+$0x0], $0xffff  }
0x2b6: {  	v4 =	vor.u32 $0x3B, v1;
	_ =	sdelay $0x3  }
0x2b7: {  	[tilespmem:v3+s11+$0x0] =	vst.idx.msk $0xffff, v2  }
0x2b8: {  	v3 =	vor.u32 s14, v63;
	v2 =	vld.idx.msk [tilespmem:v4+s2+$0x0], $0xffff  }
0x2b9: {  	v4 =	vor.u32 $0x3C, v1;
	_ =	sdelay $0x3  }
0x2ba: {  	[tilespmem:v3+s11+$0x0] =	vst.idx.msk $0xffff, v2  }
0x2bb: {  	v3 =	vor.u32 s14, v5;
	v2 =	vld.idx.msk [tilespmem:v4+s2+$0x0], $0xffff  }
0x2bc: {  	v4 =	vor.u32 $0x3D, v1;
	_ =	sdelay $0x3  }
0x2bd: {  	[tilespmem:v3+s11+$0x0] =	vst.idx.msk $0xffff, v2  }
0x2be: {  	v3 =	vor.u32 s14, v6;
	v2 =	vld.idx.msk [tilespmem:v4+s2+$0x0], $0xffff  }
0x2bf: {  	v4 =	vor.u32 $0x3E, v1;
	_ =	sdelay $0x3  }
0x2c0: {  	[tilespmem:v3+s11+$0x0] =	vst.idx.msk $0xffff, v2  }
0x2c1: {  	v3 =	vor.u32 s14, v7;
	v2 =	vld.idx.msk [tilespmem:v4+s2+$0x0], $0xffff  }
0x2c2: {  	v1 =	vor.u32 $0x3F, v1;
	_ =	sdelay $0x3  }
0x2c3: {  	[tilespmem:v3+s11+$0x0] =	vst.idx.msk $0xffff, v2  }
0x2c4: {  	p0 =	sne.s32 s14, $0x6C00;
	v2 =	vor.u32 s14, v8;
	v1 =	vld.idx.msk [tilespmem:v1+s2+$0x0], $0xffff  }
.Ltmp2:
0x2c5: {  	_ = 	snop;
	(pc) =	sbr.rel @p0 .LBB2_6-.Ltmp2, $2  }
0x2c6: {  	_ =	sdelay $0x2  }
0x2c7: {  	s15 =	sadd.s32 $0x10, s15;
	s14 =	sadd.s32 $0x400, s14;
	[tilespmem:v2+s11+$0x0] =	vst.idx.msk $0xffff, v1  }
0x2c8: {  	[hbm4b:s7+s2] =	stream.linear.scatter [tilespmem:s11], [sflag:$0x1], $0x7000, $0x38;
	[tilespmem:$0x1E620] =	vst v63  }
0x2c9: {  	_ =	swait.ge [sflag:s10], $0x7000  }
0x2ca: {  	[sflag:s10] =	ssyncset.done $0x0  }
0x2cb: {  	s14 =	simm.s32 $0x7000;
	s15 =	simm.s32 $0x10540;
	[sflag:s10] =	ssyncadd.s32 $0xFFFF9000  }
.LBB2_8:
0x2cc: {  	v1 =	vld [tilespmem:s15+$0x0];
	_ =	sdelay $0x4  }
0x2cd: {  	v1 =	vshll.u32 v1, $0x6;
	_ =	sdelay $0x4  }
0x2ce: {  	v3 =	vor.u32 s14, v19;
	v2 =	vld.idx.msk [tilespmem:v1+s2+$0x0], $0xffff;
	_ =	sdelay $0x4  }
0x2cf: {  	v4 =	vor.u32 $0x1, v1;
	[tilespmem:v3+s11+$0x0] =	vst.idx.msk $0xffff, v2;
	v3 =	vld [tilespmem:$0x1FC20];
	_ =	sdelay $0x4  }
0x2d0: {  	v2 =	vld.idx.msk [tilespmem:v4+s2+$0x0], $0xffff;
	v3 =	vor.u32 s14, v3;
	_ =	sdelay $0x4  }
0x2d1: {  	v4 =	vor.u32 $0x2, v1;
	[tilespmem:v3+s11+$0x0] =	vst.idx.msk $0xffff, v2;
	v3 =	vld [tilespmem:$0x1FC30];
	_ =	sdelay $0x4  }
0x2d2: {  	v2 =	vld.idx.msk [tilespmem:v4+s2+$0x0], $0xffff;
	v3 =	vor.u32 s14, v3;
	_ =	sdelay $0x4  }
0x2d3: {  	v4 =	vor.u32 $0x3, v1;
	[tilespmem:v3+s11+$0x0] =	vst.idx.msk $0xffff, v2;
	v3 =	vld [tilespmem:$0x1FC40];
	_ =	sdelay $0x4  }
0x2d4: {  	v2 =	vld.idx.msk [tilespmem:v4+s2+$0x0], $0xffff;
	v3 =	vor.u32 s14, v3;
	_ =	sdelay $0x4  }
0x2d5: {  	v4 =	vor.u32 $0x4, v1;
	[tilespmem:v3+s11+$0x0] =	vst.idx.msk $0xffff, v2;
	v3 =	vld [tilespmem:$0x1FC50];
	_ =	sdelay $0x4  }
0x2d6: {  	v2 =	vld.idx.msk [tilespmem:v4+s2+$0x0], $0xffff;
	v3 =	vor.u32 s14, v3  }
0x2d7: {  	v4 =	vor.u32 $0x5, v1;
	_ =	sdelay $0x3  }
0x2d8: {  	[tilespmem:v3+s11+$0x0] =	vst.idx.msk $0xffff, v2  }
0x2d9: {  	v3 =	vor.u32 s14, v9;
	v2 =	vld.idx.msk [tilespmem:v4+s2+$0x0], $0xffff  }
0x2da: {  	v4 =	vor.u32 $0x6, v1;
	_ =	sdelay $0x3  }
0x2db: {  	[tilespmem:v3+s11+$0x0] =	vst.idx.msk $0xffff, v2  }
0x2dc: {  	v3 =	vor.u32 s14, v10;
	v2 =	vld.idx.msk [tilespmem:v4+s2+$0x0], $0xffff  }
0x2dd: {  	v4 =	vor.u32 $0x7, v1;
	_ =	sdelay $0x3  }
0x2de: {  	[tilespmem:v3+s11+$0x0] =	vst.idx.msk $0xffff, v2  }
0x2df: {  	v3 =	vor.u32 s14, v11;
	v2 =	vld.idx.msk [tilespmem:v4+s2+$0x0], $0xffff  }
0x2e0: {  	v4 =	vor.u32 $0x8, v1;
	_ =	sdelay $0x3  }
0x2e1: {  	[tilespmem:v3+s11+$0x0] =	vst.idx.msk $0xffff, v2  }
0x2e2: {  	v3 =	vor.u32 s14, v12;
	v2 =	vld.idx.msk [tilespmem:v4+s2+$0x0], $0xffff  }
0x2e3: {  	v4 =	vor.u32 $0x9, v1;
	_ =	sdelay $0x3  }
0x2e4: {  	[tilespmem:v3+s11+$0x0] =	vst.idx.msk $0xffff, v2  }
0x2e5: {  	v3 =	vor.u32 s14, v13;
	v2 =	vld.idx.msk [tilespmem:v4+s2+$0x0], $0xffff  }
0x2e6: {  	v4 =	vor.u32 $0xA, v1;
	_ =	sdelay $0x3  }
0x2e7: {  	[tilespmem:v3+s11+$0x0] =	vst.idx.msk $0xffff, v2  }
0x2e8: {  	v3 =	vor.u32 s14, v14;
	v2 =	vld.idx.msk [tilespmem:v4+s2+$0x0], $0xffff  }
0x2e9: {  	v4 =	vor.u32 $0xB, v1;
	_ =	sdelay $0x3  }
0x2ea: {  	[tilespmem:v3+s11+$0x0] =	vst.idx.msk $0xffff, v2  }
0x2eb: {  	v3 =	vor.u32 s14, v15;
	v2 =	vld.idx.msk [tilespmem:v4+s2+$0x0], $0xffff  }
0x2ec: {  	v4 =	vor.u32 $0xC, v1;
	_ =	sdelay $0x3  }
0x2ed: {  	[tilespmem:v3+s11+$0x0] =	vst.idx.msk $0xffff, v2  }
0x2ee: {  	v3 =	vor.u32 s14, v16;
	v2 =	vld.idx.msk [tilespmem:v4+s2+$0x0], $0xffff  }
0x2ef: {  	v4 =	vor.u32 $0xD, v1;
	_ =	sdelay $0x3  }
0x2f0: {  	[tilespmem:v3+s11+$0x0] =	vst.idx.msk $0xffff, v2  }
0x2f1: {  	v3 =	vor.u32 s14, v17;
	v2 =	vld.idx.msk [tilespmem:v4+s2+$0x0], $0xffff  }
0x2f2: {  	v4 =	vor.u32 $0xE, v1;
	_ =	sdelay $0x3  }
0x2f3: {  	[tilespmem:v3+s11+$0x0] =	vst.idx.msk $0xffff, v2  }
0x2f4: {  	v3 =	vor.u32 s14, v18;
	v2 =	vld.idx.msk [tilespmem:v4+s2+$0x0], $0xffff  }
0x2f5: {  	v4 =	vor.u32 $0xF, v1;
	_ =	sdelay $0x3  }
0x2f6: {  	[tilespmem:v3+s11+$0x0] =	vst.idx.msk $0xffff, v2  }
0x2f7: {  	v3 =	vor.u32 s14, v0;
	v2 =	vld.idx.msk [tilespmem:v4+s2+$0x0], $0xffff  }
0x2f8: {  	v4 =	vor.u32 $0x10, v1;
	_ =	sdelay $0x3  }
0x2f9: {  	[tilespmem:v3+s11+$0x0] =	vst.idx.msk $0xffff, v2  }
0x2fa: {  	v3 =	vor.u32 s14, v20;
	v2 =	vld.idx.msk [tilespmem:v4+s2+$0x0], $0xffff  }
0x2fb: {  	v4 =	vor.u32 $0x11, v1;
	_ =	sdelay $0x3  }
0x2fc: {  	[tilespmem:v3+s11+$0x0] =	vst.idx.msk $0xffff, v2  }
0x2fd: {  	v3 =	vor.u32 s14, v21;
	v2 =	vld.idx.msk [tilespmem:v4+s2+$0x0], $0xffff  }
0x2fe: {  	v4 =	vor.u32 $0x12, v1;
	_ =	sdelay $0x3  }
0x2ff: {  	[tilespmem:v3+s11+$0x0] =	vst.idx.msk $0xffff, v2  }
0x300: {  	v3 =	vor.u32 s14, v22;
	v2 =	vld.idx.msk [tilespmem:v4+s2+$0x0], $0xffff  }
0x301: {  	v4 =	vor.u32 $0x13, v1;
	_ =	sdelay $0x3  }
0x302: {  	[tilespmem:v3+s11+$0x0] =	vst.idx.msk $0xffff, v2  }
0x303: {  	v3 =	vor.u32 s14, v23;
	v2 =	vld.idx.msk [tilespmem:v4+s2+$0x0], $0xffff  }
0x304: {  	v4 =	vor.u32 $0x14, v1;
	_ =	sdelay $0x3  }
0x305: {  	[tilespmem:v3+s11+$0x0] =	vst.idx.msk $0xffff, v2  }
0x306: {  	v3 =	vor.u32 s14, v24;
	v2 =	vld.idx.msk [tilespmem:v4+s2+$0x0], $0xffff  }
0x307: {  	v4 =	vor.u32 $0x15, v1;
	_ =	sdelay $0x3  }
0x308: {  	[tilespmem:v3+s11+$0x0] =	vst.idx.msk $0xffff, v2  }
0x309: {  	v3 =	vor.u32 s14, v25;
	v2 =	vld.idx.msk [tilespmem:v4+s2+$0x0], $0xffff  }
0x30a: {  	v4 =	vor.u32 $0x16, v1;
	_ =	sdelay $0x3  }
0x30b: {  	[tilespmem:v3+s11+$0x0] =	vst.idx.msk $0xffff, v2  }
0x30c: {  	v3 =	vor.u32 s14, v26;
	v2 =	vld.idx.msk [tilespmem:v4+s2+$0x0], $0xffff  }
0x30d: {  	v4 =	vor.u32 $0x17, v1;
	_ =	sdelay $0x3  }
0x30e: {  	[tilespmem:v3+s11+$0x0] =	vst.idx.msk $0xffff, v2  }
0x30f: {  	v3 =	vor.u32 s14, v27;
	v2 =	vld.idx.msk [tilespmem:v4+s2+$0x0], $0xffff  }
0x310: {  	v4 =	vor.u32 $0x18, v1;
	_ =	sdelay $0x3  }
0x311: {  	[tilespmem:v3+s11+$0x0] =	vst.idx.msk $0xffff, v2  }
0x312: {  	v3 =	vor.u32 s14, v28;
	v2 =	vld.idx.msk [tilespmem:v4+s2+$0x0], $0xffff  }
0x313: {  	v4 =	vor.u32 $0x19, v1;
	_ =	sdelay $0x3  }
0x314: {  	[tilespmem:v3+s11+$0x0] =	vst.idx.msk $0xffff, v2  }
0x315: {  	v3 =	vor.u32 s14, v29;
	v2 =	vld.idx.msk [tilespmem:v4+s2+$0x0], $0xffff  }
0x316: {  	v4 =	vor.u32 $0x1A, v1;
	_ =	sdelay $0x3  }
0x317: {  	[tilespmem:v3+s11+$0x0] =	vst.idx.msk $0xffff, v2  }
0x318: {  	v3 =	vor.u32 s14, v30;
	v2 =	vld.idx.msk [tilespmem:v4+s2+$0x0], $0xffff  }
0x319: {  	v4 =	vor.u32 $0x1B, v1;
	_ =	sdelay $0x3  }
0x31a: {  	[tilespmem:v3+s11+$0x0] =	vst.idx.msk $0xffff, v2  }
0x31b: {  	v3 =	vor.u32 s14, v31;
	v2 =	vld.idx.msk [tilespmem:v4+s2+$0x0], $0xffff  }
0x31c: {  	v4 =	vor.u32 $0x1C, v1;
	_ =	sdelay $0x3  }
0x31d: {  	[tilespmem:v3+s11+$0x0] =	vst.idx.msk $0xffff, v2  }
0x31e: {  	v3 =	vor.u32 s14, v32;
	v2 =	vld.idx.msk [tilespmem:v4+s2+$0x0], $0xffff  }
0x31f: {  	v4 =	vor.u32 $0x1D, v1;
	_ =	sdelay $0x3  }
0x320: {  	[tilespmem:v3+s11+$0x0] =	vst.idx.msk $0xffff, v2  }
0x321: {  	v3 =	vor.u32 s14, v33;
	v2 =	vld.idx.msk [tilespmem:v4+s2+$0x0], $0xffff  }
0x322: {  	v4 =	vor.u32 $0x1E, v1;
	_ =	sdelay $0x3  }
0x323: {  	[tilespmem:v3+s11+$0x0] =	vst.idx.msk $0xffff, v2  }
0x324: {  	v3 =	vor.u32 s14, v34;
	v2 =	vld.idx.msk [tilespmem:v4+s2+$0x0], $0xffff  }
0x325: {  	v4 =	vor.u32 $0x1F, v1;
	_ =	sdelay $0x3  }
0x326: {  	[tilespmem:v3+s11+$0x0] =	vst.idx.msk $0xffff, v2  }
0x327: {  	v3 =	vor.u32 s14, v35;
	v2 =	vld.idx.msk [tilespmem:v4+s2+$0x0], $0xffff  }
0x328: {  	v4 =	vor.u32 $0x20, v1;
	_ =	sdelay $0x3  }
0x329: {  	[tilespmem:v3+s11+$0x0] =	vst.idx.msk $0xffff, v2  }
0x32a: {  	v3 =	vor.u32 s14, v36;
	v2 =	vld.idx.msk [tilespmem:v4+s2+$0x0], $0xffff  }
0x32b: {  	v4 =	vor.u32 $0x21, v1;
	_ =	sdelay $0x3  }
0x32c: {  	[tilespmem:v3+s11+$0x0] =	vst.idx.msk $0xffff, v2  }
0x32d: {  	v3 =	vor.u32 s14, v37;
	v2 =	vld.idx.msk [tilespmem:v4+s2+$0x0], $0xffff  }
0x32e: {  	v4 =	vor.u32 $0x22, v1;
	_ =	sdelay $0x3  }
0x32f: {  	[tilespmem:v3+s11+$0x0] =	vst.idx.msk $0xffff, v2  }
0x330: {  	v3 =	vor.u32 s14, v38;
	v2 =	vld.idx.msk [tilespmem:v4+s2+$0x0], $0xffff  }
0x331: {  	v4 =	vor.u32 $0x23, v1;
	_ =	sdelay $0x3  }
0x332: {  	[tilespmem:v3+s11+$0x0] =	vst.idx.msk $0xffff, v2  }
0x333: {  	v3 =	vor.u32 s14, v39;
	v2 =	vld.idx.msk [tilespmem:v4+s2+$0x0], $0xffff  }
0x334: {  	v4 =	vor.u32 $0x24, v1;
	_ =	sdelay $0x3  }
0x335: {  	[tilespmem:v3+s11+$0x0] =	vst.idx.msk $0xffff, v2  }
0x336: {  	v3 =	vor.u32 s14, v40;
	v2 =	vld.idx.msk [tilespmem:v4+s2+$0x0], $0xffff  }
0x337: {  	v4 =	vor.u32 $0x25, v1;
	_ =	sdelay $0x3  }
0x338: {  	[tilespmem:v3+s11+$0x0] =	vst.idx.msk $0xffff, v2  }
0x339: {  	v3 =	vor.u32 s14, v41;
	v2 =	vld.idx.msk [tilespmem:v4+s2+$0x0], $0xffff  }
0x33a: {  	v4 =	vor.u32 $0x26, v1;
	_ =	sdelay $0x3  }
0x33b: {  	[tilespmem:v3+s11+$0x0] =	vst.idx.msk $0xffff, v2  }
0x33c: {  	v3 =	vor.u32 s14, v42;
	v2 =	vld.idx.msk [tilespmem:v4+s2+$0x0], $0xffff  }
0x33d: {  	v4 =	vor.u32 $0x27, v1;
	_ =	sdelay $0x3  }
0x33e: {  	[tilespmem:v3+s11+$0x0] =	vst.idx.msk $0xffff, v2  }
0x33f: {  	v3 =	vor.u32 s14, v43;
	v2 =	vld.idx.msk [tilespmem:v4+s2+$0x0], $0xffff  }
0x340: {  	v4 =	vor.u32 $0x28, v1;
	_ =	sdelay $0x3  }
0x341: {  	[tilespmem:v3+s11+$0x0] =	vst.idx.msk $0xffff, v2  }
0x342: {  	v3 =	vor.u32 s14, v44;
	v2 =	vld.idx.msk [tilespmem:v4+s2+$0x0], $0xffff  }
0x343: {  	v4 =	vor.u32 $0x29, v1;
	_ =	sdelay $0x3  }
0x344: {  	[tilespmem:v3+s11+$0x0] =	vst.idx.msk $0xffff, v2  }
0x345: {  	v3 =	vor.u32 s14, v45;
	v2 =	vld.idx.msk [tilespmem:v4+s2+$0x0], $0xffff  }
0x346: {  	v4 =	vor.u32 $0x2A, v1;
	_ =	sdelay $0x3  }
0x347: {  	[tilespmem:v3+s11+$0x0] =	vst.idx.msk $0xffff, v2  }
0x348: {  	v3 =	vor.u32 s14, v46;
	v2 =	vld.idx.msk [tilespmem:v4+s2+$0x0], $0xffff  }
0x349: {  	v4 =	vor.u32 $0x2B, v1;
	_ =	sdelay $0x3  }
0x34a: {  	[tilespmem:v3+s11+$0x0] =	vst.idx.msk $0xffff, v2  }
0x34b: {  	v3 =	vor.u32 s14, v47;
	v2 =	vld.idx.msk [tilespmem:v4+s2+$0x0], $0xffff  }
0x34c: {  	v4 =	vor.u32 $0x2C, v1;
	_ =	sdelay $0x3  }
0x34d: {  	[tilespmem:v3+s11+$0x0] =	vst.idx.msk $0xffff, v2  }
0x34e: {  	v3 =	vor.u32 s14, v48;
	v2 =	vld.idx.msk [tilespmem:v4+s2+$0x0], $0xffff  }
0x34f: {  	v4 =	vor.u32 $0x2D, v1;
	_ =	sdelay $0x3  }
0x350: {  	[tilespmem:v3+s11+$0x0] =	vst.idx.msk $0xffff, v2  }
0x351: {  	v3 =	vor.u32 s14, v49;
	v2 =	vld.idx.msk [tilespmem:v4+s2+$0x0], $0xffff  }
0x352: {  	v4 =	vor.u32 $0x2E, v1;
	_ =	sdelay $0x3  }
0x353: {  	[tilespmem:v3+s11+$0x0] =	vst.idx.msk $0xffff, v2  }
0x354: {  	v3 =	vor.u32 s14, v50;
	v2 =	vld.idx.msk [tilespmem:v4+s2+$0x0], $0xffff  }
0x355: {  	v4 =	vor.u32 $0x2F, v1;
	_ =	sdelay $0x3  }
0x356: {  	[tilespmem:v3+s11+$0x0] =	vst.idx.msk $0xffff, v2  }
0x357: {  	v3 =	vor.u32 s14, v51;
	v2 =	vld.idx.msk [tilespmem:v4+s2+$0x0], $0xffff  }
0x358: {  	v4 =	vor.u32 $0x30, v1;
	_ =	sdelay $0x3  }
0x359: {  	[tilespmem:v3+s11+$0x0] =	vst.idx.msk $0xffff, v2  }
0x35a: {  	v3 =	vor.u32 s14, v52;
	v2 =	vld.idx.msk [tilespmem:v4+s2+$0x0], $0xffff  }
0x35b: {  	v4 =	vor.u32 $0x31, v1;
	_ =	sdelay $0x3  }
0x35c: {  	[tilespmem:v3+s11+$0x0] =	vst.idx.msk $0xffff, v2  }
0x35d: {  	v3 =	vor.u32 s14, v53;
	v2 =	vld.idx.msk [tilespmem:v4+s2+$0x0], $0xffff  }
0x35e: {  	v4 =	vor.u32 $0x32, v1;
	_ =	sdelay $0x3  }
0x35f: {  	[tilespmem:v3+s11+$0x0] =	vst.idx.msk $0xffff, v2  }
0x360: {  	v3 =	vor.u32 s14, v54;
	v2 =	vld.idx.msk [tilespmem:v4+s2+$0x0], $0xffff  }
0x361: {  	v4 =	vor.u32 $0x33, v1;
	_ =	sdelay $0x3  }
0x362: {  	[tilespmem:v3+s11+$0x0] =	vst.idx.msk $0xffff, v2  }
0x363: {  	v3 =	vor.u32 s14, v55;
	v2 =	vld.idx.msk [tilespmem:v4+s2+$0x0], $0xffff  }
0x364: {  	v4 =	vor.u32 $0x34, v1;
	_ =	sdelay $0x3  }
0x365: {  	[tilespmem:v3+s11+$0x0] =	vst.idx.msk $0xffff, v2  }
0x366: {  	v3 =	vor.u32 s14, v56;
	v2 =	vld.idx.msk [tilespmem:v4+s2+$0x0], $0xffff  }
0x367: {  	v4 =	vor.u32 $0x35, v1;
	_ =	sdelay $0x3  }
0x368: {  	[tilespmem:v3+s11+$0x0] =	vst.idx.msk $0xffff, v2  }
0x369: {  	v3 =	vor.u32 s14, v57;
	v2 =	vld.idx.msk [tilespmem:v4+s2+$0x0], $0xffff  }
0x36a: {  	v4 =	vor.u32 $0x36, v1;
	_ =	sdelay $0x3  }
0x36b: {  	[tilespmem:v3+s11+$0x0] =	vst.idx.msk $0xffff, v2  }
0x36c: {  	v3 =	vor.u32 s14, v58;
	v2 =	vld.idx.msk [tilespmem:v4+s2+$0x0], $0xffff  }
0x36d: {  	v4 =	vor.u32 $0x37, v1;
	_ =	sdelay $0x3  }
0x36e: {  	[tilespmem:v3+s11+$0x0] =	vst.idx.msk $0xffff, v2  }
0x36f: {  	v3 =	vor.u32 s14, v59;
	v2 =	vld.idx.msk [tilespmem:v4+s2+$0x0], $0xffff  }
0x370: {  	v4 =	vor.u32 $0x38, v1;
	_ =	sdelay $0x3  }
0x371: {  	[tilespmem:v3+s11+$0x0] =	vst.idx.msk $0xffff, v2  }
0x372: {  	v3 =	vor.u32 s14, v60;
	v2 =	vld.idx.msk [tilespmem:v4+s2+$0x0], $0xffff  }
0x373: {  	v4 =	vor.u32 $0x39, v1;
	_ =	sdelay $0x3  }
0x374: {  	[tilespmem:v3+s11+$0x0] =	vst.idx.msk $0xffff, v2  }
0x375: {  	v3 =	vor.u32 s14, v61;
	v2 =	vld.idx.msk [tilespmem:v4+s2+$0x0], $0xffff  }
0x376: {  	v4 =	vor.u32 $0x3A, v1;
	_ =	sdelay $0x3  }
0x377: {  	[tilespmem:v3+s11+$0x0] =	vst.idx.msk $0xffff, v2  }
0x378: {  	v3 =	vor.u32 s14, v62;
	v2 =	vld.idx.msk [tilespmem:v4+s2+$0x0], $0xffff  }
0x379: {  	v4 =	vor.u32 $0x3B, v1;
	_ =	sdelay $0x3  }
0x37a: {  	[tilespmem:v3+s11+$0x0] =	vst.idx.msk $0xffff, v2  }
0x37b: {  	v3 =	vor.u32 s14, v63;
	v2 =	vld.idx.msk [tilespmem:v4+s2+$0x0], $0xffff  }
0x37c: {  	v4 =	vor.u32 $0x3C, v1;
	_ =	sdelay $0x3  }
0x37d: {  	[tilespmem:v3+s11+$0x0] =	vst.idx.msk $0xffff, v2  }
0x37e: {  	v3 =	vor.u32 s14, v5;
	v2 =	vld.idx.msk [tilespmem:v4+s2+$0x0], $0xffff  }
0x37f: {  	v4 =	vor.u32 $0x3D, v1;
	_ =	sdelay $0x3  }
0x380: {  	[tilespmem:v3+s11+$0x0] =	vst.idx.msk $0xffff, v2  }
0x381: {  	v3 =	vor.u32 s14, v6;
	v2 =	vld.idx.msk [tilespmem:v4+s2+$0x0], $0xffff  }
0x382: {  	v4 =	vor.u32 $0x3E, v1;
	_ =	sdelay $0x3  }
0x383: {  	[tilespmem:v3+s11+$0x0] =	vst.idx.msk $0xffff, v2  }
0x384: {  	v3 =	vor.u32 s14, v7;
	v2 =	vld.idx.msk [tilespmem:v4+s2+$0x0], $0xffff  }
0x385: {  	v1 =	vor.u32 $0x3F, v1;
	_ =	sdelay $0x3  }
0x386: {  	[tilespmem:v3+s11+$0x0] =	vst.idx.msk $0xffff, v2  }
0x387: {  	p0 =	sne.s32 s14, $0xA400;
	v2 =	vor.u32 s14, v8;
	v1 =	vld.idx.msk [tilespmem:v1+s2+$0x0], $0xffff  }
.Ltmp3:
0x388: {  	_ = 	snop;
	(pc) =	sbr.rel @p0 .LBB2_8-.Ltmp3, $2  }
0x389: {  	_ =	sdelay $0x2  }
0x38a: {  	s15 =	sadd.s32 $0x10, s15;
	s14 =	sadd.s32 $0x400, s14;
	[tilespmem:v2+s11+$0x0] =	vst.idx.msk $0xffff, v1  }
0x38b: {  	s13 =	sadd.s32 $0x1, s13  }
0x38c: {  	p0 =	sne.s32 s13, s9  }
.Ltmp4:
0x38d: {  	_ = 	snop;
	(pc) =	sbr.rel @p0 .LBB2_1-.Ltmp4, $4  }
0x38e: {  	[hbm4b:s8+s2] =	stream.linear.scatter [tilespmem:s12], [sflag:$0x1], $0x3800, $0x38;
	[tilespmem:$0x1E620] =	vst v63  }
0x38f: {  	_ =	swait.ge [sflag:s10], $0x3800  }
0x390: {  	[sflag:s10] =	ssyncset.done $0x0  }
0x391: {  	v4 =	vmov v7;
	v3 =	vmov v19;
	[sflag:s10] =	ssyncadd.s32 $0xFFFFC800  }
0x392: {  	_ =	sfence.sel $0x180000  }
0x393: {  	[bflag:$0x0] =	sbarrier.arrive $0xFFFF  }
0x394: {  	p0 =	sne.s32 s0, $0x0;
	_ =	strace $0x90000047  }
0x395: {  	s0 =	sadd.s32 @!p0 $0x100000, s1;
	[bflag:$0x2] =	sbarrier.arrive $0xFFFF  }
0x396: {  	[sflag:s0] =	ssyncadd.tile.s32 @!p0 $0x1;
	_ =	shalt  }
.Lfunc_end2:
_tile_overlayer_lowered:
.L_overlay_start_2:
0x397: {  	(tag) =	ssettag $0x2  }
0x398: {  	s0 =	rddreg [dreg:$0x0];
	s2 =	stileid.u32  }
0x399: {  	s1 =	rddreg [dreg:$0x1];
	p0 =	sne.s32 s2, $0x0  }
0x39a: {  	s3 =	rddreg [dreg:$0x2];
	[bflag:$0x3] =	sbarrier.arrive $0xFFFF;
	s2 =	simm.s32 @!p0 $0x1C01  }
0x39b: {  	[timem:s3], [sflag:s2] =	dma.local @!p0 [hbm:s0], s1  }
0x39c: {  	s0 =	simm.s32 @!p0 $0x1  }
0x39d: {  	_ =	swait.ge @!p0 [sflag:s0], s1  }
0x39e: {  	s1 =	ssub.s32 @!p0 $0x0, s1;
	[sflag:s0] =	ssyncset.done @!p0 $0x0  }
0x39f: {  	[sflag:s0] =	ssyncadd.s32 @!p0 s1  }
0x3a0: {  	[bflag:$0x3] =	sbarrier.arrive $0xFFFF  }
0x3a1: {  	_ =	shalt  }

</sc_bundles>
